<compile_context>
chip_gen: v7x
topology: tpu7x:2x2x1
jax: 0.10.2.dev20260603
libtpu: 0.0.44.dev20260713+nightly
codegen_flags: <defaults>
</compile_context>

<pallas_src>
import functools

import jax
import jax.numpy as jnp
from jax import lax
from jax.experimental import pallas as pl
from jax.experimental.pallas import tpu as pltpu
from jax.experimental.pallas import tpu_sc as plsc

_B, _S, _D = 4, 4096, 768
_DFF = 3072
_EPS = 1e-05
_K = _S // 2

_RB = 4096
_TB = 512

_NC, _NS = 2, 16
_SPT = 2 * _K // _NS
_GC = 64
_CPT = 2 * _S // _NS


def _wvo_body(wv_ref, wo_ref, out_ref):
    out_ref[...] = jnp.dot(wv_ref[...], wo_ref[...],
                           preferred_element_type=jnp.float32)


def _router_body(x_ref, rw_ref, rb_ref, w_ref):
    logits = jnp.dot(x_ref[...], rw_ref[...],
                     preferred_element_type=jnp.float32)
    w_ref[...] = jax.nn.sigmoid(logits + rb_ref[0])


def _thr_body(w_ref, thr_ref):
    bits = lax.bitcast_convert_type(w_ref[...], jnp.int32)

    def body(_, carry):
        lo, hi = carry
        mid = lo + (hi - lo) // 2
        cnt = jnp.sum((bits >= mid).astype(jnp.int32), axis=1, keepdims=True)
        ge = cnt >= _K
        return jnp.where(ge, mid, lo), jnp.where(ge, hi, mid)

    lo0 = jnp.zeros((_B, 1), jnp.int32)
    hi0 = jnp.full((_B, 1), 0x7F800000, jnp.int32)
    lo, _ = lax.fori_loop(0, 31, body, (lo0, hi0))
    thr = lax.bitcast_convert_type(lo, jnp.float32)
    thr_ref[...] = jnp.broadcast_to(thr, (_B, 128))


def _sel_body(x_ref, wvo_ref, g1_ref, g2_ref, wg_ref, wu_ref, wd_ref, out_ref):
    x = x_ref[...]
    n1 = x * lax.rsqrt(jnp.mean(x * x, axis=-1, keepdims=True) + _EPS)
    n1 = n1 * g1_ref[...]
    attn = jnp.dot(n1, wvo_ref[...], preferred_element_type=jnp.float32)
    resid = x + attn
    n2 = resid * lax.rsqrt(
        jnp.mean(resid * resid, axis=-1, keepdims=True) + _EPS)
    n2 = n2 * g2_ref[...]
    a = jnp.dot(n2, wg_ref[...], preferred_element_type=jnp.float32)
    b = jnp.dot(n2, wu_ref[...], preferred_element_type=jnp.float32)
    h = jax.nn.silu(a) * b
    ffn = jnp.dot(h, wd_ref[...], preferred_element_type=jnp.float32)
    out_ref[...] = resid + ffn


def _sc_gather_body(w_hbm, thr_hbm, x_hbm, idx_hbm, xg_hbm,
                    w_v, thr_v, cidx_v, sidx_v, ring_v, sem):
    c = lax.axis_index("c")
    s = lax.axis_index("s")

    b = 2 * c + (s % 2)
    pltpu.sync_copy(w_hbm.at[b], w_v)
    pltpu.sync_copy(thr_hbm.at[pl.ds(b * 16, 16)], thr_v)
    thrv = thr_v[...]
    base = b * _S

    def body(i, off):
        wv = w_v[pl.ds(i * 16, 16)]
        m = wv >= thrv
        mi = m.astype(jnp.int32)
        pos = plsc.cumsum(mi)
        ids = lax.iota(jnp.int32, 16) + (base + i * 16)
        tgt = jnp.where(m, off + pos - 1, _S + 8)
        plsc.store_scatter(cidx_v, [tgt], ids)
        return off + jnp.sum(mi, axis=0)

    lax.fori_loop(0, _S // 16, body, jnp.int32(0))

    @pl.when(s < 2)
    def _publish():
        pltpu.sync_copy(cidx_v.at[pl.ds(0, _K)],
                        idx_hbm.at[pl.ds(b * _K, _K)])

    plsc.subcore_barrier()

    slot0 = c * (2 * _K) + s * _SPT
    for g in range(_SPT // _GC):
        pltpu.sync_copy(idx_hbm.at[pl.ds(slot0 + g * _GC, _GC)],
                        sidx_v.at[g])
    for g in range(_SPT // _GC):
        buf = ring_v.at[g % 2]
        pltpu.async_copy(x_hbm.at[sidx_v.at[g]], buf, sem).wait()
        pltpu.sync_copy(buf, xg_hbm.at[pl.ds(slot0 + g * _GC, _GC)])


def _sc_merge_body(x_hbm, comp_hbm, idx_hbm, out_hbm,
                   sidx_v, ring_v, sem, sem2):
    c = lax.axis_index("c")
    s = lax.axis_index("s")

    r0 = c * (2 * _S) + s * _CPT
    nchunks = _CPT // _GC
    cp_in = pltpu.async_copy(x_hbm.at[pl.ds(r0, _GC)], ring_v.at[0], sem)
    cp_out = None
    for g in range(nchunks):
        cp_in.wait()
        if cp_out is not None:
            cp_out.wait()
        if g + 1 < nchunks:
            cp_in = pltpu.async_copy(
                x_hbm.at[pl.ds(r0 + (g + 1) * _GC, _GC)],
                ring_v.at[(g + 1) % 2], sem)
        cp_out = pltpu.async_copy(
            ring_v.at[g % 2], out_hbm.at[pl.ds(r0 + g * _GC, _GC)], sem2)
    cp_out.wait()

    plsc.subcore_barrier()

    slot0 = c * (2 * _K) + s * _SPT
    for g in range(_SPT // _GC):
        pltpu.sync_copy(idx_hbm.at[pl.ds(slot0 + g * _GC, _GC)],
                        sidx_v.at[g])
    for g in range(_SPT // _GC):
        buf = ring_v.at[g % 2]
        pltpu.sync_copy(comp_hbm.at[pl.ds(slot0 + g * _GC, _GC)], buf)
        pltpu.async_copy(buf, out_hbm.at[sidx_v.at[g]], sem).wait()


_sc_mesh = plsc.VectorSubcoreMesh(core_axis_name="c", subcore_axis_name="s")

_sc_gather = functools.partial(
    pl.kernel,
    out_type=(jax.ShapeDtypeStruct((_B * _K,), jnp.int32),
              jax.ShapeDtypeStruct((_B * _K, _D), jnp.float32)),
    mesh=_sc_mesh,
    compiler_params=pltpu.CompilerParams(needs_layout_passes=False),
    scratch_types=[
        pltpu.VMEM((_S,), jnp.float32),
        pltpu.VMEM((16,), jnp.float32),
        pltpu.VMEM((_S + 32,), jnp.int32),
        pltpu.VMEM((_SPT // _GC, _GC), jnp.int32),
        pltpu.VMEM((2, _GC, _D), jnp.float32),
        pltpu.SemaphoreType.DMA,
    ],
)(_sc_gather_body)

_sc_merge = functools.partial(
    pl.kernel,
    out_type=jax.ShapeDtypeStruct((_B * _S, _D), jnp.float32),
    mesh=_sc_mesh,
    scratch_types=[
        pltpu.VMEM((_SPT // _GC, _GC), jnp.int32),
        pltpu.VMEM((2, _GC, _D), jnp.float32),
        pltpu.SemaphoreType.DMA,
        pltpu.SemaphoreType.DMA,
    ],
)(_sc_merge_body)


def kernel(hidden_states, router_w, router_b, wq, wk, wv, wo, g1, g2, wg, wu, wd):
    del wq, wk
    x = hidden_states

    wvo = pl.pallas_call(
        _wvo_body,
        out_shape=jax.ShapeDtypeStruct((_D, _D), jnp.float32),
    )(wv, wo)

    xf = x.reshape(_B * _S, _D)
    weights = pl.pallas_call(
        _router_body,
        grid=(_B * _S // _RB,),
        in_specs=[
            pl.BlockSpec((_RB, _D), lambda i: (i, 0)),
            pl.BlockSpec((_D, 1), lambda i: (0, 0)),
            pl.BlockSpec(memory_space=pltpu.SMEM),
        ],
        out_specs=pl.BlockSpec((_RB, 1), lambda i: (i, 0)),
        out_shape=jax.ShapeDtypeStruct((_B * _S, 1), jnp.float32),
    )(xf, router_w, router_b)

    thr = pl.pallas_call(
        _thr_body,
        out_shape=jax.ShapeDtypeStruct((_B, 128), jnp.float32),
    )(weights.reshape(_B, _S))
    thr16 = thr[:, 0:16].reshape(_B * 16)

    gidx, xg = _sc_gather(weights.reshape(_B, _S), thr16, xf)

    computed = pl.pallas_call(
        _sel_body,
        grid=(_B * _K // _TB,),
        in_specs=[
            pl.BlockSpec((_TB, _D), lambda i: (i, 0)),
            pl.BlockSpec((_D, _D), lambda i: (0, 0)),
            pl.BlockSpec((1, _D), lambda i: (0, 0)),
            pl.BlockSpec((1, _D), lambda i: (0, 0)),
            pl.BlockSpec((_D, _DFF), lambda i: (0, 0)),
            pl.BlockSpec((_D, _DFF), lambda i: (0, 0)),
            pl.BlockSpec((_DFF, _D), lambda i: (0, 0)),
        ],
        out_specs=pl.BlockSpec((_TB, _D), lambda i: (i, 0)),
        out_shape=jax.ShapeDtypeStruct((_B * _K, _D), jnp.float32),
    )(xg, wvo, g1.reshape(1, _D), g2.reshape(1, _D), wg, wu, wd)

    outf = _sc_merge(xf, computed, gidx)
    return outf.reshape(_B, _S, _D)

# --- scband reference (transcript-rebuilt; emitter-appended) ---
"""Pipeline reference for scband-mixture-of-depths-block-17927193493873 (READ-ONLY COPY).

The authoritative reference and input builder live on the scoring server;
editing this copy changes nothing except your own understanding.
"""

import jax, jax.numpy as jnp
import numpy as np

B, S, D = 4, 4096, 768
H, DH = 12, 64
DFF = 3072
CAPACITY = 0.5
EPS = 1e-05


def rmsnorm(x, g):
    return x * jax.lax.rsqrt(jnp.mean(x * x, axis=-1, keepdims=True) + EPS) * g


def setup_inputs(seed: int = 0) -> dict:
    key = jax.random.key(seed)
    ks = jax.random.split(key, 12)
    inp = {}
    inp["hidden_states"] = jax.random.normal(ks[0], (B, S, D), dtype=jnp.float32)
    inp["router_w"] = 0.02 * jax.random.normal(ks[1], (D, 1), dtype=jnp.float32)
    inp["router_b"] = jnp.zeros((1,), dtype=jnp.float32)
    inp["wq"] = 0.02 * jax.random.normal(ks[2], (D, D), dtype=jnp.float32)
    inp["wk"] = 0.02 * jax.random.normal(ks[3], (D, D), dtype=jnp.float32)
    inp["wv"] = 0.02 * jax.random.normal(ks[4], (D, D), dtype=jnp.float32)
    inp["wo"] = 0.02 * jax.random.normal(ks[5], (D, D), dtype=jnp.float32)
    inp["g1"] = jnp.ones((D,), dtype=jnp.float32)
    inp["g2"] = jnp.ones((D,), dtype=jnp.float32)
    inp["wg"] = 0.02 * jax.random.normal(ks[6], (D, DFF), dtype=jnp.float32)
    inp["wu"] = 0.02 * jax.random.normal(ks[7], (D, DFF), dtype=jnp.float32)
    inp["wd"] = 0.02 * jax.random.normal(ks[8], (DFF, D), dtype=jnp.float32)
    return inp


def reference(hidden_states, router_w, router_b, wq, wk, wv, wo, g1, g2, wg, wu, wd):
    # --- MixtureOfDepthsRouter ---
    logits = (hidden_states @ router_w + router_b)[..., 0]  # (B, S)
    weights = jax.nn.sigmoid(logits)
    k = max(1, int(CAPACITY * S))
    topk_vals, _ = jax.lax.top_k(weights, k)
    threshold = topk_vals[:, -1:]
    selected_mask = weights >= threshold  # (B, S)

    # --- full-layer compute; per-token attention (torch code attends over seq_len=1
    # after flattening selected tokens, i.e. each token attends only to itself) ---
    x = hidden_states
    normed = rmsnorm(x, g1)
    q = (normed @ wq).reshape(B, S, H, DH)
    kk = (normed @ wk).reshape(B, S, H, DH)
    v = (normed @ wv).reshape(B, S, H, DH)
    scores = jnp.sum(q * kk, axis=-1, keepdims=True) / np.sqrt(DH)  # (B, S, H, 1)
    p = jax.nn.softmax(scores, axis=-1)  # softmax over single key -> 1
    ctx = (p * v).reshape(B, S, D)
    attn_out = ctx @ wo
    residual_sel = x + attn_out
    n2 = rmsnorm(residual_sel, g2)
    ffn_out = (jax.nn.silu(n2 @ wg) * (n2 @ wu)) @ wd
    output_sel = residual_sel + ffn_out

    # scatter back: selected tokens replaced, others identity (equivalent to
    # torch boolean-index select + scatter, since attention is per-token)
    out = jnp.where(selected_mask[..., None], output_sel, hidden_states)
    return out

if __name__ == "__main__":
    import jax
    _d = setup_inputs()
    print(jax.jit(kernel)(*tuple(_d.values())))

</pallas_src>

<mosaic_0001>
#map = affine_map<(d0, d1) -> (0, 0)>
#map1 = affine_map<(d0, d1) -> (0)>
module attributes {stable_mosaic.version = 14 : i64} {
  func.func @_sc_merge_body(%arg0: i32, %arg1: i32, %arg2: memref<16384x768xf32, #tpu.memory_space<hbm>>, %arg3: memref<8192x768xf32, #tpu.memory_space<hbm>>, %arg4: memref<8192xi32, #tpu.memory_space<hbm>>, %arg5: memref<16384x768xf32, #tpu.memory_space<hbm>>, %arg6: memref<4x64xi32, #tpu.memory_space<vmem>>, %arg7: memref<2x64x768xf32, #tpu.memory_space<vmem>>, %arg8: memref<!tpu.dma_semaphore, #tpu.memory_space<semaphore_mem>>, %arg9: memref<!tpu.dma_semaphore, #tpu.memory_space<semaphore_mem>>) attributes {dimension_semantics = [#tpu.dimension_semantics<core_parallel>, #tpu.dimension_semantics<subcore_parallel>], iteration_bounds = array<i64: 2, 16>, scalar_prefetch = 0 : i64, scratch_operands = 4 : i64, tpu.core_type = #tpu.core_type<sc_vector_subcore>, window_params = [{transform_indices = #map}, {transform_indices = #map}, {transform_indices = #map1}, {transform_indices = #map}]} {
    %mul3A = arith.constant 8192 : i32
    %mul3A_0 = arith.muli %arg0, %mul3A : i32
    %mul3A_1 = arith.constant 512 : i32
    %mul3A_2 = arith.muli %arg1, %mul3A_1 : i32
    %add3A = arith.addi %mul3A_0, %mul3A_2 : i32
    %dma_start3A = arith.constant 0 : i32
    %dma_start3A_3 = arith.constant 0 : i32
    %dma_start3A_4 = arith.constant 0 : i32
    %dma_start3A_5 = tpu.memref_slice %arg7[%dma_start3A, %dma_start3A_3, %dma_start3A_4] : memref<2x64x768xf32, #tpu.memory_space<vmem>> -> memref<1x64x768xf32, #tpu.memory_space<vmem>>
    %dma_start3A_6 = tpu.memref_squeeze %dma_start3A_5 : memref<1x64x768xf32, #tpu.memory_space<vmem>> -> memref<64x768xf32, #tpu.memory_space<vmem>>
    %dma_start3A_7 = arith.constant 0 : i32
    %dma_start3A_8 = tpu.memref_slice %arg2[%add3A, %dma_start3A_7] : memref<16384x768xf32, #tpu.memory_space<hbm>> -> memref<64x768xf32, #tpu.memory_space<hbm>>
    %dma_start3A_9 = arith.constant 0 : i32
    %dma_start3A_10 = arith.constant 0 : i32
    %dma_start3A_11 = tpu.memref_slice %arg7[%dma_start3A, %dma_start3A_9, %dma_start3A_10] : memref<2x64x768xf32, #tpu.memory_space<vmem>> -> memref<1x64x768xf32, #tpu.memory_space<vmem>>
    %dma_start3A_12 = tpu.memref_squeeze %dma_start3A_11 : memref<1x64x768xf32, #tpu.memory_space<vmem>> -> memref<64x768xf32, #tpu.memory_space<vmem>>
    %dma_start3A_13 = arith.constant 0 : i32
    %dma_start3A_14 = tpu.memref_slice %arg2[%add3A, %dma_start3A_13] : memref<16384x768xf32, #tpu.memory_space<hbm>> -> memref<64x768xf32, #tpu.memory_space<hbm>>
    tpu.enqueue_dma source(%dma_start3A_14 : memref<64x768xf32, #tpu.memory_space<hbm>>) target(%dma_start3A_12 : memref<64x768xf32, #tpu.memory_space<vmem>>) target_semaphore(%arg8 : memref<!tpu.dma_semaphore, #tpu.memory_space<semaphore_mem>>)
    %dma_wait3A = arith.constant 0 : i32
    %dma_wait3A_15 = arith.constant 0 : i32
    %dma_wait3A_16 = arith.constant 0 : i32
    %dma_wait3A_17 = tpu.memref_slice %arg7[%dma_wait3A, %dma_wait3A_15, %dma_wait3A_16] : memref<2x64x768xf32, #tpu.memory_space<vmem>> -> memref<1x64x768xf32, #tpu.memory_space<vmem>>
    %dma_wait3A_18 = tpu.memref_squeeze %dma_wait3A_17 : memref<1x64x768xf32, #tpu.memory_space<vmem>> -> memref<64x768xf32, #tpu.memory_space<vmem>>
    %dma_wait3A_19 = arith.constant 0 : i32
    %dma_wait3A_20 = tpu.memref_slice %arg2[%add3A, %dma_wait3A_19] : memref<16384x768xf32, #tpu.memory_space<hbm>> -> memref<64x768xf32, #tpu.memory_space<hbm>>
    %dma_wait3A_21 = arith.constant 0 : i32
    %dma_wait3A_22 = arith.constant 0 : i32
    %dma_wait3A_23 = tpu.memref_slice %arg7[%dma_wait3A, %dma_wait3A_21, %dma_wait3A_22] : memref<2x64x768xf32, #tpu.memory_space<vmem>> -> memref<1x64x768xf32, #tpu.memory_space<vmem>>
    %dma_wait3A_24 = tpu.memref_squeeze %dma_wait3A_23 : memref<1x64x768xf32, #tpu.memory_space<vmem>> -> memref<64x768xf32, #tpu.memory_space<vmem>>
    %dma_wait3A_25 = arith.constant 0 : i32
    %dma_wait3A_26 = tpu.memref_slice %arg2[%add3A, %dma_wait3A_25] : memref<16384x768xf32, #tpu.memory_space<hbm>> -> memref<64x768xf32, #tpu.memory_space<hbm>>
    tpu.wait_dma2 semaphore(%arg8 : memref<!tpu.dma_semaphore, #tpu.memory_space<semaphore_mem>>) src(%dma_wait3A_26 : memref<64x768xf32, #tpu.memory_space<hbm>>) dst(%dma_wait3A_24 : memref<64x768xf32, #tpu.memory_space<vmem>>)
    %add3A_27 = arith.constant 64 : i32
    %add3A_28 = arith.addi %add3A, %add3A_27 : i32
    %dma_start3A_29 = arith.constant 1 : i32
    %dma_start3A_30 = arith.constant 0 : i32
    %dma_start3A_31 = arith.constant 0 : i32
    %dma_start3A_32 = tpu.memref_slice %arg7[%dma_start3A_29, %dma_start3A_30, %dma_start3A_31] : memref<2x64x768xf32, #tpu.memory_space<vmem>> -> memref<1x64x768xf32, #tpu.memory_space<vmem>>
    %dma_start3A_33 = tpu.memref_squeeze %dma_start3A_32 : memref<1x64x768xf32, #tpu.memory_space<vmem>> -> memref<64x768xf32, #tpu.memory_space<vmem>>
    %dma_start3A_34 = arith.constant 0 : i32
    %dma_start3A_35 = tpu.memref_slice %arg2[%add3A_28, %dma_start3A_34] : memref<16384x768xf32, #tpu.memory_space<hbm>> -> memref<64x768xf32, #tpu.memory_space<hbm>>
    %dma_start3A_36 = arith.constant 0 : i32
    %dma_start3A_37 = arith.constant 0 : i32
    %dma_start3A_38 = tpu.memref_slice %arg7[%dma_start3A_29, %dma_start3A_36, %dma_start3A_37] : memref<2x64x768xf32, #tpu.memory_space<vmem>> -> memref<1x64x768xf32, #tpu.memory_space<vmem>>
    %dma_start3A_39 = tpu.memref_squeeze %dma_start3A_38 : memref<1x64x768xf32, #tpu.memory_space<vmem>> -> memref<64x768xf32, #tpu.memory_space<vmem>>
    %dma_start3A_40 = arith.constant 0 : i32
    %dma_start3A_41 = tpu.memref_slice %arg2[%add3A_28, %dma_start3A_40] : memref<16384x768xf32, #tpu.memory_space<hbm>> -> memref<64x768xf32, #tpu.memory_space<hbm>>
    tpu.enqueue_dma source(%dma_start3A_41 : memref<64x768xf32, #tpu.memory_space<hbm>>) target(%dma_start3A_39 : memref<64x768xf32, #tpu.memory_space<vmem>>) target_semaphore(%arg8 : memref<!tpu.dma_semaphore, #tpu.memory_space<semaphore_mem>>)
    %add3A_42 = arith.constant 0 : i32
    %add3A_43 = arith.addi %add3A, %add3A_42 : i32
    %dma_start3A_44 = arith.constant 0 : i32
    %dma_start3A_45 = arith.constant 0 : i32
    %dma_start3A_46 = arith.constant 0 : i32
    %dma_start3A_47 = tpu.memref_slice %arg7[%dma_start3A_44, %dma_start3A_45, %dma_start3A_46] : memref<2x64x768xf32, #tpu.memory_space<vmem>> -> memref<1x64x768xf32, #tpu.memory_space<vmem>>
    %dma_start3A_48 = tpu.memref_squeeze %dma_start3A_47 : memref<1x64x768xf32, #tpu.memory_space<vmem>> -> memref<64x768xf32, #tpu.memory_space<vmem>>
    %dma_start3A_49 = arith.constant 0 : i32
    %dma_start3A_50 = tpu.memref_slice %arg5[%add3A_43, %dma_start3A_49] : memref<16384x768xf32, #tpu.memory_space<hbm>> -> memref<64x768xf32, #tpu.memory_space<hbm>>
    %dma_start3A_51 = arith.constant 0 : i32
    %dma_start3A_52 = tpu.memref_slice %arg5[%add3A_43, %dma_start3A_51] : memref<16384x768xf32, #tpu.memory_space<hbm>> -> memref<64x768xf32, #tpu.memory_space<hbm>>
    %dma_start3A_53 = arith.constant 0 : i32
    %dma_start3A_54 = arith.constant 0 : i32
    %dma_start3A_55 = tpu.memref_slice %arg7[%dma_start3A_44, %dma_start3A_53, %dma_start3A_54] : memref<2x64x768xf32, #tpu.memory_space<vmem>> -> memref<1x64x768xf32, #tpu.memory_space<vmem>>
    %dma_start3A_56 = tpu.memref_squeeze %dma_start3A_55 : memref<1x64x768xf32, #tpu.memory_space<vmem>> -> memref<64x768xf32, #tpu.memory_space<vmem>>
    tpu.enqueue_dma source(%dma_start3A_56 : memref<64x768xf32, #tpu.memory_space<vmem>>) target(%dma_start3A_52 : memref<64x768xf32, #tpu.memory_space<hbm>>) target_semaphore(%arg9 : memref<!tpu.dma_semaphore, #tpu.memory_space<semaphore_mem>>)
    %dma_wait3A_57 = arith.constant 1 : i32
    %dma_wait3A_58 = arith.constant 0 : i32
    %dma_wait3A_59 = arith.constant 0 : i32
    %dma_wait3A_60 = tpu.memref_slice %arg7[%dma_wait3A_57, %dma_wait3A_58, %dma_wait3A_59] : memref<2x64x768xf32, #tpu.memory_space<vmem>> -> memref<1x64x768xf32, #tpu.memory_space<vmem>>
    %dma_wait3A_61 = tpu.memref_squeeze %dma_wait3A_60 : memref<1x64x768xf32, #tpu.memory_space<vmem>> -> memref<64x768xf32, #tpu.memory_space<vmem>>
    %dma_wait3A_62 = arith.constant 0 : i32
    %dma_wait3A_63 = tpu.memref_slice %arg2[%add3A_28, %dma_wait3A_62] : memref<16384x768xf32, #tpu.memory_space<hbm>> -> memref<64x768xf32, #tpu.memory_space<hbm>>
    %dma_wait3A_64 = arith.constant 0 : i32
    %dma_wait3A_65 = arith.constant 0 : i32
    %dma_wait3A_66 = tpu.memref_slice %arg7[%dma_wait3A_57, %dma_wait3A_64, %dma_wait3A_65] : memref<2x64x768xf32, #tpu.memory_space<vmem>> -> memref<1x64x768xf32, #tpu.memory_space<vmem>>
    %dma_wait3A_67 = tpu.memref_squeeze %dma_wait3A_66 : memref<1x64x768xf32, #tpu.memory_space<vmem>> -> memref<64x768xf32, #tpu.memory_space<vmem>>
    %dma_wait3A_68 = arith.constant 0 : i32
    %dma_wait3A_69 = tpu.memref_slice %arg2[%add3A_28, %dma_wait3A_68] : memref<16384x768xf32, #tpu.memory_space<hbm>> -> memref<64x768xf32, #tpu.memory_space<hbm>>
    tpu.wait_dma2 semaphore(%arg8 : memref<!tpu.dma_semaphore, #tpu.memory_space<semaphore_mem>>) src(%dma_wait3A_69 : memref<64x768xf32, #tpu.memory_space<hbm>>) dst(%dma_wait3A_67 : memref<64x768xf32, #tpu.memory_space<vmem>>)
    %dma_wait3A_70 = arith.constant 0 : i32
    %dma_wait3A_71 = arith.constant 0 : i32
    %dma_wait3A_72 = arith.constant 0 : i32
    %dma_wait3A_73 = tpu.memref_slice %arg7[%dma_wait3A_70, %dma_wait3A_71, %dma_wait3A_72] : memref<2x64x768xf32, #tpu.memory_space<vmem>> -> memref<1x64x768xf32, #tpu.memory_space<vmem>>
    %dma_wait3A_74 = tpu.memref_squeeze %dma_wait3A_73 : memref<1x64x768xf32, #tpu.memory_space<vmem>> -> memref<64x768xf32, #tpu.memory_space<vmem>>
    %dma_wait3A_75 = arith.constant 0 : i32
    %dma_wait3A_76 = tpu.memref_slice %arg5[%add3A_43, %dma_wait3A_75] : memref<16384x768xf32, #tpu.memory_space<hbm>> -> memref<64x768xf32, #tpu.memory_space<hbm>>
    %dma_wait3A_77 = arith.constant 0 : i32
    %dma_wait3A_78 = tpu.memref_slice %arg5[%add3A_43, %dma_wait3A_77] : memref<16384x768xf32, #tpu.memory_space<hbm>> -> memref<64x768xf32, #tpu.memory_space<hbm>>
    %dma_wait3A_79 = arith.constant 0 : i32
    %dma_wait3A_80 = arith.constant 0 : i32
    %dma_wait3A_81 = tpu.memref_slice %arg7[%dma_wait3A_70, %dma_wait3A_79, %dma_wait3A_80] : memref<2x64x768xf32, #tpu.memory_space<vmem>> -> memref<1x64x768xf32, #tpu.memory_space<vmem>>
    %dma_wait3A_82 = tpu.memref_squeeze %dma_wait3A_81 : memref<1x64x768xf32, #tpu.memory_space<vmem>> -> memref<64x768xf32, #tpu.memory_space<vmem>>
    tpu.wait_dma2 semaphore(%arg9 : memref<!tpu.dma_semaphore, #tpu.memory_space<semaphore_mem>>) src(%dma_wait3A_82 : memref<64x768xf32, #tpu.memory_space<vmem>>) dst(%dma_wait3A_78 : memref<64x768xf32, #tpu.memory_space<hbm>>)
    %add3A_83 = arith.constant 128 : i32
    %add3A_84 = arith.addi %add3A, %add3A_83 : i32
    %dma_start3A_85 = arith.constant 0 : i32
    %dma_start3A_86 = arith.constant 0 : i32
    %dma_start3A_87 = arith.constant 0 : i32
    %dma_start3A_88 = tpu.memref_slice %arg7[%dma_start3A_85, %dma_start3A_86, %dma_start3A_87] : memref<2x64x768xf32, #tpu.memory_space<vmem>> -> memref<1x64x768xf32, #tpu.memory_space<vmem>>
    %dma_start3A_89 = tpu.memref_squeeze %dma_start3A_88 : memref<1x64x768xf32, #tpu.memory_space<vmem>> -> memref<64x768xf32, #tpu.memory_space<vmem>>
    %dma_start3A_90 = arith.constant 0 : i32
    %dma_start3A_91 = tpu.memref_slice %arg2[%add3A_84, %dma_start3A_90] : memref<16384x768xf32, #tpu.memory_space<hbm>> -> memref<64x768xf32, #tpu.memory_space<hbm>>
    %dma_start3A_92 = arith.constant 0 : i32
    %dma_start3A_93 = arith.constant 0 : i32
    %dma_start3A_94 = tpu.memref_slice %arg7[%dma_start3A_85, %dma_start3A_92, %dma_start3A_93] : memref<2x64x768xf32, #tpu.memory_space<vmem>> -> memref<1x64x768xf32, #tpu.memory_space<vmem>>
    %dma_start3A_95 = tpu.memref_squeeze %dma_start3A_94 : memref<1x64x768xf32, #tpu.memory_space<vmem>> -> memref<64x768xf32, #tpu.memory_space<vmem>>
    %dma_start3A_96 = arith.constant 0 : i32
    %dma_start3A_97 = tpu.memref_slice %arg2[%add3A_84, %dma_start3A_96] : memref<16384x768xf32, #tpu.memory_space<hbm>> -> memref<64x768xf32, #tpu.memory_space<hbm>>
    tpu.enqueue_dma source(%dma_start3A_97 : memref<64x768xf32, #tpu.memory_space<hbm>>) target(%dma_start3A_95 : memref<64x768xf32, #tpu.memory_space<vmem>>) target_semaphore(%arg8 : memref<!tpu.dma_semaphore, #tpu.memory_space<semaphore_mem>>)
    %add3A_98 = arith.constant 64 : i32
    %add3A_99 = arith.addi %add3A, %add3A_98 : i32
    %dma_start3A_100 = arith.constant 1 : i32
    %dma_start3A_101 = arith.constant 0 : i32
    %dma_start3A_102 = arith.constant 0 : i32
    %dma_start3A_103 = tpu.memref_slice %arg7[%dma_start3A_100, %dma_start3A_101, %dma_start3A_102] : memref<2x64x768xf32, #tpu.memory_space<vmem>> -> memref<1x64x768xf32, #tpu.memory_space<vmem>>
    %dma_start3A_104 = tpu.memref_squeeze %dma_start3A_103 : memref<1x64x768xf32, #tpu.memory_space<vmem>> -> memref<64x768xf32, #tpu.memory_space<vmem>>
    %dma_start3A_105 = arith.constant 0 : i32
    %dma_start3A_106 = tpu.memref_slice %arg5[%add3A_99, %dma_start3A_105] : memref<16384x768xf32, #tpu.memory_space<hbm>> -> memref<64x768xf32, #tpu.memory_space<hbm>>
    %dma_start3A_107 = arith.constant 0 : i32
    %dma_start3A_108 = tpu.memref_slice %arg5[%add3A_99, %dma_start3A_107] : memref<16384x768xf32, #tpu.memory_space<hbm>> -> memref<64x768xf32, #tpu.memory_space<hbm>>
    %dma_start3A_109 = arith.constant 0 : i32
    %dma_start3A_110 = arith.constant 0 : i32
    %dma_start3A_111 = tpu.memref_slice %arg7[%dma_start3A_100, %dma_start3A_109, %dma_start3A_110] : memref<2x64x768xf32, #tpu.memory_space<vmem>> -> memref<1x64x768xf32, #tpu.memory_space<vmem>>
    %dma_start3A_112 = tpu.memref_squeeze %dma_start3A_111 : memref<1x64x768xf32, #tpu.memory_space<vmem>> -> memref<64x768xf32, #tpu.memory_space<vmem>>
    tpu.enqueue_dma source(%dma_start3A_112 : memref<64x768xf32, #tpu.memory_space<vmem>>) target(%dma_start3A_108 : memref<64x768xf32, #tpu.memory_space<hbm>>) target_semaphore(%arg9 : memref<!tpu.dma_semaphore, #tpu.memory_space<semaphore_mem>>)
    %dma_wait3A_113 = arith.constant 0 : i32
    %dma_wait3A_114 = arith.constant 0 : i32
    %dma_wait3A_115 = arith.constant 0 : i32
    %dma_wait3A_116 = tpu.memref_slice %arg7[%dma_wait3A_113, %dma_wait3A_114, %dma_wait3A_115] : memref<2x64x768xf32, #tpu.memory_space<vmem>> -> memref<1x64x768xf32, #tpu.memory_space<vmem>>
    %dma_wait3A_117 = tpu.memref_squeeze %dma_wait3A_116 : memref<1x64x768xf32, #tpu.memory_space<vmem>> -> memref<64x768xf32, #tpu.memory_space<vmem>>
    %dma_wait3A_118 = arith.constant 0 : i32
    %dma_wait3A_119 = tpu.memref_slice %arg2[%add3A_84, %dma_wait3A_118] : memref<16384x768xf32, #tpu.memory_space<hbm>> -> memref<64x768xf32, #tpu.memory_space<hbm>>
    %dma_wait3A_120 = arith.constant 0 : i32
    %dma_wait3A_121 = arith.constant 0 : i32
    %dma_wait3A_122 = tpu.memref_slice %arg7[%dma_wait3A_113, %dma_wait3A_120, %dma_wait3A_121] : memref<2x64x768xf32, #tpu.memory_space<vmem>> -> memref<1x64x768xf32, #tpu.memory_space<vmem>>
    %dma_wait3A_123 = tpu.memref_squeeze %dma_wait3A_122 : memref<1x64x768xf32, #tpu.memory_space<vmem>> -> memref<64x768xf32, #tpu.memory_space<vmem>>
    %dma_wait3A_124 = arith.constant 0 : i32
    %dma_wait3A_125 = tpu.memref_slice %arg2[%add3A_84, %dma_wait3A_124] : memref<16384x768xf32, #tpu.memory_space<hbm>> -> memref<64x768xf32, #tpu.memory_space<hbm>>
    tpu.wait_dma2 semaphore(%arg8 : memref<!tpu.dma_semaphore, #tpu.memory_space<semaphore_mem>>) src(%dma_wait3A_125 : memref<64x768xf32, #tpu.memory_space<hbm>>) dst(%dma_wait3A_123 : memref<64x768xf32, #tpu.memory_space<vmem>>)
    %dma_wait3A_126 = arith.constant 1 : i32
    %dma_wait3A_127 = arith.constant 0 : i32
    %dma_wait3A_128 = arith.constant 0 : i32
    %dma_wait3A_129 = tpu.memref_slice %arg7[%dma_wait3A_126, %dma_wait3A_127, %dma_wait3A_128] : memref<2x64x768xf32, #tpu.memory_space<vmem>> -> memref<1x64x768xf32, #tpu.memory_space<vmem>>
    %dma_wait3A_130 = tpu.memref_squeeze %dma_wait3A_129 : memref<1x64x768xf32, #tpu.memory_space<vmem>> -> memref<64x768xf32, #tpu.memory_space<vmem>>
    %dma_wait3A_131 = arith.constant 0 : i32
    %dma_wait3A_132 = tpu.memref_slice %arg5[%add3A_99, %dma_wait3A_131] : memref<16384x768xf32, #tpu.memory_space<hbm>> -> memref<64x768xf32, #tpu.memory_space<hbm>>
    %dma_wait3A_133 = arith.constant 0 : i32
    %dma_wait3A_134 = tpu.memref_slice %arg5[%add3A_99, %dma_wait3A_133] : memref<16384x768xf32, #tpu.memory_space<hbm>> -> memref<64x768xf32, #tpu.memory_space<hbm>>
    %dma_wait3A_135 = arith.constant 0 : i32
    %dma_wait3A_136 = arith.constant 0 : i32
    %dma_wait3A_137 = tpu.memref_slice %arg7[%dma_wait3A_126, %dma_wait3A_135, %dma_wait3A_136] : memref<2x64x768xf32, #tpu.memory_space<vmem>> -> memref<1x64x768xf32, #tpu.memory_space<vmem>>
    %dma_wait3A_138 = tpu.memref_squeeze %dma_wait3A_137 : memref<1x64x768xf32, #tpu.memory_space<vmem>> -> memref<64x768xf32, #tpu.memory_space<vmem>>
    tpu.wait_dma2 semaphore(%arg9 : memref<!tpu.dma_semaphore, #tpu.memory_space<semaphore_mem>>) src(%dma_wait3A_138 : memref<64x768xf32, #tpu.memory_space<vmem>>) dst(%dma_wait3A_134 : memref<64x768xf32, #tpu.memory_space<hbm>>)
    %add3A_139 = arith.constant 192 : i32
    %add3A_140 = arith.addi %add3A, %add3A_139 : i32
    %dma_start3A_141 = arith.constant 1 : i32
    %dma_start3A_142 = arith.constant 0 : i32
    %dma_start3A_143 = arith.constant 0 : i32
    %dma_start3A_144 = tpu.memref_slice %arg7[%dma_start3A_141, %dma_start3A_142, %dma_start3A_143] : memref<2x64x768xf32, #tpu.memory_space<vmem>> -> memref<1x64x768xf32, #tpu.memory_space<vmem>>
    %dma_start3A_145 = tpu.memref_squeeze %dma_start3A_144 : memref<1x64x768xf32, #tpu.memory_space<vmem>> -> memref<64x768xf32, #tpu.memory_space<vmem>>
    %dma_start3A_146 = arith.constant 0 : i32
    %dma_start3A_147 = tpu.memref_slice %arg2[%add3A_140, %dma_start3A_146] : memref<16384x768xf32, #tpu.memory_space<hbm>> -> memref<64x768xf32, #tpu.memory_space<hbm>>
    %dma_start3A_148 = arith.constant 0 : i32
    %dma_start3A_149 = arith.constant 0 : i32
    %dma_start3A_150 = tpu.memref_slice %arg7[%dma_start3A_141, %dma_start3A_148, %dma_start3A_149] : memref<2x64x768xf32, #tpu.memory_space<vmem>> -> memref<1x64x768xf32, #tpu.memory_space<vmem>>
    %dma_start3A_151 = tpu.memref_squeeze %dma_start3A_150 : memref<1x64x768xf32, #tpu.memory_space<vmem>> -> memref<64x768xf32, #tpu.memory_space<vmem>>
    %dma_start3A_152 = arith.constant 0 : i32
    %dma_start3A_153 = tpu.memref_slice %arg2[%add3A_140, %dma_start3A_152] : memref<16384x768xf32, #tpu.memory_space<hbm>> -> memref<64x768xf32, #tpu.memory_space<hbm>>
    tpu.enqueue_dma source(%dma_start3A_153 : memref<64x768xf32, #tpu.memory_space<hbm>>) target(%dma_start3A_151 : memref<64x768xf32, #tpu.memory_space<vmem>>) target_semaphore(%arg8 : memref<!tpu.dma_semaphore, #tpu.memory_space<semaphore_mem>>)
    %add3A_154 = arith.constant 128 : i32
    %add3A_155 = arith.addi %add3A, %add3A_154 : i32
    %dma_start3A_156 = arith.constant 0 : i32
    %dma_start3A_157 = arith.constant 0 : i32
    %dma_start3A_158 = arith.constant 0 : i32
    %dma_start3A_159 = tpu.memref_slice %arg7[%dma_start3A_156, %dma_start3A_157, %dma_start3A_158] : memref<2x64x768xf32, #tpu.memory_space<vmem>> -> memref<1x64x768xf32, #tpu.memory_space<vmem>>
    %dma_start3A_160 = tpu.memref_squeeze %dma_start3A_159 : memref<1x64x768xf32, #tpu.memory_space<vmem>> -> memref<64x768xf32, #tpu.memory_space<vmem>>
    %dma_start3A_161 = arith.constant 0 : i32
    %dma_start3A_162 = tpu.memref_slice %arg5[%add3A_155, %dma_start3A_161] : memref<16384x768xf32, #tpu.memory_space<hbm>> -> memref<64x768xf32, #tpu.memory_space<hbm>>
    %dma_start3A_163 = arith.constant 0 : i32
    %dma_start3A_164 = tpu.memref_slice %arg5[%add3A_155, %dma_start3A_163] : memref<16384x768xf32, #tpu.memory_space<hbm>> -> memref<64x768xf32, #tpu.memory_space<hbm>>
    %dma_start3A_165 = arith.constant 0 : i32
    %dma_start3A_166 = arith.constant 0 : i32
    %dma_start3A_167 = tpu.memref_slice %arg7[%dma_start3A_156, %dma_start3A_165, %dma_start3A_166] : memref<2x64x768xf32, #tpu.memory_space<vmem>> -> memref<1x64x768xf32, #tpu.memory_space<vmem>>
    %dma_start3A_168 = tpu.memref_squeeze %dma_start3A_167 : memref<1x64x768xf32, #tpu.memory_space<vmem>> -> memref<64x768xf32, #tpu.memory_space<vmem>>
    tpu.enqueue_dma source(%dma_start3A_168 : memref<64x768xf32, #tpu.memory_space<vmem>>) target(%dma_start3A_164 : memref<64x768xf32, #tpu.memory_space<hbm>>) target_semaphore(%arg9 : memref<!tpu.dma_semaphore, #tpu.memory_space<semaphore_mem>>)
    %dma_wait3A_169 = arith.constant 1 : i32
    %dma_wait3A_170 = arith.constant 0 : i32
    %dma_wait3A_171 = arith.constant 0 : i32
    %dma_wait3A_172 = tpu.memref_slice %arg7[%dma_wait3A_169, %dma_wait3A_170, %dma_wait3A_171] : memref<2x64x768xf32, #tpu.memory_space<vmem>> -> memref<1x64x768xf32, #tpu.memory_space<vmem>>
    %dma_wait3A_173 = tpu.memref_squeeze %dma_wait3A_172 : memref<1x64x768xf32, #tpu.memory_space<vmem>> -> memref<64x768xf32, #tpu.memory_space<vmem>>
    %dma_wait3A_174 = arith.constant 0 : i32
    %dma_wait3A_175 = tpu.memref_slice %arg2[%add3A_140, %dma_wait3A_174] : memref<16384x768xf32, #tpu.memory_space<hbm>> -> memref<64x768xf32, #tpu.memory_space<hbm>>
    %dma_wait3A_176 = arith.constant 0 : i32
    %dma_wait3A_177 = arith.constant 0 : i32
    %dma_wait3A_178 = tpu.memref_slice %arg7[%dma_wait3A_169, %dma_wait3A_176, %dma_wait3A_177] : memref<2x64x768xf32, #tpu.memory_space<vmem>> -> memref<1x64x768xf32, #tpu.memory_space<vmem>>
    %dma_wait3A_179 = tpu.memref_squeeze %dma_wait3A_178 : memref<1x64x768xf32, #tpu.memory_space<vmem>> -> memref<64x768xf32, #tpu.memory_space<vmem>>
    %dma_wait3A_180 = arith.constant 0 : i32
    %dma_wait3A_181 = tpu.memref_slice %arg2[%add3A_140, %dma_wait3A_180] : memref<16384x768xf32, #tpu.memory_space<hbm>> -> memref<64x768xf32, #tpu.memory_space<hbm>>
    tpu.wait_dma2 semaphore(%arg8 : memref<!tpu.dma_semaphore, #tpu.memory_space<semaphore_mem>>) src(%dma_wait3A_181 : memref<64x768xf32, #tpu.memory_space<hbm>>) dst(%dma_wait3A_179 : memref<64x768xf32, #tpu.memory_space<vmem>>)
    %dma_wait3A_182 = arith.constant 0 : i32
    %dma_wait3A_183 = arith.constant 0 : i32
    %dma_wait3A_184 = arith.constant 0 : i32
    %dma_wait3A_185 = tpu.memref_slice %arg7[%dma_wait3A_182, %dma_wait3A_183, %dma_wait3A_184] : memref<2x64x768xf32, #tpu.memory_space<vmem>> -> memref<1x64x768xf32, #tpu.memory_space<vmem>>
    %dma_wait3A_186 = tpu.memref_squeeze %dma_wait3A_185 : memref<1x64x768xf32, #tpu.memory_space<vmem>> -> memref<64x768xf32, #tpu.memory_space<vmem>>
    %dma_wait3A_187 = arith.constant 0 : i32
    %dma_wait3A_188 = tpu.memref_slice %arg5[%add3A_155, %dma_wait3A_187] : memref<16384x768xf32, #tpu.memory_space<hbm>> -> memref<64x768xf32, #tpu.memory_space<hbm>>
    %dma_wait3A_189 = arith.constant 0 : i32
    %dma_wait3A_190 = tpu.memref_slice %arg5[%add3A_155, %dma_wait3A_189] : memref<16384x768xf32, #tpu.memory_space<hbm>> -> memref<64x768xf32, #tpu.memory_space<hbm>>
    %dma_wait3A_191 = arith.constant 0 : i32
    %dma_wait3A_192 = arith.constant 0 : i32
    %dma_wait3A_193 = tpu.memref_slice %arg7[%dma_wait3A_182, %dma_wait3A_191, %dma_wait3A_192] : memref<2x64x768xf32, #tpu.memory_space<vmem>> -> memref<1x64x768xf32, #tpu.memory_space<vmem>>
    %dma_wait3A_194 = tpu.memref_squeeze %dma_wait3A_193 : memref<1x64x768xf32, #tpu.memory_space<vmem>> -> memref<64x768xf32, #tpu.memory_space<vmem>>
    tpu.wait_dma2 semaphore(%arg9 : memref<!tpu.dma_semaphore, #tpu.memory_space<semaphore_mem>>) src(%dma_wait3A_194 : memref<64x768xf32, #tpu.memory_space<vmem>>) dst(%dma_wait3A_190 : memref<64x768xf32, #tpu.memory_space<hbm>>)
    %add3A_195 = arith.constant 256 : i32
    %add3A_196 = arith.addi %add3A, %add3A_195 : i32
    %dma_start3A_197 = arith.constant 0 : i32
    %dma_start3A_198 = arith.constant 0 : i32
    %dma_start3A_199 = arith.constant 0 : i32
    %dma_start3A_200 = tpu.memref_slice %arg7[%dma_start3A_197, %dma_start3A_198, %dma_start3A_199] : memref<2x64x768xf32, #tpu.memory_space<vmem>> -> memref<1x64x768xf32, #tpu.memory_space<vmem>>
    %dma_start3A_201 = tpu.memref_squeeze %dma_start3A_200 : memref<1x64x768xf32, #tpu.memory_space<vmem>> -> memref<64x768xf32, #tpu.memory_space<vmem>>
    %dma_start3A_202 = arith.constant 0 : i32
    %dma_start3A_203 = tpu.memref_slice %arg2[%add3A_196, %dma_start3A_202] : memref<16384x768xf32, #tpu.memory_space<hbm>> -> memref<64x768xf32, #tpu.memory_space<hbm>>
    %dma_start3A_204 = arith.constant 0 : i32
    %dma_start3A_205 = arith.constant 0 : i32
    %dma_start3A_206 = tpu.memref_slice %arg7[%dma_start3A_197, %dma_start3A_204, %dma_start3A_205] : memref<2x64x768xf32, #tpu.memory_space<vmem>> -> memref<1x64x768xf32, #tpu.memory_space<vmem>>
    %dma_start3A_207 = tpu.memref_squeeze %dma_start3A_206 : memref<1x64x768xf32, #tpu.memory_space<vmem>> -> memref<64x768xf32, #tpu.memory_space<vmem>>
    %dma_start3A_208 = arith.constant 0 : i32
    %dma_start3A_209 = tpu.memref_slice %arg2[%add3A_196, %dma_start3A_208] : memref<16384x768xf32, #tpu.memory_space<hbm>> -> memref<64x768xf32, #tpu.memory_space<hbm>>
    tpu.enqueue_dma source(%dma_start3A_209 : memref<64x768xf32, #tpu.memory_space<hbm>>) target(%dma_start3A_207 : memref<64x768xf32, #tpu.memory_space<vmem>>) target_semaphore(%arg8 : memref<!tpu.dma_semaphore, #tpu.memory_space<semaphore_mem>>)
    %add3A_210 = arith.constant 192 : i32
    %add3A_211 = arith.addi %add3A, %add3A_210 : i32
    %dma_start3A_212 = arith.constant 1 : i32
    %dma_start3A_213 = arith.constant 0 : i32
    %dma_start3A_214 = arith.constant 0 : i32
    %dma_start3A_215 = tpu.memref_slice %arg7[%dma_start3A_212, %dma_start3A_213, %dma_start3A_214] : memref<2x64x768xf32, #tpu.memory_space<vmem>> -> memref<1x64x768xf32, #tpu.memory_space<vmem>>
    %dma_start3A_216 = tpu.memref_squeeze %dma_start3A_215 : memref<1x64x768xf32, #tpu.memory_space<vmem>> -> memref<64x768xf32, #tpu.memory_space<vmem>>
    %dma_start3A_217 = arith.constant 0 : i32
    %dma_start3A_218 = tpu.memref_slice %arg5[%add3A_211, %dma_start3A_217] : memref<16384x768xf32, #tpu.memory_space<hbm>> -> memref<64x768xf32, #tpu.memory_space<hbm>>
    %dma_start3A_219 = arith.constant 0 : i32
    %dma_start3A_220 = tpu.memref_slice %arg5[%add3A_211, %dma_start3A_219] : memref<16384x768xf32, #tpu.memory_space<hbm>> -> memref<64x768xf32, #tpu.memory_space<hbm>>
    %dma_start3A_221 = arith.constant 0 : i32
    %dma_start3A_222 = arith.constant 0 : i32
    %dma_start3A_223 = tpu.memref_slice %arg7[%dma_start3A_212, %dma_start3A_221, %dma_start3A_222] : memref<2x64x768xf32, #tpu.memory_space<vmem>> -> memref<1x64x768xf32, #tpu.memory_space<vmem>>
    %dma_start3A_224 = tpu.memref_squeeze %dma_start3A_223 : memref<1x64x768xf32, #tpu.memory_space<vmem>> -> memref<64x768xf32, #tpu.memory_space<vmem>>
    tpu.enqueue_dma source(%dma_start3A_224 : memref<64x768xf32, #tpu.memory_space<vmem>>) target(%dma_start3A_220 : memref<64x768xf32, #tpu.memory_space<hbm>>) target_semaphore(%arg9 : memref<!tpu.dma_semaphore, #tpu.memory_space<semaphore_mem>>)
    %dma_wait3A_225 = arith.constant 0 : i32
    %dma_wait3A_226 = arith.constant 0 : i32
    %dma_wait3A_227 = arith.constant 0 : i32
    %dma_wait3A_228 = tpu.memref_slice %arg7[%dma_wait3A_225, %dma_wait3A_226, %dma_wait3A_227] : memref<2x64x768xf32, #tpu.memory_space<vmem>> -> memref<1x64x768xf32, #tpu.memory_space<vmem>>
    %dma_wait3A_229 = tpu.memref_squeeze %dma_wait3A_228 : memref<1x64x768xf32, #tpu.memory_space<vmem>> -> memref<64x768xf32, #tpu.memory_space<vmem>>
    %dma_wait3A_230 = arith.constant 0 : i32
    %dma_wait3A_231 = tpu.memref_slice %arg2[%add3A_196, %dma_wait3A_230] : memref<16384x768xf32, #tpu.memory_space<hbm>> -> memref<64x768xf32, #tpu.memory_space<hbm>>
    %dma_wait3A_232 = arith.constant 0 : i32
    %dma_wait3A_233 = arith.constant 0 : i32
    %dma_wait3A_234 = tpu.memref_slice %arg7[%dma_wait3A_225, %dma_wait3A_232, %dma_wait3A_233] : memref<2x64x768xf32, #tpu.memory_space<vmem>> -> memref<1x64x768xf32, #tpu.memory_space<vmem>>
    %dma_wait3A_235 = tpu.memref_squeeze %dma_wait3A_234 : memref<1x64x768xf32, #tpu.memory_space<vmem>> -> memref<64x768xf32, #tpu.memory_space<vmem>>
    %dma_wait3A_236 = arith.constant 0 : i32
    %dma_wait3A_237 = tpu.memref_slice %arg2[%add3A_196, %dma_wait3A_236] : memref<16384x768xf32, #tpu.memory_space<hbm>> -> memref<64x768xf32, #tpu.memory_space<hbm>>
    tpu.wait_dma2 semaphore(%arg8 : memref<!tpu.dma_semaphore, #tpu.memory_space<semaphore_mem>>) src(%dma_wait3A_237 : memref<64x768xf32, #tpu.memory_space<hbm>>) dst(%dma_wait3A_235 : memref<64x768xf32, #tpu.memory_space<vmem>>)
    %dma_wait3A_238 = arith.constant 1 : i32
    %dma_wait3A_239 = arith.constant 0 : i32
    %dma_wait3A_240 = arith.constant 0 : i32
    %dma_wait3A_241 = tpu.memref_slice %arg7[%dma_wait3A_238, %dma_wait3A_239, %dma_wait3A_240] : memref<2x64x768xf32, #tpu.memory_space<vmem>> -> memref<1x64x768xf32, #tpu.memory_space<vmem>>
    %dma_wait3A_242 = tpu.memref_squeeze %dma_wait3A_241 : memref<1x64x768xf32, #tpu.memory_space<vmem>> -> memref<64x768xf32, #tpu.memory_space<vmem>>
    %dma_wait3A_243 = arith.constant 0 : i32
    %dma_wait3A_244 = tpu.memref_slice %arg5[%add3A_211, %dma_wait3A_243] : memref<16384x768xf32, #tpu.memory_space<hbm>> -> memref<64x768xf32, #tpu.memory_space<hbm>>
    %dma_wait3A_245 = arith.constant 0 : i32
    %dma_wait3A_246 = tpu.memref_slice %arg5[%add3A_211, %dma_wait3A_245] : memref<16384x768xf32, #tpu.memory_space<hbm>> -> memref<64x768xf32, #tpu.memory_space<hbm>>
    %dma_wait3A_247 = arith.constant 0 : i32
    %dma_wait3A_248 = arith.constant 0 : i32
    %dma_wait3A_249 = tpu.memref_slice %arg7[%dma_wait3A_238, %dma_wait3A_247, %dma_wait3A_248] : memref<2x64x768xf32, #tpu.memory_space<vmem>> -> memref<1x64x768xf32, #tpu.memory_space<vmem>>
    %dma_wait3A_250 = tpu.memref_squeeze %dma_wait3A_249 : memref<1x64x768xf32, #tpu.memory_space<vmem>> -> memref<64x768xf32, #tpu.memory_space<vmem>>
    tpu.wait_dma2 semaphore(%arg9 : memref<!tpu.dma_semaphore, #tpu.memory_space<semaphore_mem>>) src(%dma_wait3A_250 : memref<64x768xf32, #tpu.memory_space<vmem>>) dst(%dma_wait3A_246 : memref<64x768xf32, #tpu.memory_space<hbm>>)
    %add3A_251 = arith.constant 320 : i32
    %add3A_252 = arith.addi %add3A, %add3A_251 : i32
    %dma_start3A_253 = arith.constant 1 : i32
    %dma_start3A_254 = arith.constant 0 : i32
    %dma_start3A_255 = arith.constant 0 : i32
    %dma_start3A_256 = tpu.memref_slice %arg7[%dma_start3A_253, %dma_start3A_254, %dma_start3A_255] : memref<2x64x768xf32, #tpu.memory_space<vmem>> -> memref<1x64x768xf32, #tpu.memory_space<vmem>>
    %dma_start3A_257 = tpu.memref_squeeze %dma_start3A_256 : memref<1x64x768xf32, #tpu.memory_space<vmem>> -> memref<64x768xf32, #tpu.memory_space<vmem>>
    %dma_start3A_258 = arith.constant 0 : i32
    %dma_start3A_259 = tpu.memref_slice %arg2[%add3A_252, %dma_start3A_258] : memref<16384x768xf32, #tpu.memory_space<hbm>> -> memref<64x768xf32, #tpu.memory_space<hbm>>
    %dma_start3A_260 = arith.constant 0 : i32
    %dma_start3A_261 = arith.constant 0 : i32
    %dma_start3A_262 = tpu.memref_slice %arg7[%dma_start3A_253, %dma_start3A_260, %dma_start3A_261] : memref<2x64x768xf32, #tpu.memory_space<vmem>> -> memref<1x64x768xf32, #tpu.memory_space<vmem>>
    %dma_start3A_263 = tpu.memref_squeeze %dma_start3A_262 : memref<1x64x768xf32, #tpu.memory_space<vmem>> -> memref<64x768xf32, #tpu.memory_space<vmem>>
    %dma_start3A_264 = arith.constant 0 : i32
    %dma_start3A_265 = tpu.memref_slice %arg2[%add3A_252, %dma_start3A_264] : memref<16384x768xf32, #tpu.memory_space<hbm>> -> memref<64x768xf32, #tpu.memory_space<hbm>>
    tpu.enqueue_dma source(%dma_start3A_265 : memref<64x768xf32, #tpu.memory_space<hbm>>) target(%dma_start3A_263 : memref<64x768xf32, #tpu.memory_space<vmem>>) target_semaphore(%arg8 : memref<!tpu.dma_semaphore, #tpu.memory_space<semaphore_mem>>)
    %add3A_266 = arith.constant 256 : i32
    %add3A_267 = arith.addi %add3A, %add3A_266 : i32
    %dma_start3A_268 = arith.constant 0 : i32
    %dma_start3A_269 = arith.constant 0 : i32
    %dma_start3A_270 = arith.constant 0 : i32
    %dma_start3A_271 = tpu.memref_slice %arg7[%dma_start3A_268, %dma_start3A_269, %dma_start3A_270] : memref<2x64x768xf32, #tpu.memory_space<vmem>> -> memref<1x64x768xf32, #tpu.memory_space<vmem>>
    %dma_start3A_272 = tpu.memref_squeeze %dma_start3A_271 : memref<1x64x768xf32, #tpu.memory_space<vmem>> -> memref<64x768xf32, #tpu.memory_space<vmem>>
    %dma_start3A_273 = arith.constant 0 : i32
    %dma_start3A_274 = tpu.memref_slice %arg5[%add3A_267, %dma_start3A_273] : memref<16384x768xf32, #tpu.memory_space<hbm>> -> memref<64x768xf32, #tpu.memory_space<hbm>>
    %dma_start3A_275 = arith.constant 0 : i32
    %dma_start3A_276 = tpu.memref_slice %arg5[%add3A_267, %dma_start3A_275] : memref<16384x768xf32, #tpu.memory_space<hbm>> -> memref<64x768xf32, #tpu.memory_space<hbm>>
    %dma_start3A_277 = arith.constant 0 : i32
    %dma_start3A_278 = arith.constant 0 : i32
    %dma_start3A_279 = tpu.memref_slice %arg7[%dma_start3A_268, %dma_start3A_277, %dma_start3A_278] : memref<2x64x768xf32, #tpu.memory_space<vmem>> -> memref<1x64x768xf32, #tpu.memory_space<vmem>>
    %dma_start3A_280 = tpu.memref_squeeze %dma_start3A_279 : memref<1x64x768xf32, #tpu.memory_space<vmem>> -> memref<64x768xf32, #tpu.memory_space<vmem>>
    tpu.enqueue_dma source(%dma_start3A_280 : memref<64x768xf32, #tpu.memory_space<vmem>>) target(%dma_start3A_276 : memref<64x768xf32, #tpu.memory_space<hbm>>) target_semaphore(%arg9 : memref<!tpu.dma_semaphore, #tpu.memory_space<semaphore_mem>>)
    %dma_wait3A_281 = arith.constant 1 : i32
    %dma_wait3A_282 = arith.constant 0 : i32
    %dma_wait3A_283 = arith.constant 0 : i32
    %dma_wait3A_284 = tpu.memref_slice %arg7[%dma_wait3A_281, %dma_wait3A_282, %dma_wait3A_283] : memref<2x64x768xf32, #tpu.memory_space<vmem>> -> memref<1x64x768xf32, #tpu.memory_space<vmem>>
    %dma_wait3A_285 = tpu.memref_squeeze %dma_wait3A_284 : memref<1x64x768xf32, #tpu.memory_space<vmem>> -> memref<64x768xf32, #tpu.memory_space<vmem>>
    %dma_wait3A_286 = arith.constant 0 : i32
    %dma_wait3A_287 = tpu.memref_slice %arg2[%add3A_252, %dma_wait3A_286] : memref<16384x768xf32, #tpu.memory_space<hbm>> -> memref<64x768xf32, #tpu.memory_space<hbm>>
    %dma_wait3A_288 = arith.constant 0 : i32
    %dma_wait3A_289 = arith.constant 0 : i32
    %dma_wait3A_290 = tpu.memref_slice %arg7[%dma_wait3A_281, %dma_wait3A_288, %dma_wait3A_289] : memref<2x64x768xf32, #tpu.memory_space<vmem>> -> memref<1x64x768xf32, #tpu.memory_space<vmem>>
    %dma_wait3A_291 = tpu.memref_squeeze %dma_wait3A_290 : memref<1x64x768xf32, #tpu.memory_space<vmem>> -> memref<64x768xf32, #tpu.memory_space<vmem>>
    %dma_wait3A_292 = arith.constant 0 : i32
    %dma_wait3A_293 = tpu.memref_slice %arg2[%add3A_252, %dma_wait3A_292] : memref<16384x768xf32, #tpu.memory_space<hbm>> -> memref<64x768xf32, #tpu.memory_space<hbm>>
    tpu.wait_dma2 semaphore(%arg8 : memref<!tpu.dma_semaphore, #tpu.memory_space<semaphore_mem>>) src(%dma_wait3A_293 : memref<64x768xf32, #tpu.memory_space<hbm>>) dst(%dma_wait3A_291 : memref<64x768xf32, #tpu.memory_space<vmem>>)
    %dma_wait3A_294 = arith.constant 0 : i32
    %dma_wait3A_295 = arith.constant 0 : i32
    %dma_wait3A_296 = arith.constant 0 : i32
    %dma_wait3A_297 = tpu.memref_slice %arg7[%dma_wait3A_294, %dma_wait3A_295, %dma_wait3A_296] : memref<2x64x768xf32, #tpu.memory_space<vmem>> -> memref<1x64x768xf32, #tpu.memory_space<vmem>>
    %dma_wait3A_298 = tpu.memref_squeeze %dma_wait3A_297 : memref<1x64x768xf32, #tpu.memory_space<vmem>> -> memref<64x768xf32, #tpu.memory_space<vmem>>
    %dma_wait3A_299 = arith.constant 0 : i32
    %dma_wait3A_300 = tpu.memref_slice %arg5[%add3A_267, %dma_wait3A_299] : memref<16384x768xf32, #tpu.memory_space<hbm>> -> memref<64x768xf32, #tpu.memory_space<hbm>>
    %dma_wait3A_301 = arith.constant 0 : i32
    %dma_wait3A_302 = tpu.memref_slice %arg5[%add3A_267, %dma_wait3A_301] : memref<16384x768xf32, #tpu.memory_space<hbm>> -> memref<64x768xf32, #tpu.memory_space<hbm>>
    %dma_wait3A_303 = arith.constant 0 : i32
    %dma_wait3A_304 = arith.constant 0 : i32
    %dma_wait3A_305 = tpu.memref_slice %arg7[%dma_wait3A_294, %dma_wait3A_303, %dma_wait3A_304] : memref<2x64x768xf32, #tpu.memory_space<vmem>> -> memref<1x64x768xf32, #tpu.memory_space<vmem>>
    %dma_wait3A_306 = tpu.memref_squeeze %dma_wait3A_305 : memref<1x64x768xf32, #tpu.memory_space<vmem>> -> memref<64x768xf32, #tpu.memory_space<vmem>>
    tpu.wait_dma2 semaphore(%arg9 : memref<!tpu.dma_semaphore, #tpu.memory_space<semaphore_mem>>) src(%dma_wait3A_306 : memref<64x768xf32, #tpu.memory_space<vmem>>) dst(%dma_wait3A_302 : memref<64x768xf32, #tpu.memory_space<hbm>>)
    %add3A_307 = arith.constant 384 : i32
    %add3A_308 = arith.addi %add3A, %add3A_307 : i32
    %dma_start3A_309 = arith.constant 0 : i32
    %dma_start3A_310 = arith.constant 0 : i32
    %dma_start3A_311 = arith.constant 0 : i32
    %dma_start3A_312 = tpu.memref_slice %arg7[%dma_start3A_309, %dma_start3A_310, %dma_start3A_311] : memref<2x64x768xf32, #tpu.memory_space<vmem>> -> memref<1x64x768xf32, #tpu.memory_space<vmem>>
    %dma_start3A_313 = tpu.memref_squeeze %dma_start3A_312 : memref<1x64x768xf32, #tpu.memory_space<vmem>> -> memref<64x768xf32, #tpu.memory_space<vmem>>
    %dma_start3A_314 = arith.constant 0 : i32
    %dma_start3A_315 = tpu.memref_slice %arg2[%add3A_308, %dma_start3A_314] : memref<16384x768xf32, #tpu.memory_space<hbm>> -> memref<64x768xf32, #tpu.memory_space<hbm>>
    %dma_start3A_316 = arith.constant 0 : i32
    %dma_start3A_317 = arith.constant 0 : i32
    %dma_start3A_318 = tpu.memref_slice %arg7[%dma_start3A_309, %dma_start3A_316, %dma_start3A_317] : memref<2x64x768xf32, #tpu.memory_space<vmem>> -> memref<1x64x768xf32, #tpu.memory_space<vmem>>
    %dma_start3A_319 = tpu.memref_squeeze %dma_start3A_318 : memref<1x64x768xf32, #tpu.memory_space<vmem>> -> memref<64x768xf32, #tpu.memory_space<vmem>>
    %dma_start3A_320 = arith.constant 0 : i32
    %dma_start3A_321 = tpu.memref_slice %arg2[%add3A_308, %dma_start3A_320] : memref<16384x768xf32, #tpu.memory_space<hbm>> -> memref<64x768xf32, #tpu.memory_space<hbm>>
    tpu.enqueue_dma source(%dma_start3A_321 : memref<64x768xf32, #tpu.memory_space<hbm>>) target(%dma_start3A_319 : memref<64x768xf32, #tpu.memory_space<vmem>>) target_semaphore(%arg8 : memref<!tpu.dma_semaphore, #tpu.memory_space<semaphore_mem>>)
    %add3A_322 = arith.constant 320 : i32
    %add3A_323 = arith.addi %add3A, %add3A_322 : i32
    %dma_start3A_324 = arith.constant 1 : i32
    %dma_start3A_325 = arith.constant 0 : i32
    %dma_start3A_326 = arith.constant 0 : i32
    %dma_start3A_327 = tpu.memref_slice %arg7[%dma_start3A_324, %dma_start3A_325, %dma_start3A_326] : memref<2x64x768xf32, #tpu.memory_space<vmem>> -> memref<1x64x768xf32, #tpu.memory_space<vmem>>
    %dma_start3A_328 = tpu.memref_squeeze %dma_start3A_327 : memref<1x64x768xf32, #tpu.memory_space<vmem>> -> memref<64x768xf32, #tpu.memory_space<vmem>>
    %dma_start3A_329 = arith.constant 0 : i32
    %dma_start3A_330 = tpu.memref_slice %arg5[%add3A_323, %dma_start3A_329] : memref<16384x768xf32, #tpu.memory_space<hbm>> -> memref<64x768xf32, #tpu.memory_space<hbm>>
    %dma_start3A_331 = arith.constant 0 : i32
    %dma_start3A_332 = tpu.memref_slice %arg5[%add3A_323, %dma_start3A_331] : memref<16384x768xf32, #tpu.memory_space<hbm>> -> memref<64x768xf32, #tpu.memory_space<hbm>>
    %dma_start3A_333 = arith.constant 0 : i32
    %dma_start3A_334 = arith.constant 0 : i32
    %dma_start3A_335 = tpu.memref_slice %arg7[%dma_start3A_324, %dma_start3A_333, %dma_start3A_334] : memref<2x64x768xf32, #tpu.memory_space<vmem>> -> memref<1x64x768xf32, #tpu.memory_space<vmem>>
    %dma_start3A_336 = tpu.memref_squeeze %dma_start3A_335 : memref<1x64x768xf32, #tpu.memory_space<vmem>> -> memref<64x768xf32, #tpu.memory_space<vmem>>
    tpu.enqueue_dma source(%dma_start3A_336 : memref<64x768xf32, #tpu.memory_space<vmem>>) target(%dma_start3A_332 : memref<64x768xf32, #tpu.memory_space<hbm>>) target_semaphore(%arg9 : memref<!tpu.dma_semaphore, #tpu.memory_space<semaphore_mem>>)
    %dma_wait3A_337 = arith.constant 0 : i32
    %dma_wait3A_338 = arith.constant 0 : i32
    %dma_wait3A_339 = arith.constant 0 : i32
    %dma_wait3A_340 = tpu.memref_slice %arg7[%dma_wait3A_337, %dma_wait3A_338, %dma_wait3A_339] : memref<2x64x768xf32, #tpu.memory_space<vmem>> -> memref<1x64x768xf32, #tpu.memory_space<vmem>>
    %dma_wait3A_341 = tpu.memref_squeeze %dma_wait3A_340 : memref<1x64x768xf32, #tpu.memory_space<vmem>> -> memref<64x768xf32, #tpu.memory_space<vmem>>
    %dma_wait3A_342 = arith.constant 0 : i32
    %dma_wait3A_343 = tpu.memref_slice %arg2[%add3A_308, %dma_wait3A_342] : memref<16384x768xf32, #tpu.memory_space<hbm>> -> memref<64x768xf32, #tpu.memory_space<hbm>>
    %dma_wait3A_344 = arith.constant 0 : i32
    %dma_wait3A_345 = arith.constant 0 : i32
    %dma_wait3A_346 = tpu.memref_slice %arg7[%dma_wait3A_337, %dma_wait3A_344, %dma_wait3A_345] : memref<2x64x768xf32, #tpu.memory_space<vmem>> -> memref<1x64x768xf32, #tpu.memory_space<vmem>>
    %dma_wait3A_347 = tpu.memref_squeeze %dma_wait3A_346 : memref<1x64x768xf32, #tpu.memory_space<vmem>> -> memref<64x768xf32, #tpu.memory_space<vmem>>
    %dma_wait3A_348 = arith.constant 0 : i32
    %dma_wait3A_349 = tpu.memref_slice %arg2[%add3A_308, %dma_wait3A_348] : memref<16384x768xf32, #tpu.memory_space<hbm>> -> memref<64x768xf32, #tpu.memory_space<hbm>>
    tpu.wait_dma2 semaphore(%arg8 : memref<!tpu.dma_semaphore, #tpu.memory_space<semaphore_mem>>) src(%dma_wait3A_349 : memref<64x768xf32, #tpu.memory_space<hbm>>) dst(%dma_wait3A_347 : memref<64x768xf32, #tpu.memory_space<vmem>>)
    %dma_wait3A_350 = arith.constant 1 : i32
    %dma_wait3A_351 = arith.constant 0 : i32
    %dma_wait3A_352 = arith.constant 0 : i32
    %dma_wait3A_353 = tpu.memref_slice %arg7[%dma_wait3A_350, %dma_wait3A_351, %dma_wait3A_352] : memref<2x64x768xf32, #tpu.memory_space<vmem>> -> memref<1x64x768xf32, #tpu.memory_space<vmem>>
    %dma_wait3A_354 = tpu.memref_squeeze %dma_wait3A_353 : memref<1x64x768xf32, #tpu.memory_space<vmem>> -> memref<64x768xf32, #tpu.memory_space<vmem>>
    %dma_wait3A_355 = arith.constant 0 : i32
    %dma_wait3A_356 = tpu.memref_slice %arg5[%add3A_323, %dma_wait3A_355] : memref<16384x768xf32, #tpu.memory_space<hbm>> -> memref<64x768xf32, #tpu.memory_space<hbm>>
    %dma_wait3A_357 = arith.constant 0 : i32
    %dma_wait3A_358 = tpu.memref_slice %arg5[%add3A_323, %dma_wait3A_357] : memref<16384x768xf32, #tpu.memory_space<hbm>> -> memref<64x768xf32, #tpu.memory_space<hbm>>
    %dma_wait3A_359 = arith.constant 0 : i32
    %dma_wait3A_360 = arith.constant 0 : i32
    %dma_wait3A_361 = tpu.memref_slice %arg7[%dma_wait3A_350, %dma_wait3A_359, %dma_wait3A_360] : memref<2x64x768xf32, #tpu.memory_space<vmem>> -> memref<1x64x768xf32, #tpu.memory_space<vmem>>
    %dma_wait3A_362 = tpu.memref_squeeze %dma_wait3A_361 : memref<1x64x768xf32, #tpu.memory_space<vmem>> -> memref<64x768xf32, #tpu.memory_space<vmem>>
    tpu.wait_dma2 semaphore(%arg9 : memref<!tpu.dma_semaphore, #tpu.memory_space<semaphore_mem>>) src(%dma_wait3A_362 : memref<64x768xf32, #tpu.memory_space<vmem>>) dst(%dma_wait3A_358 : memref<64x768xf32, #tpu.memory_space<hbm>>)
    %add3A_363 = arith.constant 448 : i32
    %add3A_364 = arith.addi %add3A, %add3A_363 : i32
    %dma_start3A_365 = arith.constant 1 : i32
    %dma_start3A_366 = arith.constant 0 : i32
    %dma_start3A_367 = arith.constant 0 : i32
    %dma_start3A_368 = tpu.memref_slice %arg7[%dma_start3A_365, %dma_start3A_366, %dma_start3A_367] : memref<2x64x768xf32, #tpu.memory_space<vmem>> -> memref<1x64x768xf32, #tpu.memory_space<vmem>>
    %dma_start3A_369 = tpu.memref_squeeze %dma_start3A_368 : memref<1x64x768xf32, #tpu.memory_space<vmem>> -> memref<64x768xf32, #tpu.memory_space<vmem>>
    %dma_start3A_370 = arith.constant 0 : i32
    %dma_start3A_371 = tpu.memref_slice %arg2[%add3A_364, %dma_start3A_370] : memref<16384x768xf32, #tpu.memory_space<hbm>> -> memref<64x768xf32, #tpu.memory_space<hbm>>
    %dma_start3A_372 = arith.constant 0 : i32
    %dma_start3A_373 = arith.constant 0 : i32
    %dma_start3A_374 = tpu.memref_slice %arg7[%dma_start3A_365, %dma_start3A_372, %dma_start3A_373] : memref<2x64x768xf32, #tpu.memory_space<vmem>> -> memref<1x64x768xf32, #tpu.memory_space<vmem>>
    %dma_start3A_375 = tpu.memref_squeeze %dma_start3A_374 : memref<1x64x768xf32, #tpu.memory_space<vmem>> -> memref<64x768xf32, #tpu.memory_space<vmem>>
    %dma_start3A_376 = arith.constant 0 : i32
    %dma_start3A_377 = tpu.memref_slice %arg2[%add3A_364, %dma_start3A_376] : memref<16384x768xf32, #tpu.memory_space<hbm>> -> memref<64x768xf32, #tpu.memory_space<hbm>>
    tpu.enqueue_dma source(%dma_start3A_377 : memref<64x768xf32, #tpu.memory_space<hbm>>) target(%dma_start3A_375 : memref<64x768xf32, #tpu.memory_space<vmem>>) target_semaphore(%arg8 : memref<!tpu.dma_semaphore, #tpu.memory_space<semaphore_mem>>)
    %add3A_378 = arith.constant 384 : i32
    %add3A_379 = arith.addi %add3A, %add3A_378 : i32
    %dma_start3A_380 = arith.constant 0 : i32
    %dma_start3A_381 = arith.constant 0 : i32
    %dma_start3A_382 = arith.constant 0 : i32
    %dma_start3A_383 = tpu.memref_slice %arg7[%dma_start3A_380, %dma_start3A_381, %dma_start3A_382] : memref<2x64x768xf32, #tpu.memory_space<vmem>> -> memref<1x64x768xf32, #tpu.memory_space<vmem>>
    %dma_start3A_384 = tpu.memref_squeeze %dma_start3A_383 : memref<1x64x768xf32, #tpu.memory_space<vmem>> -> memref<64x768xf32, #tpu.memory_space<vmem>>
    %dma_start3A_385 = arith.constant 0 : i32
    %dma_start3A_386 = tpu.memref_slice %arg5[%add3A_379, %dma_start3A_385] : memref<16384x768xf32, #tpu.memory_space<hbm>> -> memref<64x768xf32, #tpu.memory_space<hbm>>
    %dma_start3A_387 = arith.constant 0 : i32
    %dma_start3A_388 = tpu.memref_slice %arg5[%add3A_379, %dma_start3A_387] : memref<16384x768xf32, #tpu.memory_space<hbm>> -> memref<64x768xf32, #tpu.memory_space<hbm>>
    %dma_start3A_389 = arith.constant 0 : i32
    %dma_start3A_390 = arith.constant 0 : i32
    %dma_start3A_391 = tpu.memref_slice %arg7[%dma_start3A_380, %dma_start3A_389, %dma_start3A_390] : memref<2x64x768xf32, #tpu.memory_space<vmem>> -> memref<1x64x768xf32, #tpu.memory_space<vmem>>
    %dma_start3A_392 = tpu.memref_squeeze %dma_start3A_391 : memref<1x64x768xf32, #tpu.memory_space<vmem>> -> memref<64x768xf32, #tpu.memory_space<vmem>>
    tpu.enqueue_dma source(%dma_start3A_392 : memref<64x768xf32, #tpu.memory_space<vmem>>) target(%dma_start3A_388 : memref<64x768xf32, #tpu.memory_space<hbm>>) target_semaphore(%arg9 : memref<!tpu.dma_semaphore, #tpu.memory_space<semaphore_mem>>)
    %dma_wait3A_393 = arith.constant 1 : i32
    %dma_wait3A_394 = arith.constant 0 : i32
    %dma_wait3A_395 = arith.constant 0 : i32
    %dma_wait3A_396 = tpu.memref_slice %arg7[%dma_wait3A_393, %dma_wait3A_394, %dma_wait3A_395] : memref<2x64x768xf32, #tpu.memory_space<vmem>> -> memref<1x64x768xf32, #tpu.memory_space<vmem>>
    %dma_wait3A_397 = tpu.memref_squeeze %dma_wait3A_396 : memref<1x64x768xf32, #tpu.memory_space<vmem>> -> memref<64x768xf32, #tpu.memory_space<vmem>>
    %dma_wait3A_398 = arith.constant 0 : i32
    %dma_wait3A_399 = tpu.memref_slice %arg2[%add3A_364, %dma_wait3A_398] : memref<16384x768xf32, #tpu.memory_space<hbm>> -> memref<64x768xf32, #tpu.memory_space<hbm>>
    %dma_wait3A_400 = arith.constant 0 : i32
    %dma_wait3A_401 = arith.constant 0 : i32
    %dma_wait3A_402 = tpu.memref_slice %arg7[%dma_wait3A_393, %dma_wait3A_400, %dma_wait3A_401] : memref<2x64x768xf32, #tpu.memory_space<vmem>> -> memref<1x64x768xf32, #tpu.memory_space<vmem>>
    %dma_wait3A_403 = tpu.memref_squeeze %dma_wait3A_402 : memref<1x64x768xf32, #tpu.memory_space<vmem>> -> memref<64x768xf32, #tpu.memory_space<vmem>>
    %dma_wait3A_404 = arith.constant 0 : i32
    %dma_wait3A_405 = tpu.memref_slice %arg2[%add3A_364, %dma_wait3A_404] : memref<16384x768xf32, #tpu.memory_space<hbm>> -> memref<64x768xf32, #tpu.memory_space<hbm>>
    tpu.wait_dma2 semaphore(%arg8 : memref<!tpu.dma_semaphore, #tpu.memory_space<semaphore_mem>>) src(%dma_wait3A_405 : memref<64x768xf32, #tpu.memory_space<hbm>>) dst(%dma_wait3A_403 : memref<64x768xf32, #tpu.memory_space<vmem>>)
    %dma_wait3A_406 = arith.constant 0 : i32
    %dma_wait3A_407 = arith.constant 0 : i32
    %dma_wait3A_408 = arith.constant 0 : i32
    %dma_wait3A_409 = tpu.memref_slice %arg7[%dma_wait3A_406, %dma_wait3A_407, %dma_wait3A_408] : memref<2x64x768xf32, #tpu.memory_space<vmem>> -> memref<1x64x768xf32, #tpu.memory_space<vmem>>
    %dma_wait3A_410 = tpu.memref_squeeze %dma_wait3A_409 : memref<1x64x768xf32, #tpu.memory_space<vmem>> -> memref<64x768xf32, #tpu.memory_space<vmem>>
    %dma_wait3A_411 = arith.constant 0 : i32
    %dma_wait3A_412 = tpu.memref_slice %arg5[%add3A_379, %dma_wait3A_411] : memref<16384x768xf32, #tpu.memory_space<hbm>> -> memref<64x768xf32, #tpu.memory_space<hbm>>
    %dma_wait3A_413 = arith.constant 0 : i32
    %dma_wait3A_414 = tpu.memref_slice %arg5[%add3A_379, %dma_wait3A_413] : memref<16384x768xf32, #tpu.memory_space<hbm>> -> memref<64x768xf32, #tpu.memory_space<hbm>>
    %dma_wait3A_415 = arith.constant 0 : i32
    %dma_wait3A_416 = arith.constant 0 : i32
    %dma_wait3A_417 = tpu.memref_slice %arg7[%dma_wait3A_406, %dma_wait3A_415, %dma_wait3A_416] : memref<2x64x768xf32, #tpu.memory_space<vmem>> -> memref<1x64x768xf32, #tpu.memory_space<vmem>>
    %dma_wait3A_418 = tpu.memref_squeeze %dma_wait3A_417 : memref<1x64x768xf32, #tpu.memory_space<vmem>> -> memref<64x768xf32, #tpu.memory_space<vmem>>
    tpu.wait_dma2 semaphore(%arg9 : memref<!tpu.dma_semaphore, #tpu.memory_space<semaphore_mem>>) src(%dma_wait3A_418 : memref<64x768xf32, #tpu.memory_space<vmem>>) dst(%dma_wait3A_414 : memref<64x768xf32, #tpu.memory_space<hbm>>)
    %add3A_419 = arith.constant 448 : i32
    %add3A_420 = arith.addi %add3A, %add3A_419 : i32
    %dma_start3A_421 = arith.constant 1 : i32
    %dma_start3A_422 = arith.constant 0 : i32
    %dma_start3A_423 = arith.constant 0 : i32
    %dma_start3A_424 = tpu.memref_slice %arg7[%dma_start3A_421, %dma_start3A_422, %dma_start3A_423] : memref<2x64x768xf32, #tpu.memory_space<vmem>> -> memref<1x64x768xf32, #tpu.memory_space<vmem>>
    %dma_start3A_425 = tpu.memref_squeeze %dma_start3A_424 : memref<1x64x768xf32, #tpu.memory_space<vmem>> -> memref<64x768xf32, #tpu.memory_space<vmem>>
    %dma_start3A_426 = arith.constant 0 : i32
    %dma_start3A_427 = tpu.memref_slice %arg5[%add3A_420, %dma_start3A_426] : memref<16384x768xf32, #tpu.memory_space<hbm>> -> memref<64x768xf32, #tpu.memory_space<hbm>>
    %dma_start3A_428 = arith.constant 0 : i32
    %dma_start3A_429 = tpu.memref_slice %arg5[%add3A_420, %dma_start3A_428] : memref<16384x768xf32, #tpu.memory_space<hbm>> -> memref<64x768xf32, #tpu.memory_space<hbm>>
    %dma_start3A_430 = arith.constant 0 : i32
    %dma_start3A_431 = arith.constant 0 : i32
    %dma_start3A_432 = tpu.memref_slice %arg7[%dma_start3A_421, %dma_start3A_430, %dma_start3A_431] : memref<2x64x768xf32, #tpu.memory_space<vmem>> -> memref<1x64x768xf32, #tpu.memory_space<vmem>>
    %dma_start3A_433 = tpu.memref_squeeze %dma_start3A_432 : memref<1x64x768xf32, #tpu.memory_space<vmem>> -> memref<64x768xf32, #tpu.memory_space<vmem>>
    tpu.enqueue_dma source(%dma_start3A_433 : memref<64x768xf32, #tpu.memory_space<vmem>>) target(%dma_start3A_429 : memref<64x768xf32, #tpu.memory_space<hbm>>) target_semaphore(%arg9 : memref<!tpu.dma_semaphore, #tpu.memory_space<semaphore_mem>>)
    %dma_wait3A_434 = arith.constant 1 : i32
    %dma_wait3A_435 = arith.constant 0 : i32
    %dma_wait3A_436 = arith.constant 0 : i32
    %dma_wait3A_437 = tpu.memref_slice %arg7[%dma_wait3A_434, %dma_wait3A_435, %dma_wait3A_436] : memref<2x64x768xf32, #tpu.memory_space<vmem>> -> memref<1x64x768xf32, #tpu.memory_space<vmem>>
    %dma_wait3A_438 = tpu.memref_squeeze %dma_wait3A_437 : memref<1x64x768xf32, #tpu.memory_space<vmem>> -> memref<64x768xf32, #tpu.memory_space<vmem>>
    %dma_wait3A_439 = arith.constant 0 : i32
    %dma_wait3A_440 = tpu.memref_slice %arg5[%add3A_420, %dma_wait3A_439] : memref<16384x768xf32, #tpu.memory_space<hbm>> -> memref<64x768xf32, #tpu.memory_space<hbm>>
    %dma_wait3A_441 = arith.constant 0 : i32
    %dma_wait3A_442 = tpu.memref_slice %arg5[%add3A_420, %dma_wait3A_441] : memref<16384x768xf32, #tpu.memory_space<hbm>> -> memref<64x768xf32, #tpu.memory_space<hbm>>
    %dma_wait3A_443 = arith.constant 0 : i32
    %dma_wait3A_444 = arith.constant 0 : i32
    %dma_wait3A_445 = tpu.memref_slice %arg7[%dma_wait3A_434, %dma_wait3A_443, %dma_wait3A_444] : memref<2x64x768xf32, #tpu.memory_space<vmem>> -> memref<1x64x768xf32, #tpu.memory_space<vmem>>
    %dma_wait3A_446 = tpu.memref_squeeze %dma_wait3A_445 : memref<1x64x768xf32, #tpu.memory_space<vmem>> -> memref<64x768xf32, #tpu.memory_space<vmem>>
    tpu.wait_dma2 semaphore(%arg9 : memref<!tpu.dma_semaphore, #tpu.memory_space<semaphore_mem>>) src(%dma_wait3A_446 : memref<64x768xf32, #tpu.memory_space<vmem>>) dst(%dma_wait3A_442 : memref<64x768xf32, #tpu.memory_space<hbm>>)
    %barrier3A = arith.constant 0 : index
    tpu.barrier barrier_id(%barrier3A)
    %mul3A_447 = arith.constant 4096 : i32
    %mul3A_448 = arith.muli %arg0, %mul3A_447 : i32
    %mul3A_449 = arith.constant 256 : i32
    %mul3A_450 = arith.muli %arg1, %mul3A_449 : i32
    %add3A_451 = arith.addi %mul3A_448, %mul3A_450 : i32
    %add3A_452 = arith.constant 0 : i32
    %add3A_453 = arith.addi %add3A_451, %add3A_452 : i32
    %run_scoped3A = arith.constant 0 : i32
    "tpu.region"() ({
      %run_scoped3A_571 = tpu.sem_alloc : memref<!tpu.dma_semaphore, #tpu.memory_space<semaphore_mem>>
      %dma_start3A_572 = arith.constant 0 : i32
      %dma_start3A_573 = tpu.memref_slice %arg6[%run_scoped3A, %dma_start3A_572] : memref<4x64xi32, #tpu.memory_space<vmem>> -> memref<1x64xi32, #tpu.memory_space<vmem>>
      %dma_start3A_574 = tpu.memref_squeeze %dma_start3A_573 : memref<1x64xi32, #tpu.memory_space<vmem>> -> memref<64xi32, #tpu.memory_space<vmem>>
      %dma_start3A_575 = tpu.memref_slice %arg4[%add3A_453] : memref<8192xi32, #tpu.memory_space<hbm>> -> memref<64xi32, #tpu.memory_space<hbm>>
      %dma_start3A_576 = arith.constant 0 : i32
      %dma_start3A_577 = tpu.memref_slice %arg6[%run_scoped3A, %dma_start3A_576] : memref<4x64xi32, #tpu.memory_space<vmem>> -> memref<1x64xi32, #tpu.memory_space<vmem>>
      %dma_start3A_578 = tpu.memref_squeeze %dma_start3A_577 : memref<1x64xi32, #tpu.memory_space<vmem>> -> memref<64xi32, #tpu.memory_space<vmem>>
      %dma_start3A_579 = tpu.memref_slice %arg4[%add3A_453] : memref<8192xi32, #tpu.memory_space<hbm>> -> memref<64xi32, #tpu.memory_space<hbm>>
      tpu.enqueue_dma source(%dma_start3A_579 : memref<64xi32, #tpu.memory_space<hbm>>) target(%dma_start3A_578 : memref<64xi32, #tpu.memory_space<vmem>>) target_semaphore(%run_scoped3A_571 : memref<!tpu.dma_semaphore, #tpu.memory_space<semaphore_mem>>)
      %dma_wait3A_580 = arith.constant 0 : i32
      %dma_wait3A_581 = tpu.memref_slice %arg6[%run_scoped3A, %dma_wait3A_580] : memref<4x64xi32, #tpu.memory_space<vmem>> -> memref<1x64xi32, #tpu.memory_space<vmem>>
      %dma_wait3A_582 = tpu.memref_squeeze %dma_wait3A_581 : memref<1x64xi32, #tpu.memory_space<vmem>> -> memref<64xi32, #tpu.memory_space<vmem>>
      %dma_wait3A_583 = tpu.memref_slice %arg4[%add3A_453] : memref<8192xi32, #tpu.memory_space<hbm>> -> memref<64xi32, #tpu.memory_space<hbm>>
      %dma_wait3A_584 = arith.constant 0 : i32
      %dma_wait3A_585 = tpu.memref_slice %arg6[%run_scoped3A, %dma_wait3A_584] : memref<4x64xi32, #tpu.memory_space<vmem>> -> memref<1x64xi32, #tpu.memory_space<vmem>>
      %dma_wait3A_586 = tpu.memref_squeeze %dma_wait3A_585 : memref<1x64xi32, #tpu.memory_space<vmem>> -> memref<64xi32, #tpu.memory_space<vmem>>
      %dma_wait3A_587 = tpu.memref_slice %arg4[%add3A_453] : memref<8192xi32, #tpu.memory_space<hbm>> -> memref<64xi32, #tpu.memory_space<hbm>>
      tpu.wait_dma2 semaphore(%run_scoped3A_571 : memref<!tpu.dma_semaphore, #tpu.memory_space<semaphore_mem>>) src(%dma_wait3A_587 : memref<64xi32, #tpu.memory_space<hbm>>) dst(%dma_wait3A_586 : memref<64xi32, #tpu.memory_space<vmem>>)
      tpu.yield
    }) : () -> ()
    %add3A_454 = arith.constant 64 : i32
    %add3A_455 = arith.addi %add3A_451, %add3A_454 : i32
    %run_scoped3A_456 = arith.constant 1 : i32
    "tpu.region"() ({
      %run_scoped3A_571 = tpu.sem_alloc : memref<!tpu.dma_semaphore, #tpu.memory_space<semaphore_mem>>
      %dma_start3A_572 = arith.constant 0 : i32
      %dma_start3A_573 = tpu.memref_slice %arg6[%run_scoped3A_456, %dma_start3A_572] : memref<4x64xi32, #tpu.memory_space<vmem>> -> memref<1x64xi32, #tpu.memory_space<vmem>>
      %dma_start3A_574 = tpu.memref_squeeze %dma_start3A_573 : memref<1x64xi32, #tpu.memory_space<vmem>> -> memref<64xi32, #tpu.memory_space<vmem>>
      %dma_start3A_575 = tpu.memref_slice %arg4[%add3A_455] : memref<8192xi32, #tpu.memory_space<hbm>> -> memref<64xi32, #tpu.memory_space<hbm>>
      %dma_start3A_576 = arith.constant 0 : i32
      %dma_start3A_577 = tpu.memref_slice %arg6[%run_scoped3A_456, %dma_start3A_576] : memref<4x64xi32, #tpu.memory_space<vmem>> -> memref<1x64xi32, #tpu.memory_space<vmem>>
      %dma_start3A_578 = tpu.memref_squeeze %dma_start3A_577 : memref<1x64xi32, #tpu.memory_space<vmem>> -> memref<64xi32, #tpu.memory_space<vmem>>
      %dma_start3A_579 = tpu.memref_slice %arg4[%add3A_455] : memref<8192xi32, #tpu.memory_space<hbm>> -> memref<64xi32, #tpu.memory_space<hbm>>
      tpu.enqueue_dma source(%dma_start3A_579 : memref<64xi32, #tpu.memory_space<hbm>>) target(%dma_start3A_578 : memref<64xi32, #tpu.memory_space<vmem>>) target_semaphore(%run_scoped3A_571 : memref<!tpu.dma_semaphore, #tpu.memory_space<semaphore_mem>>)
      %dma_wait3A_580 = arith.constant 0 : i32
      %dma_wait3A_581 = tpu.memref_slice %arg6[%run_scoped3A_456, %dma_wait3A_580] : memref<4x64xi32, #tpu.memory_space<vmem>> -> memref<1x64xi32, #tpu.memory_space<vmem>>
      %dma_wait3A_582 = tpu.memref_squeeze %dma_wait3A_581 : memref<1x64xi32, #tpu.memory_space<vmem>> -> memref<64xi32, #tpu.memory_space<vmem>>
      %dma_wait3A_583 = tpu.memref_slice %arg4[%add3A_455] : memref<8192xi32, #tpu.memory_space<hbm>> -> memref<64xi32, #tpu.memory_space<hbm>>
      %dma_wait3A_584 = arith.constant 0 : i32
      %dma_wait3A_585 = tpu.memref_slice %arg6[%run_scoped3A_456, %dma_wait3A_584] : memref<4x64xi32, #tpu.memory_space<vmem>> -> memref<1x64xi32, #tpu.memory_space<vmem>>
      %dma_wait3A_586 = tpu.memref_squeeze %dma_wait3A_585 : memref<1x64xi32, #tpu.memory_space<vmem>> -> memref<64xi32, #tpu.memory_space<vmem>>
      %dma_wait3A_587 = tpu.memref_slice %arg4[%add3A_455] : memref<8192xi32, #tpu.memory_space<hbm>> -> memref<64xi32, #tpu.memory_space<hbm>>
      tpu.wait_dma2 semaphore(%run_scoped3A_571 : memref<!tpu.dma_semaphore, #tpu.memory_space<semaphore_mem>>) src(%dma_wait3A_587 : memref<64xi32, #tpu.memory_space<hbm>>) dst(%dma_wait3A_586 : memref<64xi32, #tpu.memory_space<vmem>>)
      tpu.yield
    }) : () -> ()
    %add3A_457 = arith.constant 128 : i32
    %add3A_458 = arith.addi %add3A_451, %add3A_457 : i32
    %run_scoped3A_459 = arith.constant 2 : i32
    "tpu.region"() ({
      %run_scoped3A_571 = tpu.sem_alloc : memref<!tpu.dma_semaphore, #tpu.memory_space<semaphore_mem>>
      %dma_start3A_572 = arith.constant 0 : i32
      %dma_start3A_573 = tpu.memref_slice %arg6[%run_scoped3A_459, %dma_start3A_572] : memref<4x64xi32, #tpu.memory_space<vmem>> -> memref<1x64xi32, #tpu.memory_space<vmem>>
      %dma_start3A_574 = tpu.memref_squeeze %dma_start3A_573 : memref<1x64xi32, #tpu.memory_space<vmem>> -> memref<64xi32, #tpu.memory_space<vmem>>
      %dma_start3A_575 = tpu.memref_slice %arg4[%add3A_458] : memref<8192xi32, #tpu.memory_space<hbm>> -> memref<64xi32, #tpu.memory_space<hbm>>
      %dma_start3A_576 = arith.constant 0 : i32
      %dma_start3A_577 = tpu.memref_slice %arg6[%run_scoped3A_459, %dma_start3A_576] : memref<4x64xi32, #tpu.memory_space<vmem>> -> memref<1x64xi32, #tpu.memory_space<vmem>>
      %dma_start3A_578 = tpu.memref_squeeze %dma_start3A_577 : memref<1x64xi32, #tpu.memory_space<vmem>> -> memref<64xi32, #tpu.memory_space<vmem>>
      %dma_start3A_579 = tpu.memref_slice %arg4[%add3A_458] : memref<8192xi32, #tpu.memory_space<hbm>> -> memref<64xi32, #tpu.memory_space<hbm>>
      tpu.enqueue_dma source(%dma_start3A_579 : memref<64xi32, #tpu.memory_space<hbm>>) target(%dma_start3A_578 : memref<64xi32, #tpu.memory_space<vmem>>) target_semaphore(%run_scoped3A_571 : memref<!tpu.dma_semaphore, #tpu.memory_space<semaphore_mem>>)
      %dma_wait3A_580 = arith.constant 0 : i32
      %dma_wait3A_581 = tpu.memref_slice %arg6[%run_scoped3A_459, %dma_wait3A_580] : memref<4x64xi32, #tpu.memory_space<vmem>> -> memref<1x64xi32, #tpu.memory_space<vmem>>
      %dma_wait3A_582 = tpu.memref_squeeze %dma_wait3A_581 : memref<1x64xi32, #tpu.memory_space<vmem>> -> memref<64xi32, #tpu.memory_space<vmem>>
      %dma_wait3A_583 = tpu.memref_slice %arg4[%add3A_458] : memref<8192xi32, #tpu.memory_space<hbm>> -> memref<64xi32, #tpu.memory_space<hbm>>
      %dma_wait3A_584 = arith.constant 0 : i32
      %dma_wait3A_585 = tpu.memref_slice %arg6[%run_scoped3A_459, %dma_wait3A_584] : memref<4x64xi32, #tpu.memory_space<vmem>> -> memref<1x64xi32, #tpu.memory_space<vmem>>
      %dma_wait3A_586 = tpu.memref_squeeze %dma_wait3A_585 : memref<1x64xi32, #tpu.memory_space<vmem>> -> memref<64xi32, #tpu.memory_space<vmem>>
      %dma_wait3A_587 = tpu.memref_slice %arg4[%add3A_458] : memref<8192xi32, #tpu.memory_space<hbm>> -> memref<64xi32, #tpu.memory_space<hbm>>
      tpu.wait_dma2 semaphore(%run_scoped3A_571 : memref<!tpu.dma_semaphore, #tpu.memory_space<semaphore_mem>>) src(%dma_wait3A_587 : memref<64xi32, #tpu.memory_space<hbm>>) dst(%dma_wait3A_586 : memref<64xi32, #tpu.memory_space<vmem>>)
      tpu.yield
    }) : () -> ()
    %add3A_460 = arith.constant 192 : i32
    %add3A_461 = arith.addi %add3A_451, %add3A_460 : i32
    %run_scoped3A_462 = arith.constant 3 : i32
    "tpu.region"() ({
      %run_scoped3A_571 = tpu.sem_alloc : memref<!tpu.dma_semaphore, #tpu.memory_space<semaphore_mem>>
      %dma_start3A_572 = arith.constant 0 : i32
      %dma_start3A_573 = tpu.memref_slice %arg6[%run_scoped3A_462, %dma_start3A_572] : memref<4x64xi32, #tpu.memory_space<vmem>> -> memref<1x64xi32, #tpu.memory_space<vmem>>
      %dma_start3A_574 = tpu.memref_squeeze %dma_start3A_573 : memref<1x64xi32, #tpu.memory_space<vmem>> -> memref<64xi32, #tpu.memory_space<vmem>>
      %dma_start3A_575 = tpu.memref_slice %arg4[%add3A_461] : memref<8192xi32, #tpu.memory_space<hbm>> -> memref<64xi32, #tpu.memory_space<hbm>>
      %dma_start3A_576 = arith.constant 0 : i32
      %dma_start3A_577 = tpu.memref_slice %arg6[%run_scoped3A_462, %dma_start3A_576] : memref<4x64xi32, #tpu.memory_space<vmem>> -> memref<1x64xi32, #tpu.memory_space<vmem>>
      %dma_start3A_578 = tpu.memref_squeeze %dma_start3A_577 : memref<1x64xi32, #tpu.memory_space<vmem>> -> memref<64xi32, #tpu.memory_space<vmem>>
      %dma_start3A_579 = tpu.memref_slice %arg4[%add3A_461] : memref<8192xi32, #tpu.memory_space<hbm>> -> memref<64xi32, #tpu.memory_space<hbm>>
      tpu.enqueue_dma source(%dma_start3A_579 : memref<64xi32, #tpu.memory_space<hbm>>) target(%dma_start3A_578 : memref<64xi32, #tpu.memory_space<vmem>>) target_semaphore(%run_scoped3A_571 : memref<!tpu.dma_semaphore, #tpu.memory_space<semaphore_mem>>)
      %dma_wait3A_580 = arith.constant 0 : i32
      %dma_wait3A_581 = tpu.memref_slice %arg6[%run_scoped3A_462, %dma_wait3A_580] : memref<4x64xi32, #tpu.memory_space<vmem>> -> memref<1x64xi32, #tpu.memory_space<vmem>>
      %dma_wait3A_582 = tpu.memref_squeeze %dma_wait3A_581 : memref<1x64xi32, #tpu.memory_space<vmem>> -> memref<64xi32, #tpu.memory_space<vmem>>
      %dma_wait3A_583 = tpu.memref_slice %arg4[%add3A_461] : memref<8192xi32, #tpu.memory_space<hbm>> -> memref<64xi32, #tpu.memory_space<hbm>>
      %dma_wait3A_584 = arith.constant 0 : i32
      %dma_wait3A_585 = tpu.memref_slice %arg6[%run_scoped3A_462, %dma_wait3A_584] : memref<4x64xi32, #tpu.memory_space<vmem>> -> memref<1x64xi32, #tpu.memory_space<vmem>>
      %dma_wait3A_586 = tpu.memref_squeeze %dma_wait3A_585 : memref<1x64xi32, #tpu.memory_space<vmem>> -> memref<64xi32, #tpu.memory_space<vmem>>
      %dma_wait3A_587 = tpu.memref_slice %arg4[%add3A_461] : memref<8192xi32, #tpu.memory_space<hbm>> -> memref<64xi32, #tpu.memory_space<hbm>>
      tpu.wait_dma2 semaphore(%run_scoped3A_571 : memref<!tpu.dma_semaphore, #tpu.memory_space<semaphore_mem>>) src(%dma_wait3A_587 : memref<64xi32, #tpu.memory_space<hbm>>) dst(%dma_wait3A_586 : memref<64xi32, #tpu.memory_space<vmem>>)
      tpu.yield
    }) : () -> ()
    %add3A_463 = arith.constant 0 : i32
    %add3A_464 = arith.addi %add3A_451, %add3A_463 : i32
    %run_scoped3A_465 = arith.constant 0 : i32
    "tpu.region"() ({
      %run_scoped3A_571 = tpu.sem_alloc : memref<!tpu.dma_semaphore, #tpu.memory_space<semaphore_mem>>
      %dma_start3A_572 = arith.constant 0 : i32
      %dma_start3A_573 = arith.constant 0 : i32
      %dma_start3A_574 = tpu.memref_slice %arg7[%run_scoped3A_465, %dma_start3A_572, %dma_start3A_573] : memref<2x64x768xf32, #tpu.memory_space<vmem>> -> memref<1x64x768xf32, #tpu.memory_space<vmem>>
      %dma_start3A_575 = tpu.memref_squeeze %dma_start3A_574 : memref<1x64x768xf32, #tpu.memory_space<vmem>> -> memref<64x768xf32, #tpu.memory_space<vmem>>
      %dma_start3A_576 = arith.constant 0 : i32
      %dma_start3A_577 = tpu.memref_slice %arg3[%add3A_464, %dma_start3A_576] : memref<8192x768xf32, #tpu.memory_space<hbm>> -> memref<64x768xf32, #tpu.memory_space<hbm>>
      %dma_start3A_578 = arith.constant 0 : i32
      %dma_start3A_579 = arith.constant 0 : i32
      %dma_start3A_580 = tpu.memref_slice %arg7[%run_scoped3A_465, %dma_start3A_578, %dma_start3A_579] : memref<2x64x768xf32, #tpu.memory_space<vmem>> -> memref<1x64x768xf32, #tpu.memory_space<vmem>>
      %dma_start3A_581 = tpu.memref_squeeze %dma_start3A_580 : memref<1x64x768xf32, #tpu.memory_space<vmem>> -> memref<64x768xf32, #tpu.memory_space<vmem>>
      %dma_start3A_582 = arith.constant 0 : i32
      %dma_start3A_583 = tpu.memref_slice %arg3[%add3A_464, %dma_start3A_582] : memref<8192x768xf32, #tpu.memory_space<hbm>> -> memref<64x768xf32, #tpu.memory_space<hbm>>
      tpu.enqueue_dma source(%dma_start3A_583 : memref<64x768xf32, #tpu.memory_space<hbm>>) target(%dma_start3A_581 : memref<64x768xf32, #tpu.memory_space<vmem>>) target_semaphore(%run_scoped3A_571 : memref<!tpu.dma_semaphore, #tpu.memory_space<semaphore_mem>>)
      %dma_wait3A_584 = arith.constant 0 : i32
      %dma_wait3A_585 = arith.constant 0 : i32
      %dma_wait3A_586 = tpu.memref_slice %arg7[%run_scoped3A_465, %dma_wait3A_584, %dma_wait3A_585] : memref<2x64x768xf32, #tpu.memory_space<vmem>> -> memref<1x64x768xf32, #tpu.memory_space<vmem>>
      %dma_wait3A_587 = tpu.memref_squeeze %dma_wait3A_586 : memref<1x64x768xf32, #tpu.memory_space<vmem>> -> memref<64x768xf32, #tpu.memory_space<vmem>>
      %dma_wait3A_588 = arith.constant 0 : i32
      %dma_wait3A_589 = tpu.memref_slice %arg3[%add3A_464, %dma_wait3A_588] : memref<8192x768xf32, #tpu.memory_space<hbm>> -> memref<64x768xf32, #tpu.memory_space<hbm>>
      %dma_wait3A_590 = arith.constant 0 : i32
      %dma_wait3A_591 = arith.constant 0 : i32
      %dma_wait3A_592 = tpu.memref_slice %arg7[%run_scoped3A_465, %dma_wait3A_590, %dma_wait3A_591] : memref<2x64x768xf32, #tpu.memory_space<vmem>> -> memref<1x64x768xf32, #tpu.memory_space<vmem>>
      %dma_wait3A_593 = tpu.memref_squeeze %dma_wait3A_592 : memref<1x64x768xf32, #tpu.memory_space<vmem>> -> memref<64x768xf32, #tpu.memory_space<vmem>>
      %dma_wait3A_594 = arith.constant 0 : i32
      %dma_wait3A_595 = tpu.memref_slice %arg3[%add3A_464, %dma_wait3A_594] : memref<8192x768xf32, #tpu.memory_space<hbm>> -> memref<64x768xf32, #tpu.memory_space<hbm>>
      tpu.wait_dma2 semaphore(%run_scoped3A_571 : memref<!tpu.dma_semaphore, #tpu.memory_space<semaphore_mem>>) src(%dma_wait3A_595 : memref<64x768xf32, #tpu.memory_space<hbm>>) dst(%dma_wait3A_593 : memref<64x768xf32, #tpu.memory_space<vmem>>)
      tpu.yield
    }) : () -> ()
    %dma_start3A_466 = arith.constant 0 : i32
    %dma_start3A_467 = arith.constant 0 : i32
    %dma_start3A_468 = arith.constant 0 : i32
    %dma_start3A_469 = arith.constant 0 : i32
    %dma_start3A_470 = tpu.memref_slice %arg7[%dma_start3A_466, %dma_start3A_468, %dma_start3A_469] : memref<2x64x768xf32, #tpu.memory_space<vmem>> -> memref<1x64x768xf32, #tpu.memory_space<vmem>>
    %dma_start3A_471 = tpu.memref_squeeze %dma_start3A_470 : memref<1x64x768xf32, #tpu.memory_space<vmem>> -> memref<64x768xf32, #tpu.memory_space<vmem>>
    %dma_start3A_472 = arith.constant 0 : i32
    %dma_start3A_473 = tpu.memref_slice %arg6[%dma_start3A_467, %dma_start3A_472] : memref<4x64xi32, #tpu.memory_space<vmem>> -> memref<1x64xi32, #tpu.memory_space<vmem>>
    %dma_start3A_474 = tpu.memref_squeeze %dma_start3A_473 : memref<1x64xi32, #tpu.memory_space<vmem>> -> memref<64xi32, #tpu.memory_space<vmem>>
    %dma_start3A_475 = arith.constant 0 : i32
    %dma_start3A_476 = arith.constant 0 : i32
    %dma_start3A_477 = tpu.memref_slice %arg5[%dma_start3A_475, %dma_start3A_476] : memref<16384x768xf32, #tpu.memory_space<hbm>> -> memref<16384x768xf32, #tpu.memory_space<hbm>>
    tpu.enqueue_indirect_dma source(%dma_start3A_471 : memref<64x768xf32, #tpu.memory_space<vmem>>) target(%dma_start3A_477 : memref<16384x768xf32, #tpu.memory_space<hbm>>) offsets(%dma_start3A_474 : memref<64xi32, #tpu.memory_space<vmem>>) semaphore(%arg8 : memref<!tpu.dma_semaphore, #tpu.memory_space<semaphore_mem>>)
    %dma_wait3A_478 = arith.constant 0 : i32
    %dma_wait3A_479 = arith.constant 0 : i32
    %dma_wait3A_480 = arith.constant 0 : i32
    %dma_wait3A_481 = arith.constant 0 : i32
    %dma_wait3A_482 = tpu.memref_slice %arg7[%dma_wait3A_478, %dma_wait3A_480, %dma_wait3A_481] : memref<2x64x768xf32, #tpu.memory_space<vmem>> -> memref<1x64x768xf32, #tpu.memory_space<vmem>>
    %dma_wait3A_483 = tpu.memref_squeeze %dma_wait3A_482 : memref<1x64x768xf32, #tpu.memory_space<vmem>> -> memref<64x768xf32, #tpu.memory_space<vmem>>
    %dma_wait3A_484 = arith.constant 0 : i32
    %dma_wait3A_485 = tpu.memref_slice %arg6[%dma_wait3A_479, %dma_wait3A_484] : memref<4x64xi32, #tpu.memory_space<vmem>> -> memref<1x64xi32, #tpu.memory_space<vmem>>
    %dma_wait3A_486 = tpu.memref_squeeze %dma_wait3A_485 : memref<1x64xi32, #tpu.memory_space<vmem>> -> memref<64xi32, #tpu.memory_space<vmem>>
    %dma_wait3A_487 = arith.constant 0 : i32
    %dma_wait3A_488 = arith.constant 0 : i32
    %dma_wait3A_489 = tpu.memref_slice %arg5[%dma_wait3A_487, %dma_wait3A_488] : memref<16384x768xf32, #tpu.memory_space<hbm>> -> memref<16384x768xf32, #tpu.memory_space<hbm>>
    tpu.wait_indirect_dma semaphore(%arg8 : memref<!tpu.dma_semaphore, #tpu.memory_space<semaphore_mem>>) src(%dma_wait3A_483 : memref<64x768xf32, #tpu.memory_space<vmem>>) dst(%dma_wait3A_489 : memref<16384x768xf32, #tpu.memory_space<hbm>>)
    %add3A_490 = arith.constant 64 : i32
    %add3A_491 = arith.addi %add3A_451, %add3A_490 : i32
    %run_scoped3A_492 = arith.constant 1 : i32
    "tpu.region"() ({
      %run_scoped3A_571 = tpu.sem_alloc : memref<!tpu.dma_semaphore, #tpu.memory_space<semaphore_mem>>
      %dma_start3A_572 = arith.constant 0 : i32
      %dma_start3A_573 = arith.constant 0 : i32
      %dma_start3A_574 = tpu.memref_slice %arg7[%run_scoped3A_492, %dma_start3A_572, %dma_start3A_573] : memref<2x64x768xf32, #tpu.memory_space<vmem>> -> memref<1x64x768xf32, #tpu.memory_space<vmem>>
      %dma_start3A_575 = tpu.memref_squeeze %dma_start3A_574 : memref<1x64x768xf32, #tpu.memory_space<vmem>> -> memref<64x768xf32, #tpu.memory_space<vmem>>
      %dma_start3A_576 = arith.constant 0 : i32
      %dma_start3A_577 = tpu.memref_slice %arg3[%add3A_491, %dma_start3A_576] : memref<8192x768xf32, #tpu.memory_space<hbm>> -> memref<64x768xf32, #tpu.memory_space<hbm>>
      %dma_start3A_578 = arith.constant 0 : i32
      %dma_start3A_579 = arith.constant 0 : i32
      %dma_start3A_580 = tpu.memref_slice %arg7[%run_scoped3A_492, %dma_start3A_578, %dma_start3A_579] : memref<2x64x768xf32, #tpu.memory_space<vmem>> -> memref<1x64x768xf32, #tpu.memory_space<vmem>>
      %dma_start3A_581 = tpu.memref_squeeze %dma_start3A_580 : memref<1x64x768xf32, #tpu.memory_space<vmem>> -> memref<64x768xf32, #tpu.memory_space<vmem>>
      %dma_start3A_582 = arith.constant 0 : i32
      %dma_start3A_583 = tpu.memref_slice %arg3[%add3A_491, %dma_start3A_582] : memref<8192x768xf32, #tpu.memory_space<hbm>> -> memref<64x768xf32, #tpu.memory_space<hbm>>
      tpu.enqueue_dma source(%dma_start3A_583 : memref<64x768xf32, #tpu.memory_space<hbm>>) target(%dma_start3A_581 : memref<64x768xf32, #tpu.memory_space<vmem>>) target_semaphore(%run_scoped3A_571 : memref<!tpu.dma_semaphore, #tpu.memory_space<semaphore_mem>>)
      %dma_wait3A_584 = arith.constant 0 : i32
      %dma_wait3A_585 = arith.constant 0 : i32
      %dma_wait3A_586 = tpu.memref_slice %arg7[%run_scoped3A_492, %dma_wait3A_584, %dma_wait3A_585] : memref<2x64x768xf32, #tpu.memory_space<vmem>> -> memref<1x64x768xf32, #tpu.memory_space<vmem>>
      %dma_wait3A_587 = tpu.memref_squeeze %dma_wait3A_586 : memref<1x64x768xf32, #tpu.memory_space<vmem>> -> memref<64x768xf32, #tpu.memory_space<vmem>>
      %dma_wait3A_588 = arith.constant 0 : i32
      %dma_wait3A_589 = tpu.memref_slice %arg3[%add3A_491, %dma_wait3A_588] : memref<8192x768xf32, #tpu.memory_space<hbm>> -> memref<64x768xf32, #tpu.memory_space<hbm>>
      %dma_wait3A_590 = arith.constant 0 : i32
      %dma_wait3A_591 = arith.constant 0 : i32
      %dma_wait3A_592 = tpu.memref_slice %arg7[%run_scoped3A_492, %dma_wait3A_590, %dma_wait3A_591] : memref<2x64x768xf32, #tpu.memory_space<vmem>> -> memref<1x64x768xf32, #tpu.memory_space<vmem>>
      %dma_wait3A_593 = tpu.memref_squeeze %dma_wait3A_592 : memref<1x64x768xf32, #tpu.memory_space<vmem>> -> memref<64x768xf32, #tpu.memory_space<vmem>>
      %dma_wait3A_594 = arith.constant 0 : i32
      %dma_wait3A_595 = tpu.memref_slice %arg3[%add3A_491, %dma_wait3A_594] : memref<8192x768xf32, #tpu.memory_space<hbm>> -> memref<64x768xf32, #tpu.memory_space<hbm>>
      tpu.wait_dma2 semaphore(%run_scoped3A_571 : memref<!tpu.dma_semaphore, #tpu.memory_space<semaphore_mem>>) src(%dma_wait3A_595 : memref<64x768xf32, #tpu.memory_space<hbm>>) dst(%dma_wait3A_593 : memref<64x768xf32, #tpu.memory_space<vmem>>)
      tpu.yield
    }) : () -> ()
    %dma_start3A_493 = arith.constant 1 : i32
    %dma_start3A_494 = arith.constant 1 : i32
    %dma_start3A_495 = arith.constant 0 : i32
    %dma_start3A_496 = arith.constant 0 : i32
    %dma_start3A_497 = tpu.memref_slice %arg7[%dma_start3A_493, %dma_start3A_495, %dma_start3A_496] : memref<2x64x768xf32, #tpu.memory_space<vmem>> -> memref<1x64x768xf32, #tpu.memory_space<vmem>>
    %dma_start3A_498 = tpu.memref_squeeze %dma_start3A_497 : memref<1x64x768xf32, #tpu.memory_space<vmem>> -> memref<64x768xf32, #tpu.memory_space<vmem>>
    %dma_start3A_499 = arith.constant 0 : i32
    %dma_start3A_500 = tpu.memref_slice %arg6[%dma_start3A_494, %dma_start3A_499] : memref<4x64xi32, #tpu.memory_space<vmem>> -> memref<1x64xi32, #tpu.memory_space<vmem>>
    %dma_start3A_501 = tpu.memref_squeeze %dma_start3A_500 : memref<1x64xi32, #tpu.memory_space<vmem>> -> memref<64xi32, #tpu.memory_space<vmem>>
    %dma_start3A_502 = arith.constant 0 : i32
    %dma_start3A_503 = arith.constant 0 : i32
    %dma_start3A_504 = tpu.memref_slice %arg5[%dma_start3A_502, %dma_start3A_503] : memref<16384x768xf32, #tpu.memory_space<hbm>> -> memref<16384x768xf32, #tpu.memory_space<hbm>>
    tpu.enqueue_indirect_dma source(%dma_start3A_498 : memref<64x768xf32, #tpu.memory_space<vmem>>) target(%dma_start3A_504 : memref<16384x768xf32, #tpu.memory_space<hbm>>) offsets(%dma_start3A_501 : memref<64xi32, #tpu.memory_space<vmem>>) semaphore(%arg8 : memref<!tpu.dma_semaphore, #tpu.memory_space<semaphore_mem>>)
    %dma_wait3A_505 = arith.constant 1 : i32
    %dma_wait3A_506 = arith.constant 1 : i32
    %dma_wait3A_507 = arith.constant 0 : i32
    %dma_wait3A_508 = arith.constant 0 : i32
    %dma_wait3A_509 = tpu.memref_slice %arg7[%dma_wait3A_505, %dma_wait3A_507, %dma_wait3A_508] : memref<2x64x768xf32, #tpu.memory_space<vmem>> -> memref<1x64x768xf32, #tpu.memory_space<vmem>>
    %dma_wait3A_510 = tpu.memref_squeeze %dma_wait3A_509 : memref<1x64x768xf32, #tpu.memory_space<vmem>> -> memref<64x768xf32, #tpu.memory_space<vmem>>
    %dma_wait3A_511 = arith.constant 0 : i32
    %dma_wait3A_512 = tpu.memref_slice %arg6[%dma_wait3A_506, %dma_wait3A_511] : memref<4x64xi32, #tpu.memory_space<vmem>> -> memref<1x64xi32, #tpu.memory_space<vmem>>
    %dma_wait3A_513 = tpu.memref_squeeze %dma_wait3A_512 : memref<1x64xi32, #tpu.memory_space<vmem>> -> memref<64xi32, #tpu.memory_space<vmem>>
    %dma_wait3A_514 = arith.constant 0 : i32
    %dma_wait3A_515 = arith.constant 0 : i32
    %dma_wait3A_516 = tpu.memref_slice %arg5[%dma_wait3A_514, %dma_wait3A_515] : memref<16384x768xf32, #tpu.memory_space<hbm>> -> memref<16384x768xf32, #tpu.memory_space<hbm>>
    tpu.wait_indirect_dma semaphore(%arg8 : memref<!tpu.dma_semaphore, #tpu.memory_space<semaphore_mem>>) src(%dma_wait3A_510 : memref<64x768xf32, #tpu.memory_space<vmem>>) dst(%dma_wait3A_516 : memref<16384x768xf32, #tpu.memory_space<hbm>>)
    %add3A_517 = arith.constant 128 : i32
    %add3A_518 = arith.addi %add3A_451, %add3A_517 : i32
    %run_scoped3A_519 = arith.constant 0 : i32
    "tpu.region"() ({
      %run_scoped3A_571 = tpu.sem_alloc : memref<!tpu.dma_semaphore, #tpu.memory_space<semaphore_mem>>
      %dma_start3A_572 = arith.constant 0 : i32
      %dma_start3A_573 = arith.constant 0 : i32
      %dma_start3A_574 = tpu.memref_slice %arg7[%run_scoped3A_519, %dma_start3A_572, %dma_start3A_573] : memref<2x64x768xf32, #tpu.memory_space<vmem>> -> memref<1x64x768xf32, #tpu.memory_space<vmem>>
      %dma_start3A_575 = tpu.memref_squeeze %dma_start3A_574 : memref<1x64x768xf32, #tpu.memory_space<vmem>> -> memref<64x768xf32, #tpu.memory_space<vmem>>
      %dma_start3A_576 = arith.constant 0 : i32
      %dma_start3A_577 = tpu.memref_slice %arg3[%add3A_518, %dma_start3A_576] : memref<8192x768xf32, #tpu.memory_space<hbm>> -> memref<64x768xf32, #tpu.memory_space<hbm>>
      %dma_start3A_578 = arith.constant 0 : i32
      %dma_start3A_579 = arith.constant 0 : i32
      %dma_start3A_580 = tpu.memref_slice %arg7[%run_scoped3A_519, %dma_start3A_578, %dma_start3A_579] : memref<2x64x768xf32, #tpu.memory_space<vmem>> -> memref<1x64x768xf32, #tpu.memory_space<vmem>>
      %dma_start3A_581 = tpu.memref_squeeze %dma_start3A_580 : memref<1x64x768xf32, #tpu.memory_space<vmem>> -> memref<64x768xf32, #tpu.memory_space<vmem>>
      %dma_start3A_582 = arith.constant 0 : i32
      %dma_start3A_583 = tpu.memref_slice %arg3[%add3A_518, %dma_start3A_582] : memref<8192x768xf32, #tpu.memory_space<hbm>> -> memref<64x768xf32, #tpu.memory_space<hbm>>
      tpu.enqueue_dma source(%dma_start3A_583 : memref<64x768xf32, #tpu.memory_space<hbm>>) target(%dma_start3A_581 : memref<64x768xf32, #tpu.memory_space<vmem>>) target_semaphore(%run_scoped3A_571 : memref<!tpu.dma_semaphore, #tpu.memory_space<semaphore_mem>>)
      %dma_wait3A_584 = arith.constant 0 : i32
      %dma_wait3A_585 = arith.constant 0 : i32
      %dma_wait3A_586 = tpu.memref_slice %arg7[%run_scoped3A_519, %dma_wait3A_584, %dma_wait3A_585] : memref<2x64x768xf32, #tpu.memory_space<vmem>> -> memref<1x64x768xf32, #tpu.memory_space<vmem>>
      %dma_wait3A_587 = tpu.memref_squeeze %dma_wait3A_586 : memref<1x64x768xf32, #tpu.memory_space<vmem>> -> memref<64x768xf32, #tpu.memory_space<vmem>>
      %dma_wait3A_588 = arith.constant 0 : i32
      %dma_wait3A_589 = tpu.memref_slice %arg3[%add3A_518, %dma_wait3A_588] : memref<8192x768xf32, #tpu.memory_space<hbm>> -> memref<64x768xf32, #tpu.memory_space<hbm>>
      %dma_wait3A_590 = arith.constant 0 : i32
      %dma_wait3A_591 = arith.constant 0 : i32
      %dma_wait3A_592 = tpu.memref_slice %arg7[%run_scoped3A_519, %dma_wait3A_590, %dma_wait3A_591] : memref<2x64x768xf32, #tpu.memory_space<vmem>> -> memref<1x64x768xf32, #tpu.memory_space<vmem>>
      %dma_wait3A_593 = tpu.memref_squeeze %dma_wait3A_592 : memref<1x64x768xf32, #tpu.memory_space<vmem>> -> memref<64x768xf32, #tpu.memory_space<vmem>>
      %dma_wait3A_594 = arith.constant 0 : i32
      %dma_wait3A_595 = tpu.memref_slice %arg3[%add3A_518, %dma_wait3A_594] : memref<8192x768xf32, #tpu.memory_space<hbm>> -> memref<64x768xf32, #tpu.memory_space<hbm>>
      tpu.wait_dma2 semaphore(%run_scoped3A_571 : memref<!tpu.dma_semaphore, #tpu.memory_space<semaphore_mem>>) src(%dma_wait3A_595 : memref<64x768xf32, #tpu.memory_space<hbm>>) dst(%dma_wait3A_593 : memref<64x768xf32, #tpu.memory_space<vmem>>)
      tpu.yield
    }) : () -> ()
    %dma_start3A_520 = arith.constant 0 : i32
    %dma_start3A_521 = arith.constant 2 : i32
    %dma_start3A_522 = arith.constant 0 : i32
    %dma_start3A_523 = arith.constant 0 : i32
    %dma_start3A_524 = tpu.memref_slice %arg7[%dma_start3A_520, %dma_start3A_522, %dma_start3A_523] : memref<2x64x768xf32, #tpu.memory_space<vmem>> -> memref<1x64x768xf32, #tpu.memory_space<vmem>>
    %dma_start3A_525 = tpu.memref_squeeze %dma_start3A_524 : memref<1x64x768xf32, #tpu.memory_space<vmem>> -> memref<64x768xf32, #tpu.memory_space<vmem>>
    %dma_start3A_526 = arith.constant 0 : i32
    %dma_start3A_527 = tpu.memref_slice %arg6[%dma_start3A_521, %dma_start3A_526] : memref<4x64xi32, #tpu.memory_space<vmem>> -> memref<1x64xi32, #tpu.memory_space<vmem>>
    %dma_start3A_528 = tpu.memref_squeeze %dma_start3A_527 : memref<1x64xi32, #tpu.memory_space<vmem>> -> memref<64xi32, #tpu.memory_space<vmem>>
    %dma_start3A_529 = arith.constant 0 : i32
    %dma_start3A_530 = arith.constant 0 : i32
    %dma_start3A_531 = tpu.memref_slice %arg5[%dma_start3A_529, %dma_start3A_530] : memref<16384x768xf32, #tpu.memory_space<hbm>> -> memref<16384x768xf32, #tpu.memory_space<hbm>>
    tpu.enqueue_indirect_dma source(%dma_start3A_525 : memref<64x768xf32, #tpu.memory_space<vmem>>) target(%dma_start3A_531 : memref<16384x768xf32, #tpu.memory_space<hbm>>) offsets(%dma_start3A_528 : memref<64xi32, #tpu.memory_space<vmem>>) semaphore(%arg8 : memref<!tpu.dma_semaphore, #tpu.memory_space<semaphore_mem>>)
    %dma_wait3A_532 = arith.constant 0 : i32
    %dma_wait3A_533 = arith.constant 2 : i32
    %dma_wait3A_534 = arith.constant 0 : i32
    %dma_wait3A_535 = arith.constant 0 : i32
    %dma_wait3A_536 = tpu.memref_slice %arg7[%dma_wait3A_532, %dma_wait3A_534, %dma_wait3A_535] : memref<2x64x768xf32, #tpu.memory_space<vmem>> -> memref<1x64x768xf32, #tpu.memory_space<vmem>>
    %dma_wait3A_537 = tpu.memref_squeeze %dma_wait3A_536 : memref<1x64x768xf32, #tpu.memory_space<vmem>> -> memref<64x768xf32, #tpu.memory_space<vmem>>
    %dma_wait3A_538 = arith.constant 0 : i32
    %dma_wait3A_539 = tpu.memref_slice %arg6[%dma_wait3A_533, %dma_wait3A_538] : memref<4x64xi32, #tpu.memory_space<vmem>> -> memref<1x64xi32, #tpu.memory_space<vmem>>
    %dma_wait3A_540 = tpu.memref_squeeze %dma_wait3A_539 : memref<1x64xi32, #tpu.memory_space<vmem>> -> memref<64xi32, #tpu.memory_space<vmem>>
    %dma_wait3A_541 = arith.constant 0 : i32
    %dma_wait3A_542 = arith.constant 0 : i32
    %dma_wait3A_543 = tpu.memref_slice %arg5[%dma_wait3A_541, %dma_wait3A_542] : memref<16384x768xf32, #tpu.memory_space<hbm>> -> memref<16384x768xf32, #tpu.memory_space<hbm>>
    tpu.wait_indirect_dma semaphore(%arg8 : memref<!tpu.dma_semaphore, #tpu.memory_space<semaphore_mem>>) src(%dma_wait3A_537 : memref<64x768xf32, #tpu.memory_space<vmem>>) dst(%dma_wait3A_543 : memref<16384x768xf32, #tpu.memory_space<hbm>>)
    %add3A_544 = arith.constant 192 : i32
    %add3A_545 = arith.addi %add3A_451, %add3A_544 : i32
    %run_scoped3A_546 = arith.constant 1 : i32
    "tpu.region"() ({
      %run_scoped3A_571 = tpu.sem_alloc : memref<!tpu.dma_semaphore, #tpu.memory_space<semaphore_mem>>
      %dma_start3A_572 = arith.constant 0 : i32
      %dma_start3A_573 = arith.constant 0 : i32
      %dma_start3A_574 = tpu.memref_slice %arg7[%run_scoped3A_546, %dma_start3A_572, %dma_start3A_573] : memref<2x64x768xf32, #tpu.memory_space<vmem>> -> memref<1x64x768xf32, #tpu.memory_space<vmem>>
      %dma_start3A_575 = tpu.memref_squeeze %dma_start3A_574 : memref<1x64x768xf32, #tpu.memory_space<vmem>> -> memref<64x768xf32, #tpu.memory_space<vmem>>
      %dma_start3A_576 = arith.constant 0 : i32
      %dma_start3A_577 = tpu.memref_slice %arg3[%add3A_545, %dma_start3A_576] : memref<8192x768xf32, #tpu.memory_space<hbm>> -> memref<64x768xf32, #tpu.memory_space<hbm>>
      %dma_start3A_578 = arith.constant 0 : i32
      %dma_start3A_579 = arith.constant 0 : i32
      %dma_start3A_580 = tpu.memref_slice %arg7[%run_scoped3A_546, %dma_start3A_578, %dma_start3A_579] : memref<2x64x768xf32, #tpu.memory_space<vmem>> -> memref<1x64x768xf32, #tpu.memory_space<vmem>>
      %dma_start3A_581 = tpu.memref_squeeze %dma_start3A_580 : memref<1x64x768xf32, #tpu.memory_space<vmem>> -> memref<64x768xf32, #tpu.memory_space<vmem>>
      %dma_start3A_582 = arith.constant 0 : i32
      %dma_start3A_583 = tpu.memref_slice %arg3[%add3A_545, %dma_start3A_582] : memref<8192x768xf32, #tpu.memory_space<hbm>> -> memref<64x768xf32, #tpu.memory_space<hbm>>
      tpu.enqueue_dma source(%dma_start3A_583 : memref<64x768xf32, #tpu.memory_space<hbm>>) target(%dma_start3A_581 : memref<64x768xf32, #tpu.memory_space<vmem>>) target_semaphore(%run_scoped3A_571 : memref<!tpu.dma_semaphore, #tpu.memory_space<semaphore_mem>>)
      %dma_wait3A_584 = arith.constant 0 : i32
      %dma_wait3A_585 = arith.constant 0 : i32
      %dma_wait3A_586 = tpu.memref_slice %arg7[%run_scoped3A_546, %dma_wait3A_584, %dma_wait3A_585] : memref<2x64x768xf32, #tpu.memory_space<vmem>> -> memref<1x64x768xf32, #tpu.memory_space<vmem>>
      %dma_wait3A_587 = tpu.memref_squeeze %dma_wait3A_586 : memref<1x64x768xf32, #tpu.memory_space<vmem>> -> memref<64x768xf32, #tpu.memory_space<vmem>>
      %dma_wait3A_588 = arith.constant 0 : i32
      %dma_wait3A_589 = tpu.memref_slice %arg3[%add3A_545, %dma_wait3A_588] : memref<8192x768xf32, #tpu.memory_space<hbm>> -> memref<64x768xf32, #tpu.memory_space<hbm>>
      %dma_wait3A_590 = arith.constant 0 : i32
      %dma_wait3A_591 = arith.constant 0 : i32
      %dma_wait3A_592 = tpu.memref_slice %arg7[%run_scoped3A_546, %dma_wait3A_590, %dma_wait3A_591] : memref<2x64x768xf32, #tpu.memory_space<vmem>> -> memref<1x64x768xf32, #tpu.memory_space<vmem>>
      %dma_wait3A_593 = tpu.memref_squeeze %dma_wait3A_592 : memref<1x64x768xf32, #tpu.memory_space<vmem>> -> memref<64x768xf32, #tpu.memory_space<vmem>>
      %dma_wait3A_594 = arith.constant 0 : i32
      %dma_wait3A_595 = tpu.memref_slice %arg3[%add3A_545, %dma_wait3A_594] : memref<8192x768xf32, #tpu.memory_space<hbm>> -> memref<64x768xf32, #tpu.memory_space<hbm>>
      tpu.wait_dma2 semaphore(%run_scoped3A_571 : memref<!tpu.dma_semaphore, #tpu.memory_space<semaphore_mem>>) src(%dma_wait3A_595 : memref<64x768xf32, #tpu.memory_space<hbm>>) dst(%dma_wait3A_593 : memref<64x768xf32, #tpu.memory_space<vmem>>)
      tpu.yield
    }) : () -> ()
    %dma_start3A_547 = arith.constant 1 : i32
    %dma_start3A_548 = arith.constant 3 : i32
    %dma_start3A_549 = arith.constant 0 : i32
    %dma_start3A_550 = arith.constant 0 : i32
    %dma_start3A_551 = tpu.memref_slice %arg7[%dma_start3A_547, %dma_start3A_549, %dma_start3A_550] : memref<2x64x768xf32, #tpu.memory_space<vmem>> -> memref<1x64x768xf32, #tpu.memory_space<vmem>>
    %dma_start3A_552 = tpu.memref_squeeze %dma_start3A_551 : memref<1x64x768xf32, #tpu.memory_space<vmem>> -> memref<64x768xf32, #tpu.memory_space<vmem>>
    %dma_start3A_553 = arith.constant 0 : i32
    %dma_start3A_554 = tpu.memref_slice %arg6[%dma_start3A_548, %dma_start3A_553] : memref<4x64xi32, #tpu.memory_space<vmem>> -> memref<1x64xi32, #tpu.memory_space<vmem>>
    %dma_start3A_555 = tpu.memref_squeeze %dma_start3A_554 : memref<1x64xi32, #tpu.memory_space<vmem>> -> memref<64xi32, #tpu.memory_space<vmem>>
    %dma_start3A_556 = arith.constant 0 : i32
    %dma_start3A_557 = arith.constant 0 : i32
    %dma_start3A_558 = tpu.memref_slice %arg5[%dma_start3A_556, %dma_start3A_557] : memref<16384x768xf32, #tpu.memory_space<hbm>> -> memref<16384x768xf32, #tpu.memory_space<hbm>>
    tpu.enqueue_indirect_dma source(%dma_start3A_552 : memref<64x768xf32, #tpu.memory_space<vmem>>) target(%dma_start3A_558 : memref<16384x768xf32, #tpu.memory_space<hbm>>) offsets(%dma_start3A_555 : memref<64xi32, #tpu.memory_space<vmem>>) semaphore(%arg8 : memref<!tpu.dma_semaphore, #tpu.memory_space<semaphore_mem>>)
    %dma_wait3A_559 = arith.constant 1 : i32
    %dma_wait3A_560 = arith.constant 3 : i32
    %dma_wait3A_561 = arith.constant 0 : i32
    %dma_wait3A_562 = arith.constant 0 : i32
    %dma_wait3A_563 = tpu.memref_slice %arg7[%dma_wait3A_559, %dma_wait3A_561, %dma_wait3A_562] : memref<2x64x768xf32, #tpu.memory_space<vmem>> -> memref<1x64x768xf32, #tpu.memory_space<vmem>>
    %dma_wait3A_564 = tpu.memref_squeeze %dma_wait3A_563 : memref<1x64x768xf32, #tpu.memory_space<vmem>> -> memref<64x768xf32, #tpu.memory_space<vmem>>
    %dma_wait3A_565 = arith.constant 0 : i32
    %dma_wait3A_566 = tpu.memref_slice %arg6[%dma_wait3A_560, %dma_wait3A_565] : memref<4x64xi32, #tpu.memory_space<vmem>> -> memref<1x64xi32, #tpu.memory_space<vmem>>
    %dma_wait3A_567 = tpu.memref_squeeze %dma_wait3A_566 : memref<1x64xi32, #tpu.memory_space<vmem>> -> memref<64xi32, #tpu.memory_space<vmem>>
    %dma_wait3A_568 = arith.constant 0 : i32
    %dma_wait3A_569 = arith.constant 0 : i32
    %dma_wait3A_570 = tpu.memref_slice %arg5[%dma_wait3A_568, %dma_wait3A_569] : memref<16384x768xf32, #tpu.memory_space<hbm>> -> memref<16384x768xf32, #tpu.memory_space<hbm>>
    tpu.wait_indirect_dma semaphore(%arg8 : memref<!tpu.dma_semaphore, #tpu.memory_space<semaphore_mem>>) src(%dma_wait3A_564 : memref<64x768xf32, #tpu.memory_space<vmem>>) dst(%dma_wait3A_570 : memref<16384x768xf32, #tpu.memory_space<hbm>>)
    return
  }
}

#map = affine_map<(d0, d1) -> (0, 0)>
#map1 = affine_map<(d0, d1) -> (0)>
module attributes {stable_mosaic.version = 14 : i64} {
  func.func @_sc_gather_body(%arg0: i32, %arg1: i32, %arg2: memref<4x4096xf32, #tpu.memory_space<hbm>>, %arg3: memref<64xf32, #tpu.memory_space<hbm>>, %arg4: memref<16384x768xf32, #tpu.memory_space<hbm>>, %arg5: memref<8192xi32, #tpu.memory_space<hbm>>, %arg6: memref<8192x768xf32, #tpu.memory_space<hbm>>, %arg7: memref<4096xf32, #tpu.memory_space<vmem>>, %arg8: memref<16xf32, #tpu.memory_space<vmem>>, %arg9: memref<4128xi32, #tpu.memory_space<vmem>>, %arg10: memref<4x64xi32, #tpu.memory_space<vmem>>, %arg11: memref<2x64x768xf32, #tpu.memory_space<vmem>>, %arg12: memref<!tpu.dma_semaphore, #tpu.memory_space<semaphore_mem>>) attributes {dimension_semantics = [#tpu.dimension_semantics<core_parallel>, #tpu.dimension_semantics<subcore_parallel>], iteration_bounds = array<i64: 2, 16>, scalar_prefetch = 0 : i64, scratch_operands = 6 : i64, tpu.core_type = #tpu.core_type<sc_vector_subcore>, window_params = [{transform_indices = #map}, {transform_indices = #map1}, {transform_indices = #map}, {transform_indices = #map1}, {transform_indices = #map}]} {
    %mul3A = arith.constant 2 : i32
    %mul3A_0 = arith.muli %mul3A, %arg0 : i32
    %jit3A = arith.constant 2 : i32
    %eq3A = arith.constant 0 : i32
    %eq3A_1 = arith.cmpi eq, %jit3A, %eq3A : i32
    %jit3A_2 = arith.constant 1 : i32
    %select_n3A = arith.select %eq3A_1, %jit3A_2, %jit3A : i32
    %rem3A = arith.remsi %arg1, %select_n3A : i32
    %ne3A = arith.constant 0 : i32
    %ne3A_3 = arith.cmpi ne, %rem3A, %ne3A : i32
    %lt3A = arith.constant 0 : i32
    %lt3A_4 = arith.cmpi slt, %rem3A, %lt3A : i32
    %lt3A_5 = arith.constant 0 : i32
    %lt3A_6 = arith.cmpi slt, %select_n3A, %lt3A_5 : i32
    %ne3A_7 = arith.xori %lt3A_4, %lt3A_6 : i1
    %and3A = arith.andi %ne3A_7, %ne3A_3 : i1
    %add3A = arith.addi %rem3A, %select_n3A : i32
    %select_n3A_8 = arith.select %and3A, %add3A, %rem3A : i32
    %add3A_9 = arith.addi %mul3A_0, %select_n3A_8 : i32
    "tpu.region"() ({
      %run_scoped3A_146 = tpu.sem_alloc : memref<!tpu.dma_semaphore, #tpu.memory_space<semaphore_mem>>
      %dma_start3A_147 = arith.constant 0 : i32
      %dma_start3A_148 = tpu.memref_slice %arg2[%add3A_9, %dma_start3A_147] : memref<4x4096xf32, #tpu.memory_space<hbm>> -> memref<1x4096xf32, #tpu.memory_space<hbm>>
      %dma_start3A_149 = tpu.memref_squeeze %dma_start3A_148 : memref<1x4096xf32, #tpu.memory_space<hbm>> -> memref<4096xf32, #tpu.memory_space<hbm>>
      %dma_start3A_150 = arith.constant 0 : i32
      %dma_start3A_151 = tpu.memref_slice %arg2[%add3A_9, %dma_start3A_150] : memref<4x4096xf32, #tpu.memory_space<hbm>> -> memref<1x4096xf32, #tpu.memory_space<hbm>>
      %dma_start3A_152 = tpu.memref_squeeze %dma_start3A_151 : memref<1x4096xf32, #tpu.memory_space<hbm>> -> memref<4096xf32, #tpu.memory_space<hbm>>
      tpu.enqueue_dma source(%dma_start3A_152 : memref<4096xf32, #tpu.memory_space<hbm>>) target(%arg7 : memref<4096xf32, #tpu.memory_space<vmem>>) target_semaphore(%run_scoped3A_146 : memref<!tpu.dma_semaphore, #tpu.memory_space<semaphore_mem>>)
      %dma_wait3A_153 = arith.constant 0 : i32
      %dma_wait3A_154 = tpu.memref_slice %arg2[%add3A_9, %dma_wait3A_153] : memref<4x4096xf32, #tpu.memory_space<hbm>> -> memref<1x4096xf32, #tpu.memory_space<hbm>>
      %dma_wait3A_155 = tpu.memref_squeeze %dma_wait3A_154 : memref<1x4096xf32, #tpu.memory_space<hbm>> -> memref<4096xf32, #tpu.memory_space<hbm>>
      %dma_wait3A_156 = arith.constant 0 : i32
      %dma_wait3A_157 = tpu.memref_slice %arg2[%add3A_9, %dma_wait3A_156] : memref<4x4096xf32, #tpu.memory_space<hbm>> -> memref<1x4096xf32, #tpu.memory_space<hbm>>
      %dma_wait3A_158 = tpu.memref_squeeze %dma_wait3A_157 : memref<1x4096xf32, #tpu.memory_space<hbm>> -> memref<4096xf32, #tpu.memory_space<hbm>>
      tpu.wait_dma2 semaphore(%run_scoped3A_146 : memref<!tpu.dma_semaphore, #tpu.memory_space<semaphore_mem>>) src(%dma_wait3A_158 : memref<4096xf32, #tpu.memory_space<hbm>>) dst(%arg7 : memref<4096xf32, #tpu.memory_space<vmem>>)
      tpu.yield
    }) : () -> ()
    %mul3A_10 = arith.constant 16 : i32
    %mul3A_11 = arith.muli %add3A_9, %mul3A_10 : i32
    "tpu.region"() ({
      %run_scoped3A_146 = tpu.sem_alloc : memref<!tpu.dma_semaphore, #tpu.memory_space<semaphore_mem>>
      %dma_start3A_147 = tpu.memref_slice %arg3[%mul3A_11] : memref<64xf32, #tpu.memory_space<hbm>> -> memref<16xf32, #tpu.memory_space<hbm>>
      %dma_start3A_148 = tpu.memref_slice %arg3[%mul3A_11] : memref<64xf32, #tpu.memory_space<hbm>> -> memref<16xf32, #tpu.memory_space<hbm>>
      tpu.enqueue_dma source(%dma_start3A_148 : memref<16xf32, #tpu.memory_space<hbm>>) target(%arg8 : memref<16xf32, #tpu.memory_space<vmem>>) target_semaphore(%run_scoped3A_146 : memref<!tpu.dma_semaphore, #tpu.memory_space<semaphore_mem>>)
      %dma_wait3A_149 = tpu.memref_slice %arg3[%mul3A_11] : memref<64xf32, #tpu.memory_space<hbm>> -> memref<16xf32, #tpu.memory_space<hbm>>
      %dma_wait3A_150 = tpu.memref_slice %arg3[%mul3A_11] : memref<64xf32, #tpu.memory_space<hbm>> -> memref<16xf32, #tpu.memory_space<hbm>>
      tpu.wait_dma2 semaphore(%run_scoped3A_146 : memref<!tpu.dma_semaphore, #tpu.memory_space<semaphore_mem>>) src(%dma_wait3A_150 : memref<16xf32, #tpu.memory_space<hbm>>) dst(%arg8 : memref<16xf32, #tpu.memory_space<vmem>>)
      tpu.yield
    }) : () -> ()
    %get3A = arith.constant 0 : index
    %get3A_12 = tpu.vector_load %arg8[%get3A] {strides = array<i32>} : memref<16xf32, #tpu.memory_space<vmem>>, vector<16xf32>,
    %mul3A_13 = arith.constant 4096 : i32
    %mul3A_14 = arith.muli %add3A_9, %mul3A_13 : i32
    %scan3A = arith.constant 0 : i32
    %scan3A_15 = arith.constant 0 : i32
    %scan3A_16 = arith.constant 256 : i32
    %scan3A_17 = arith.addi %scan3A_15, %scan3A_16 : i32
    %scan3A_18 = arith.constant 1 : i32
    %scan3A_19 = scf.for %scan3A_146 = %scan3A_15 to %scan3A_17 step %scan3A_18 iter_args(%scan3A_147 = %scan3A) -> (i32)  : i32 {
      %mul3A_148 = arith.constant 16 : i32
      %mul3A_149 = arith.muli %scan3A_146, %mul3A_148 : i32
      %get3A_150 = arith.index_cast %mul3A_149 : i32 to index
      %get3A_151 = tpu.vector_load %arg7[%get3A_150] {strides = array<i32>} : memref<4096xf32, #tpu.memory_space<vmem>>, vector<16xf32>,
      %ge3A = arith.cmpf oge, %get3A_151, %get3A_12 : vector<16xf32>
      %convert_element_type3A_152 = arith.extui %ge3A : vector<16xi1> to vector<16xi32>
      %broadcast_in_dim3A = arith.constant true
      %broadcast_in_dim3A_153 = vector.broadcast %broadcast_in_dim3A : i1 to vector<16xi1>
      %masked_cumsum3A = tpu.scan <sum>, %convert_element_type3A_152 masked %broadcast_in_dim3A_153 : vector<16xi32>, vector<16xi1> -> vector<16xi32>
      %iota3A = tpu.iota {dimensions = array<i32: 0>} : vector<16xi32>
      %mul3A_154 = arith.constant 16 : i32
      %mul3A_155 = arith.muli %scan3A_146, %mul3A_154 : i32
      %add3A_156 = arith.addi %mul3A_14, %mul3A_155 : i32
      %add3A_157 = vector.broadcast %add3A_156 : i32 to vector<16xi32>
      %add3A_158 = arith.addi %iota3A, %add3A_157 : vector<16xi32>
      %add3A_159 = vector.broadcast %scan3A_147 : i32 to vector<16xi32>
      %add3A_160 = arith.addi %add3A_159, %masked_cumsum3A : vector<16xi32>
      %sub3A = arith.constant 1 : i32
      %sub3A_161 = vector.broadcast %sub3A : i32 to vector<16xi32>
      %sub3A_162 = arith.subi %add3A_160, %sub3A_161 : vector<16xi32>
      %jit3A_163 = arith.constant 4104 : i32
      %broadcast_in_dim3A_164 = vector.broadcast %jit3A_163 : i32 to vector<16xi32>
      %select_n3A_165 = arith.select %ge3A, %sub3A_162, %broadcast_in_dim3A_164 : vector<16xi1>, vector<16xi32>
      tpu.vector_store_idx %arg9[%select_n3A_165], %add3A_158 : memref<4128xi32, #tpu.memory_space<vmem>>[vector<16xi32>], vector<16xi32>,
      %reduce_sum3A = arith.constant true
      %reduce_sum3A_166 = vector.broadcast %reduce_sum3A : i1 to vector<16xi1>
      %reduce_sum3A_167 = tpu.scan <sum>, %convert_element_type3A_152 masked %reduce_sum3A_166 : vector<16xi32>, vector<16xi1> -> vector<16xi32>
      %reduce_sum3A_168 = vector.extract %reduce_sum3A_167[15] : i32 from vector<16xi32>
      %add3A_169 = arith.addi %scan3A_147, %reduce_sum3A_168 : i32
      scf.yield %add3A_169 : i32
    }
    %scan3A_20 = arith.constant 256 : i32
    %lt3A_21 = arith.constant 2 : i32
    %lt3A_22 = arith.cmpi slt, %arg1, %lt3A_21 : i32
    %convert_element_type3A = arith.extui %lt3A_22 : i1 to i32
    %cond3A = arith.constant 0 : i32
    %cond3A_23 = arith.cmpi ne, %convert_element_type3A, %cond3A : i32
    scf.if %cond3A_23 {
      %mul3A_146 = arith.constant 2048 : i32
      %mul3A_147 = arith.muli %add3A_9, %mul3A_146 : i32
      "tpu.region"() ({
        %run_scoped3A_148 = tpu.sem_alloc : memref<!tpu.dma_semaphore, #tpu.memory_space<semaphore_mem>>
        %dma_start3A_149 = arith.constant 0 : i32
        %dma_start3A_150 = tpu.memref_slice %arg9[%dma_start3A_149] : memref<4128xi32, #tpu.memory_space<vmem>> -> memref<2048xi32, #tpu.memory_space<vmem>>
        %dma_start3A_151 = tpu.memref_slice %arg5[%mul3A_147] : memref<8192xi32, #tpu.memory_space<hbm>> -> memref<2048xi32, #tpu.memory_space<hbm>>
        %dma_start3A_152 = tpu.memref_slice %arg5[%mul3A_147] : memref<8192xi32, #tpu.memory_space<hbm>> -> memref<2048xi32, #tpu.memory_space<hbm>>
        %dma_start3A_153 = arith.constant 0 : i32
        %dma_start3A_154 = tpu.memref_slice %arg9[%dma_start3A_153] : memref<4128xi32, #tpu.memory_space<vmem>> -> memref<2048xi32, #tpu.memory_space<vmem>>
        tpu.enqueue_dma source(%dma_start3A_154 : memref<2048xi32, #tpu.memory_space<vmem>>) target(%dma_start3A_152 : memref<2048xi32, #tpu.memory_space<hbm>>) target_semaphore(%run_scoped3A_148 : memref<!tpu.dma_semaphore, #tpu.memory_space<semaphore_mem>>)
        %dma_wait3A_155 = arith.constant 0 : i32
        %dma_wait3A_156 = tpu.memref_slice %arg9[%dma_wait3A_155] : memref<4128xi32, #tpu.memory_space<vmem>> -> memref<2048xi32, #tpu.memory_space<vmem>>
        %dma_wait3A_157 = tpu.memref_slice %arg5[%mul3A_147] : memref<8192xi32, #tpu.memory_space<hbm>> -> memref<2048xi32, #tpu.memory_space<hbm>>
        %dma_wait3A_158 = tpu.memref_slice %arg5[%mul3A_147] : memref<8192xi32, #tpu.memory_space<hbm>> -> memref<2048xi32, #tpu.memory_space<hbm>>
        %dma_wait3A_159 = arith.constant 0 : i32
        %dma_wait3A_160 = tpu.memref_slice %arg9[%dma_wait3A_159] : memref<4128xi32, #tpu.memory_space<vmem>> -> memref<2048xi32, #tpu.memory_space<vmem>>
        tpu.wait_dma2 semaphore(%run_scoped3A_148 : memref<!tpu.dma_semaphore, #tpu.memory_space<semaphore_mem>>) src(%dma_wait3A_160 : memref<2048xi32, #tpu.memory_space<vmem>>) dst(%dma_wait3A_158 : memref<2048xi32, #tpu.memory_space<hbm>>)
        tpu.yield
      }) : () -> ()
    } else {
    }
    %barrier3A = arith.constant 0 : index
    tpu.barrier barrier_id(%barrier3A)
    %mul3A_24 = arith.constant 4096 : i32
    %mul3A_25 = arith.muli %arg0, %mul3A_24 : i32
    %mul3A_26 = arith.constant 256 : i32
    %mul3A_27 = arith.muli %arg1, %mul3A_26 : i32
    %add3A_28 = arith.addi %mul3A_25, %mul3A_27 : i32
    %add3A_29 = arith.constant 0 : i32
    %add3A_30 = arith.addi %add3A_28, %add3A_29 : i32
    %run_scoped3A = arith.constant 0 : i32
    "tpu.region"() ({
      %run_scoped3A_146 = tpu.sem_alloc : memref<!tpu.dma_semaphore, #tpu.memory_space<semaphore_mem>>
      %dma_start3A_147 = arith.constant 0 : i32
      %dma_start3A_148 = tpu.memref_slice %arg10[%run_scoped3A, %dma_start3A_147] : memref<4x64xi32, #tpu.memory_space<vmem>> -> memref<1x64xi32, #tpu.memory_space<vmem>>
      %dma_start3A_149 = tpu.memref_squeeze %dma_start3A_148 : memref<1x64xi32, #tpu.memory_space<vmem>> -> memref<64xi32, #tpu.memory_space<vmem>>
      %dma_start3A_150 = tpu.memref_slice %arg5[%add3A_30] : memref<8192xi32, #tpu.memory_space<hbm>> -> memref<64xi32, #tpu.memory_space<hbm>>
      %dma_start3A_151 = arith.constant 0 : i32
      %dma_start3A_152 = tpu.memref_slice %arg10[%run_scoped3A, %dma_start3A_151] : memref<4x64xi32, #tpu.memory_space<vmem>> -> memref<1x64xi32, #tpu.memory_space<vmem>>
      %dma_start3A_153 = tpu.memref_squeeze %dma_start3A_152 : memref<1x64xi32, #tpu.memory_space<vmem>> -> memref<64xi32, #tpu.memory_space<vmem>>
      %dma_start3A_154 = tpu.memref_slice %arg5[%add3A_30] : memref<8192xi32, #tpu.memory_space<hbm>> -> memref<64xi32, #tpu.memory_space<hbm>>
      tpu.enqueue_dma source(%dma_start3A_154 : memref<64xi32, #tpu.memory_space<hbm>>) target(%dma_start3A_153 : memref<64xi32, #tpu.memory_space<vmem>>) target_semaphore(%run_scoped3A_146 : memref<!tpu.dma_semaphore, #tpu.memory_space<semaphore_mem>>)
      %dma_wait3A_155 = arith.constant 0 : i32
      %dma_wait3A_156 = tpu.memref_slice %arg10[%run_scoped3A, %dma_wait3A_155] : memref<4x64xi32, #tpu.memory_space<vmem>> -> memref<1x64xi32, #tpu.memory_space<vmem>>
      %dma_wait3A_157 = tpu.memref_squeeze %dma_wait3A_156 : memref<1x64xi32, #tpu.memory_space<vmem>> -> memref<64xi32, #tpu.memory_space<vmem>>
      %dma_wait3A_158 = tpu.memref_slice %arg5[%add3A_30] : memref<8192xi32, #tpu.memory_space<hbm>> -> memref<64xi32, #tpu.memory_space<hbm>>
      %dma_wait3A_159 = arith.constant 0 : i32
      %dma_wait3A_160 = tpu.memref_slice %arg10[%run_scoped3A, %dma_wait3A_159] : memref<4x64xi32, #tpu.memory_space<vmem>> -> memref<1x64xi32, #tpu.memory_space<vmem>>
      %dma_wait3A_161 = tpu.memref_squeeze %dma_wait3A_160 : memref<1x64xi32, #tpu.memory_space<vmem>> -> memref<64xi32, #tpu.memory_space<vmem>>
      %dma_wait3A_162 = tpu.memref_slice %arg5[%add3A_30] : memref<8192xi32, #tpu.memory_space<hbm>> -> memref<64xi32, #tpu.memory_space<hbm>>
      tpu.wait_dma2 semaphore(%run_scoped3A_146 : memref<!tpu.dma_semaphore, #tpu.memory_space<semaphore_mem>>) src(%dma_wait3A_162 : memref<64xi32, #tpu.memory_space<hbm>>) dst(%dma_wait3A_161 : memref<64xi32, #tpu.memory_space<vmem>>)
      tpu.yield
    }) : () -> ()
    %add3A_31 = arith.constant 64 : i32
    %add3A_32 = arith.addi %add3A_28, %add3A_31 : i32
    %run_scoped3A_33 = arith.constant 1 : i32
    "tpu.region"() ({
      %run_scoped3A_146 = tpu.sem_alloc : memref<!tpu.dma_semaphore, #tpu.memory_space<semaphore_mem>>
      %dma_start3A_147 = arith.constant 0 : i32
      %dma_start3A_148 = tpu.memref_slice %arg10[%run_scoped3A_33, %dma_start3A_147] : memref<4x64xi32, #tpu.memory_space<vmem>> -> memref<1x64xi32, #tpu.memory_space<vmem>>
      %dma_start3A_149 = tpu.memref_squeeze %dma_start3A_148 : memref<1x64xi32, #tpu.memory_space<vmem>> -> memref<64xi32, #tpu.memory_space<vmem>>
      %dma_start3A_150 = tpu.memref_slice %arg5[%add3A_32] : memref<8192xi32, #tpu.memory_space<hbm>> -> memref<64xi32, #tpu.memory_space<hbm>>
      %dma_start3A_151 = arith.constant 0 : i32
      %dma_start3A_152 = tpu.memref_slice %arg10[%run_scoped3A_33, %dma_start3A_151] : memref<4x64xi32, #tpu.memory_space<vmem>> -> memref<1x64xi32, #tpu.memory_space<vmem>>
      %dma_start3A_153 = tpu.memref_squeeze %dma_start3A_152 : memref<1x64xi32, #tpu.memory_space<vmem>> -> memref<64xi32, #tpu.memory_space<vmem>>
      %dma_start3A_154 = tpu.memref_slice %arg5[%add3A_32] : memref<8192xi32, #tpu.memory_space<hbm>> -> memref<64xi32, #tpu.memory_space<hbm>>
      tpu.enqueue_dma source(%dma_start3A_154 : memref<64xi32, #tpu.memory_space<hbm>>) target(%dma_start3A_153 : memref<64xi32, #tpu.memory_space<vmem>>) target_semaphore(%run_scoped3A_146 : memref<!tpu.dma_semaphore, #tpu.memory_space<semaphore_mem>>)
      %dma_wait3A_155 = arith.constant 0 : i32
      %dma_wait3A_156 = tpu.memref_slice %arg10[%run_scoped3A_33, %dma_wait3A_155] : memref<4x64xi32, #tpu.memory_space<vmem>> -> memref<1x64xi32, #tpu.memory_space<vmem>>
      %dma_wait3A_157 = tpu.memref_squeeze %dma_wait3A_156 : memref<1x64xi32, #tpu.memory_space<vmem>> -> memref<64xi32, #tpu.memory_space<vmem>>
      %dma_wait3A_158 = tpu.memref_slice %arg5[%add3A_32] : memref<8192xi32, #tpu.memory_space<hbm>> -> memref<64xi32, #tpu.memory_space<hbm>>
      %dma_wait3A_159 = arith.constant 0 : i32
      %dma_wait3A_160 = tpu.memref_slice %arg10[%run_scoped3A_33, %dma_wait3A_159] : memref<4x64xi32, #tpu.memory_space<vmem>> -> memref<1x64xi32, #tpu.memory_space<vmem>>
      %dma_wait3A_161 = tpu.memref_squeeze %dma_wait3A_160 : memref<1x64xi32, #tpu.memory_space<vmem>> -> memref<64xi32, #tpu.memory_space<vmem>>
      %dma_wait3A_162 = tpu.memref_slice %arg5[%add3A_32] : memref<8192xi32, #tpu.memory_space<hbm>> -> memref<64xi32, #tpu.memory_space<hbm>>
      tpu.wait_dma2 semaphore(%run_scoped3A_146 : memref<!tpu.dma_semaphore, #tpu.memory_space<semaphore_mem>>) src(%dma_wait3A_162 : memref<64xi32, #tpu.memory_space<hbm>>) dst(%dma_wait3A_161 : memref<64xi32, #tpu.memory_space<vmem>>)
      tpu.yield
    }) : () -> ()
    %add3A_34 = arith.constant 128 : i32
    %add3A_35 = arith.addi %add3A_28, %add3A_34 : i32
    %run_scoped3A_36 = arith.constant 2 : i32
    "tpu.region"() ({
      %run_scoped3A_146 = tpu.sem_alloc : memref<!tpu.dma_semaphore, #tpu.memory_space<semaphore_mem>>
      %dma_start3A_147 = arith.constant 0 : i32
      %dma_start3A_148 = tpu.memref_slice %arg10[%run_scoped3A_36, %dma_start3A_147] : memref<4x64xi32, #tpu.memory_space<vmem>> -> memref<1x64xi32, #tpu.memory_space<vmem>>
      %dma_start3A_149 = tpu.memref_squeeze %dma_start3A_148 : memref<1x64xi32, #tpu.memory_space<vmem>> -> memref<64xi32, #tpu.memory_space<vmem>>
      %dma_start3A_150 = tpu.memref_slice %arg5[%add3A_35] : memref<8192xi32, #tpu.memory_space<hbm>> -> memref<64xi32, #tpu.memory_space<hbm>>
      %dma_start3A_151 = arith.constant 0 : i32
      %dma_start3A_152 = tpu.memref_slice %arg10[%run_scoped3A_36, %dma_start3A_151] : memref<4x64xi32, #tpu.memory_space<vmem>> -> memref<1x64xi32, #tpu.memory_space<vmem>>
      %dma_start3A_153 = tpu.memref_squeeze %dma_start3A_152 : memref<1x64xi32, #tpu.memory_space<vmem>> -> memref<64xi32, #tpu.memory_space<vmem>>
      %dma_start3A_154 = tpu.memref_slice %arg5[%add3A_35] : memref<8192xi32, #tpu.memory_space<hbm>> -> memref<64xi32, #tpu.memory_space<hbm>>
      tpu.enqueue_dma source(%dma_start3A_154 : memref<64xi32, #tpu.memory_space<hbm>>) target(%dma_start3A_153 : memref<64xi32, #tpu.memory_space<vmem>>) target_semaphore(%run_scoped3A_146 : memref<!tpu.dma_semaphore, #tpu.memory_space<semaphore_mem>>)
      %dma_wait3A_155 = arith.constant 0 : i32
      %dma_wait3A_156 = tpu.memref_slice %arg10[%run_scoped3A_36, %dma_wait3A_155] : memref<4x64xi32, #tpu.memory_space<vmem>> -> memref<1x64xi32, #tpu.memory_space<vmem>>
      %dma_wait3A_157 = tpu.memref_squeeze %dma_wait3A_156 : memref<1x64xi32, #tpu.memory_space<vmem>> -> memref<64xi32, #tpu.memory_space<vmem>>
      %dma_wait3A_158 = tpu.memref_slice %arg5[%add3A_35] : memref<8192xi32, #tpu.memory_space<hbm>> -> memref<64xi32, #tpu.memory_space<hbm>>
      %dma_wait3A_159 = arith.constant 0 : i32
      %dma_wait3A_160 = tpu.memref_slice %arg10[%run_scoped3A_36, %dma_wait3A_159] : memref<4x64xi32, #tpu.memory_space<vmem>> -> memref<1x64xi32, #tpu.memory_space<vmem>>
      %dma_wait3A_161 = tpu.memref_squeeze %dma_wait3A_160 : memref<1x64xi32, #tpu.memory_space<vmem>> -> memref<64xi32, #tpu.memory_space<vmem>>
      %dma_wait3A_162 = tpu.memref_slice %arg5[%add3A_35] : memref<8192xi32, #tpu.memory_space<hbm>> -> memref<64xi32, #tpu.memory_space<hbm>>
      tpu.wait_dma2 semaphore(%run_scoped3A_146 : memref<!tpu.dma_semaphore, #tpu.memory_space<semaphore_mem>>) src(%dma_wait3A_162 : memref<64xi32, #tpu.memory_space<hbm>>) dst(%dma_wait3A_161 : memref<64xi32, #tpu.memory_space<vmem>>)
      tpu.yield
    }) : () -> ()
    %add3A_37 = arith.constant 192 : i32
    %add3A_38 = arith.addi %add3A_28, %add3A_37 : i32
    %run_scoped3A_39 = arith.constant 3 : i32
    "tpu.region"() ({
      %run_scoped3A_146 = tpu.sem_alloc : memref<!tpu.dma_semaphore, #tpu.memory_space<semaphore_mem>>
      %dma_start3A_147 = arith.constant 0 : i32
      %dma_start3A_148 = tpu.memref_slice %arg10[%run_scoped3A_39, %dma_start3A_147] : memref<4x64xi32, #tpu.memory_space<vmem>> -> memref<1x64xi32, #tpu.memory_space<vmem>>
      %dma_start3A_149 = tpu.memref_squeeze %dma_start3A_148 : memref<1x64xi32, #tpu.memory_space<vmem>> -> memref<64xi32, #tpu.memory_space<vmem>>
      %dma_start3A_150 = tpu.memref_slice %arg5[%add3A_38] : memref<8192xi32, #tpu.memory_space<hbm>> -> memref<64xi32, #tpu.memory_space<hbm>>
      %dma_start3A_151 = arith.constant 0 : i32
      %dma_start3A_152 = tpu.memref_slice %arg10[%run_scoped3A_39, %dma_start3A_151] : memref<4x64xi32, #tpu.memory_space<vmem>> -> memref<1x64xi32, #tpu.memory_space<vmem>>
      %dma_start3A_153 = tpu.memref_squeeze %dma_start3A_152 : memref<1x64xi32, #tpu.memory_space<vmem>> -> memref<64xi32, #tpu.memory_space<vmem>>
      %dma_start3A_154 = tpu.memref_slice %arg5[%add3A_38] : memref<8192xi32, #tpu.memory_space<hbm>> -> memref<64xi32, #tpu.memory_space<hbm>>
      tpu.enqueue_dma source(%dma_start3A_154 : memref<64xi32, #tpu.memory_space<hbm>>) target(%dma_start3A_153 : memref<64xi32, #tpu.memory_space<vmem>>) target_semaphore(%run_scoped3A_146 : memref<!tpu.dma_semaphore, #tpu.memory_space<semaphore_mem>>)
      %dma_wait3A_155 = arith.constant 0 : i32
      %dma_wait3A_156 = tpu.memref_slice %arg10[%run_scoped3A_39, %dma_wait3A_155] : memref<4x64xi32, #tpu.memory_space<vmem>> -> memref<1x64xi32, #tpu.memory_space<vmem>>
      %dma_wait3A_157 = tpu.memref_squeeze %dma_wait3A_156 : memref<1x64xi32, #tpu.memory_space<vmem>> -> memref<64xi32, #tpu.memory_space<vmem>>
      %dma_wait3A_158 = tpu.memref_slice %arg5[%add3A_38] : memref<8192xi32, #tpu.memory_space<hbm>> -> memref<64xi32, #tpu.memory_space<hbm>>
      %dma_wait3A_159 = arith.constant 0 : i32
      %dma_wait3A_160 = tpu.memref_slice %arg10[%run_scoped3A_39, %dma_wait3A_159] : memref<4x64xi32, #tpu.memory_space<vmem>> -> memref<1x64xi32, #tpu.memory_space<vmem>>
      %dma_wait3A_161 = tpu.memref_squeeze %dma_wait3A_160 : memref<1x64xi32, #tpu.memory_space<vmem>> -> memref<64xi32, #tpu.memory_space<vmem>>
      %dma_wait3A_162 = tpu.memref_slice %arg5[%add3A_38] : memref<8192xi32, #tpu.memory_space<hbm>> -> memref<64xi32, #tpu.memory_space<hbm>>
      tpu.wait_dma2 semaphore(%run_scoped3A_146 : memref<!tpu.dma_semaphore, #tpu.memory_space<semaphore_mem>>) src(%dma_wait3A_162 : memref<64xi32, #tpu.memory_space<hbm>>) dst(%dma_wait3A_161 : memref<64xi32, #tpu.memory_space<vmem>>)
      tpu.yield
    }) : () -> ()
    %dma_start3A = arith.constant 0 : i32
    %dma_start3A_40 = arith.constant 0 : i32
    %dma_start3A_41 = arith.constant 0 : i32
    %dma_start3A_42 = arith.constant 0 : i32
    %dma_start3A_43 = tpu.memref_slice %arg11[%dma_start3A_40, %dma_start3A_41, %dma_start3A_42] : memref<2x64x768xf32, #tpu.memory_space<vmem>> -> memref<1x64x768xf32, #tpu.memory_space<vmem>>
    %dma_start3A_44 = tpu.memref_squeeze %dma_start3A_43 : memref<1x64x768xf32, #tpu.memory_space<vmem>> -> memref<64x768xf32, #tpu.memory_space<vmem>>
    %dma_start3A_45 = arith.constant 0 : i32
    %dma_start3A_46 = tpu.memref_slice %arg10[%dma_start3A, %dma_start3A_45] : memref<4x64xi32, #tpu.memory_space<vmem>> -> memref<1x64xi32, #tpu.memory_space<vmem>>
    %dma_start3A_47 = tpu.memref_squeeze %dma_start3A_46 : memref<1x64xi32, #tpu.memory_space<vmem>> -> memref<64xi32, #tpu.memory_space<vmem>>
    %dma_start3A_48 = arith.constant 0 : i32
    %dma_start3A_49 = arith.constant 0 : i32
    %dma_start3A_50 = tpu.memref_slice %arg4[%dma_start3A_48, %dma_start3A_49] : memref<16384x768xf32, #tpu.memory_space<hbm>> -> memref<16384x768xf32, #tpu.memory_space<hbm>>
    tpu.enqueue_indirect_dma source(%dma_start3A_50 : memref<16384x768xf32, #tpu.memory_space<hbm>>) target(%dma_start3A_44 : memref<64x768xf32, #tpu.memory_space<vmem>>) offsets(%dma_start3A_47 : memref<64xi32, #tpu.memory_space<vmem>>) semaphore(%arg12 : memref<!tpu.dma_semaphore, #tpu.memory_space<semaphore_mem>>)
    %dma_wait3A = arith.constant 0 : i32
    %dma_wait3A_51 = arith.constant 0 : i32
    %dma_wait3A_52 = arith.constant 0 : i32
    %dma_wait3A_53 = arith.constant 0 : i32
    %dma_wait3A_54 = tpu.memref_slice %arg11[%dma_wait3A_51, %dma_wait3A_52, %dma_wait3A_53] : memref<2x64x768xf32, #tpu.memory_space<vmem>> -> memref<1x64x768xf32, #tpu.memory_space<vmem>>
    %dma_wait3A_55 = tpu.memref_squeeze %dma_wait3A_54 : memref<1x64x768xf32, #tpu.memory_space<vmem>> -> memref<64x768xf32, #tpu.memory_space<vmem>>
    %dma_wait3A_56 = arith.constant 0 : i32
    %dma_wait3A_57 = tpu.memref_slice %arg10[%dma_wait3A, %dma_wait3A_56] : memref<4x64xi32, #tpu.memory_space<vmem>> -> memref<1x64xi32, #tpu.memory_space<vmem>>
    %dma_wait3A_58 = tpu.memref_squeeze %dma_wait3A_57 : memref<1x64xi32, #tpu.memory_space<vmem>> -> memref<64xi32, #tpu.memory_space<vmem>>
    %dma_wait3A_59 = arith.constant 0 : i32
    %dma_wait3A_60 = arith.constant 0 : i32
    %dma_wait3A_61 = tpu.memref_slice %arg4[%dma_wait3A_59, %dma_wait3A_60] : memref<16384x768xf32, #tpu.memory_space<hbm>> -> memref<16384x768xf32, #tpu.memory_space<hbm>>
    tpu.wait_indirect_dma semaphore(%arg12 : memref<!tpu.dma_semaphore, #tpu.memory_space<semaphore_mem>>) src(%dma_wait3A_61 : memref<16384x768xf32, #tpu.memory_space<hbm>>) dst(%dma_wait3A_55 : memref<64x768xf32, #tpu.memory_space<vmem>>)
    %add3A_62 = arith.constant 0 : i32
    %add3A_63 = arith.addi %add3A_28, %add3A_62 : i32
    %run_scoped3A_64 = arith.constant 0 : i32
    "tpu.region"() ({
      %run_scoped3A_146 = tpu.sem_alloc : memref<!tpu.dma_semaphore, #tpu.memory_space<semaphore_mem>>
      %dma_start3A_147 = arith.constant 0 : i32
      %dma_start3A_148 = arith.constant 0 : i32
      %dma_start3A_149 = tpu.memref_slice %arg11[%run_scoped3A_64, %dma_start3A_147, %dma_start3A_148] : memref<2x64x768xf32, #tpu.memory_space<vmem>> -> memref<1x64x768xf32, #tpu.memory_space<vmem>>
      %dma_start3A_150 = tpu.memref_squeeze %dma_start3A_149 : memref<1x64x768xf32, #tpu.memory_space<vmem>> -> memref<64x768xf32, #tpu.memory_space<vmem>>
      %dma_start3A_151 = arith.constant 0 : i32
      %dma_start3A_152 = tpu.memref_slice %arg6[%add3A_63, %dma_start3A_151] : memref<8192x768xf32, #tpu.memory_space<hbm>> -> memref<64x768xf32, #tpu.memory_space<hbm>>
      %dma_start3A_153 = arith.constant 0 : i32
      %dma_start3A_154 = tpu.memref_slice %arg6[%add3A_63, %dma_start3A_153] : memref<8192x768xf32, #tpu.memory_space<hbm>> -> memref<64x768xf32, #tpu.memory_space<hbm>>
      %dma_start3A_155 = arith.constant 0 : i32
      %dma_start3A_156 = arith.constant 0 : i32
      %dma_start3A_157 = tpu.memref_slice %arg11[%run_scoped3A_64, %dma_start3A_155, %dma_start3A_156] : memref<2x64x768xf32, #tpu.memory_space<vmem>> -> memref<1x64x768xf32, #tpu.memory_space<vmem>>
      %dma_start3A_158 = tpu.memref_squeeze %dma_start3A_157 : memref<1x64x768xf32, #tpu.memory_space<vmem>> -> memref<64x768xf32, #tpu.memory_space<vmem>>
      tpu.enqueue_dma source(%dma_start3A_158 : memref<64x768xf32, #tpu.memory_space<vmem>>) target(%dma_start3A_154 : memref<64x768xf32, #tpu.memory_space<hbm>>) target_semaphore(%run_scoped3A_146 : memref<!tpu.dma_semaphore, #tpu.memory_space<semaphore_mem>>)
      %dma_wait3A_159 = arith.constant 0 : i32
      %dma_wait3A_160 = arith.constant 0 : i32
      %dma_wait3A_161 = tpu.memref_slice %arg11[%run_scoped3A_64, %dma_wait3A_159, %dma_wait3A_160] : memref<2x64x768xf32, #tpu.memory_space<vmem>> -> memref<1x64x768xf32, #tpu.memory_space<vmem>>
      %dma_wait3A_162 = tpu.memref_squeeze %dma_wait3A_161 : memref<1x64x768xf32, #tpu.memory_space<vmem>> -> memref<64x768xf32, #tpu.memory_space<vmem>>
      %dma_wait3A_163 = arith.constant 0 : i32
      %dma_wait3A_164 = tpu.memref_slice %arg6[%add3A_63, %dma_wait3A_163] : memref<8192x768xf32, #tpu.memory_space<hbm>> -> memref<64x768xf32, #tpu.memory_space<hbm>>
      %dma_wait3A_165 = arith.constant 0 : i32
      %dma_wait3A_166 = tpu.memref_slice %arg6[%add3A_63, %dma_wait3A_165] : memref<8192x768xf32, #tpu.memory_space<hbm>> -> memref<64x768xf32, #tpu.memory_space<hbm>>
      %dma_wait3A_167 = arith.constant 0 : i32
      %dma_wait3A_168 = arith.constant 0 : i32
      %dma_wait3A_169 = tpu.memref_slice %arg11[%run_scoped3A_64, %dma_wait3A_167, %dma_wait3A_168] : memref<2x64x768xf32, #tpu.memory_space<vmem>> -> memref<1x64x768xf32, #tpu.memory_space<vmem>>
      %dma_wait3A_170 = tpu.memref_squeeze %dma_wait3A_169 : memref<1x64x768xf32, #tpu.memory_space<vmem>> -> memref<64x768xf32, #tpu.memory_space<vmem>>
      tpu.wait_dma2 semaphore(%run_scoped3A_146 : memref<!tpu.dma_semaphore, #tpu.memory_space<semaphore_mem>>) src(%dma_wait3A_170 : memref<64x768xf32, #tpu.memory_space<vmem>>) dst(%dma_wait3A_166 : memref<64x768xf32, #tpu.memory_space<hbm>>)
      tpu.yield
    }) : () -> ()
    %dma_start3A_65 = arith.constant 1 : i32
    %dma_start3A_66 = arith.constant 1 : i32
    %dma_start3A_67 = arith.constant 0 : i32
    %dma_start3A_68 = arith.constant 0 : i32
    %dma_start3A_69 = tpu.memref_slice %arg11[%dma_start3A_66, %dma_start3A_67, %dma_start3A_68] : memref<2x64x768xf32, #tpu.memory_space<vmem>> -> memref<1x64x768xf32, #tpu.memory_space<vmem>>
    %dma_start3A_70 = tpu.memref_squeeze %dma_start3A_69 : memref<1x64x768xf32, #tpu.memory_space<vmem>> -> memref<64x768xf32, #tpu.memory_space<vmem>>
    %dma_start3A_71 = arith.constant 0 : i32
    %dma_start3A_72 = tpu.memref_slice %arg10[%dma_start3A_65, %dma_start3A_71] : memref<4x64xi32, #tpu.memory_space<vmem>> -> memref<1x64xi32, #tpu.memory_space<vmem>>
    %dma_start3A_73 = tpu.memref_squeeze %dma_start3A_72 : memref<1x64xi32, #tpu.memory_space<vmem>> -> memref<64xi32, #tpu.memory_space<vmem>>
    %dma_start3A_74 = arith.constant 0 : i32
    %dma_start3A_75 = arith.constant 0 : i32
    %dma_start3A_76 = tpu.memref_slice %arg4[%dma_start3A_74, %dma_start3A_75] : memref<16384x768xf32, #tpu.memory_space<hbm>> -> memref<16384x768xf32, #tpu.memory_space<hbm>>
    tpu.enqueue_indirect_dma source(%dma_start3A_76 : memref<16384x768xf32, #tpu.memory_space<hbm>>) target(%dma_start3A_70 : memref<64x768xf32, #tpu.memory_space<vmem>>) offsets(%dma_start3A_73 : memref<64xi32, #tpu.memory_space<vmem>>) semaphore(%arg12 : memref<!tpu.dma_semaphore, #tpu.memory_space<semaphore_mem>>)
    %dma_wait3A_77 = arith.constant 1 : i32
    %dma_wait3A_78 = arith.constant 1 : i32
    %dma_wait3A_79 = arith.constant 0 : i32
    %dma_wait3A_80 = arith.constant 0 : i32
    %dma_wait3A_81 = tpu.memref_slice %arg11[%dma_wait3A_78, %dma_wait3A_79, %dma_wait3A_80] : memref<2x64x768xf32, #tpu.memory_space<vmem>> -> memref<1x64x768xf32, #tpu.memory_space<vmem>>
    %dma_wait3A_82 = tpu.memref_squeeze %dma_wait3A_81 : memref<1x64x768xf32, #tpu.memory_space<vmem>> -> memref<64x768xf32, #tpu.memory_space<vmem>>
    %dma_wait3A_83 = arith.constant 0 : i32
    %dma_wait3A_84 = tpu.memref_slice %arg10[%dma_wait3A_77, %dma_wait3A_83] : memref<4x64xi32, #tpu.memory_space<vmem>> -> memref<1x64xi32, #tpu.memory_space<vmem>>
    %dma_wait3A_85 = tpu.memref_squeeze %dma_wait3A_84 : memref<1x64xi32, #tpu.memory_space<vmem>> -> memref<64xi32, #tpu.memory_space<vmem>>
    %dma_wait3A_86 = arith.constant 0 : i32
    %dma_wait3A_87 = arith.constant 0 : i32
    %dma_wait3A_88 = tpu.memref_slice %arg4[%dma_wait3A_86, %dma_wait3A_87] : memref<16384x768xf32, #tpu.memory_space<hbm>> -> memref<16384x768xf32, #tpu.memory_space<hbm>>
    tpu.wait_indirect_dma semaphore(%arg12 : memref<!tpu.dma_semaphore, #tpu.memory_space<semaphore_mem>>) src(%dma_wait3A_88 : memref<16384x768xf32, #tpu.memory_space<hbm>>) dst(%dma_wait3A_82 : memref<64x768xf32, #tpu.memory_space<vmem>>)
    %add3A_89 = arith.constant 64 : i32
    %add3A_90 = arith.addi %add3A_28, %add3A_89 : i32
    %run_scoped3A_91 = arith.constant 1 : i32
    "tpu.region"() ({
      %run_scoped3A_146 = tpu.sem_alloc : memref<!tpu.dma_semaphore, #tpu.memory_space<semaphore_mem>>
      %dma_start3A_147 = arith.constant 0 : i32
      %dma_start3A_148 = arith.constant 0 : i32
      %dma_start3A_149 = tpu.memref_slice %arg11[%run_scoped3A_91, %dma_start3A_147, %dma_start3A_148] : memref<2x64x768xf32, #tpu.memory_space<vmem>> -> memref<1x64x768xf32, #tpu.memory_space<vmem>>
      %dma_start3A_150 = tpu.memref_squeeze %dma_start3A_149 : memref<1x64x768xf32, #tpu.memory_space<vmem>> -> memref<64x768xf32, #tpu.memory_space<vmem>>
      %dma_start3A_151 = arith.constant 0 : i32
      %dma_start3A_152 = tpu.memref_slice %arg6[%add3A_90, %dma_start3A_151] : memref<8192x768xf32, #tpu.memory_space<hbm>> -> memref<64x768xf32, #tpu.memory_space<hbm>>
      %dma_start3A_153 = arith.constant 0 : i32
      %dma_start3A_154 = tpu.memref_slice %arg6[%add3A_90, %dma_start3A_153] : memref<8192x768xf32, #tpu.memory_space<hbm>> -> memref<64x768xf32, #tpu.memory_space<hbm>>
      %dma_start3A_155 = arith.constant 0 : i32
      %dma_start3A_156 = arith.constant 0 : i32
      %dma_start3A_157 = tpu.memref_slice %arg11[%run_scoped3A_91, %dma_start3A_155, %dma_start3A_156] : memref<2x64x768xf32, #tpu.memory_space<vmem>> -> memref<1x64x768xf32, #tpu.memory_space<vmem>>
      %dma_start3A_158 = tpu.memref_squeeze %dma_start3A_157 : memref<1x64x768xf32, #tpu.memory_space<vmem>> -> memref<64x768xf32, #tpu.memory_space<vmem>>
      tpu.enqueue_dma source(%dma_start3A_158 : memref<64x768xf32, #tpu.memory_space<vmem>>) target(%dma_start3A_154 : memref<64x768xf32, #tpu.memory_space<hbm>>) target_semaphore(%run_scoped3A_146 : memref<!tpu.dma_semaphore, #tpu.memory_space<semaphore_mem>>)
      %dma_wait3A_159 = arith.constant 0 : i32
      %dma_wait3A_160 = arith.constant 0 : i32
      %dma_wait3A_161 = tpu.memref_slice %arg11[%run_scoped3A_91, %dma_wait3A_159, %dma_wait3A_160] : memref<2x64x768xf32, #tpu.memory_space<vmem>> -> memref<1x64x768xf32, #tpu.memory_space<vmem>>
      %dma_wait3A_162 = tpu.memref_squeeze %dma_wait3A_161 : memref<1x64x768xf32, #tpu.memory_space<vmem>> -> memref<64x768xf32, #tpu.memory_space<vmem>>
      %dma_wait3A_163 = arith.constant 0 : i32
      %dma_wait3A_164 = tpu.memref_slice %arg6[%add3A_90, %dma_wait3A_163] : memref<8192x768xf32, #tpu.memory_space<hbm>> -> memref<64x768xf32, #tpu.memory_space<hbm>>
      %dma_wait3A_165 = arith.constant 0 : i32
      %dma_wait3A_166 = tpu.memref_slice %arg6[%add3A_90, %dma_wait3A_165] : memref<8192x768xf32, #tpu.memory_space<hbm>> -> memref<64x768xf32, #tpu.memory_space<hbm>>
      %dma_wait3A_167 = arith.constant 0 : i32
      %dma_wait3A_168 = arith.constant 0 : i32
      %dma_wait3A_169 = tpu.memref_slice %arg11[%run_scoped3A_91, %dma_wait3A_167, %dma_wait3A_168] : memref<2x64x768xf32, #tpu.memory_space<vmem>> -> memref<1x64x768xf32, #tpu.memory_space<vmem>>
      %dma_wait3A_170 = tpu.memref_squeeze %dma_wait3A_169 : memref<1x64x768xf32, #tpu.memory_space<vmem>> -> memref<64x768xf32, #tpu.memory_space<vmem>>
      tpu.wait_dma2 semaphore(%run_scoped3A_146 : memref<!tpu.dma_semaphore, #tpu.memory_space<semaphore_mem>>) src(%dma_wait3A_170 : memref<64x768xf32, #tpu.memory_space<vmem>>) dst(%dma_wait3A_166 : memref<64x768xf32, #tpu.memory_space<hbm>>)
      tpu.yield
    }) : () -> ()
    %dma_start3A_92 = arith.constant 2 : i32
    %dma_start3A_93 = arith.constant 0 : i32
    %dma_start3A_94 = arith.constant 0 : i32
    %dma_start3A_95 = arith.constant 0 : i32
    %dma_start3A_96 = tpu.memref_slice %arg11[%dma_start3A_93, %dma_start3A_94, %dma_start3A_95] : memref<2x64x768xf32, #tpu.memory_space<vmem>> -> memref<1x64x768xf32, #tpu.memory_space<vmem>>
    %dma_start3A_97 = tpu.memref_squeeze %dma_start3A_96 : memref<1x64x768xf32, #tpu.memory_space<vmem>> -> memref<64x768xf32, #tpu.memory_space<vmem>>
    %dma_start3A_98 = arith.constant 0 : i32
    %dma_start3A_99 = tpu.memref_slice %arg10[%dma_start3A_92, %dma_start3A_98] : memref<4x64xi32, #tpu.memory_space<vmem>> -> memref<1x64xi32, #tpu.memory_space<vmem>>
    %dma_start3A_100 = tpu.memref_squeeze %dma_start3A_99 : memref<1x64xi32, #tpu.memory_space<vmem>> -> memref<64xi32, #tpu.memory_space<vmem>>
    %dma_start3A_101 = arith.constant 0 : i32
    %dma_start3A_102 = arith.constant 0 : i32
    %dma_start3A_103 = tpu.memref_slice %arg4[%dma_start3A_101, %dma_start3A_102] : memref<16384x768xf32, #tpu.memory_space<hbm>> -> memref<16384x768xf32, #tpu.memory_space<hbm>>
    tpu.enqueue_indirect_dma source(%dma_start3A_103 : memref<16384x768xf32, #tpu.memory_space<hbm>>) target(%dma_start3A_97 : memref<64x768xf32, #tpu.memory_space<vmem>>) offsets(%dma_start3A_100 : memref<64xi32, #tpu.memory_space<vmem>>) semaphore(%arg12 : memref<!tpu.dma_semaphore, #tpu.memory_space<semaphore_mem>>)
    %dma_wait3A_104 = arith.constant 2 : i32
    %dma_wait3A_105 = arith.constant 0 : i32
    %dma_wait3A_106 = arith.constant 0 : i32
    %dma_wait3A_107 = arith.constant 0 : i32
    %dma_wait3A_108 = tpu.memref_slice %arg11[%dma_wait3A_105, %dma_wait3A_106, %dma_wait3A_107] : memref<2x64x768xf32, #tpu.memory_space<vmem>> -> memref<1x64x768xf32, #tpu.memory_space<vmem>>
    %dma_wait3A_109 = tpu.memref_squeeze %dma_wait3A_108 : memref<1x64x768xf32, #tpu.memory_space<vmem>> -> memref<64x768xf32, #tpu.memory_space<vmem>>
    %dma_wait3A_110 = arith.constant 0 : i32
    %dma_wait3A_111 = tpu.memref_slice %arg10[%dma_wait3A_104, %dma_wait3A_110] : memref<4x64xi32, #tpu.memory_space<vmem>> -> memref<1x64xi32, #tpu.memory_space<vmem>>
    %dma_wait3A_112 = tpu.memref_squeeze %dma_wait3A_111 : memref<1x64xi32, #tpu.memory_space<vmem>> -> memref<64xi32, #tpu.memory_space<vmem>>
    %dma_wait3A_113 = arith.constant 0 : i32
    %dma_wait3A_114 = arith.constant 0 : i32
    %dma_wait3A_115 = tpu.memref_slice %arg4[%dma_wait3A_113, %dma_wait3A_114] : memref<16384x768xf32, #tpu.memory_space<hbm>> -> memref<16384x768xf32, #tpu.memory_space<hbm>>
    tpu.wait_indirect_dma semaphore(%arg12 : memref<!tpu.dma_semaphore, #tpu.memory_space<semaphore_mem>>) src(%dma_wait3A_115 : memref<16384x768xf32, #tpu.memory_space<hbm>>) dst(%dma_wait3A_109 : memref<64x768xf32, #tpu.memory_space<vmem>>)
    %add3A_116 = arith.constant 128 : i32
    %add3A_117 = arith.addi %add3A_28, %add3A_116 : i32
    %run_scoped3A_118 = arith.constant 0 : i32
    "tpu.region"() ({
      %run_scoped3A_146 = tpu.sem_alloc : memref<!tpu.dma_semaphore, #tpu.memory_space<semaphore_mem>>
      %dma_start3A_147 = arith.constant 0 : i32
      %dma_start3A_148 = arith.constant 0 : i32
      %dma_start3A_149 = tpu.memref_slice %arg11[%run_scoped3A_118, %dma_start3A_147, %dma_start3A_148] : memref<2x64x768xf32, #tpu.memory_space<vmem>> -> memref<1x64x768xf32, #tpu.memory_space<vmem>>
      %dma_start3A_150 = tpu.memref_squeeze %dma_start3A_149 : memref<1x64x768xf32, #tpu.memory_space<vmem>> -> memref<64x768xf32, #tpu.memory_space<vmem>>
      %dma_start3A_151 = arith.constant 0 : i32
      %dma_start3A_152 = tpu.memref_slice %arg6[%add3A_117, %dma_start3A_151] : memref<8192x768xf32, #tpu.memory_space<hbm>> -> memref<64x768xf32, #tpu.memory_space<hbm>>
      %dma_start3A_153 = arith.constant 0 : i32
      %dma_start3A_154 = tpu.memref_slice %arg6[%add3A_117, %dma_start3A_153] : memref<8192x768xf32, #tpu.memory_space<hbm>> -> memref<64x768xf32, #tpu.memory_space<hbm>>
      %dma_start3A_155 = arith.constant 0 : i32
      %dma_start3A_156 = arith.constant 0 : i32
      %dma_start3A_157 = tpu.memref_slice %arg11[%run_scoped3A_118, %dma_start3A_155, %dma_start3A_156] : memref<2x64x768xf32, #tpu.memory_space<vmem>> -> memref<1x64x768xf32, #tpu.memory_space<vmem>>
      %dma_start3A_158 = tpu.memref_squeeze %dma_start3A_157 : memref<1x64x768xf32, #tpu.memory_space<vmem>> -> memref<64x768xf32, #tpu.memory_space<vmem>>
      tpu.enqueue_dma source(%dma_start3A_158 : memref<64x768xf32, #tpu.memory_space<vmem>>) target(%dma_start3A_154 : memref<64x768xf32, #tpu.memory_space<hbm>>) target_semaphore(%run_scoped3A_146 : memref<!tpu.dma_semaphore, #tpu.memory_space<semaphore_mem>>)
      %dma_wait3A_159 = arith.constant 0 : i32
      %dma_wait3A_160 = arith.constant 0 : i32
      %dma_wait3A_161 = tpu.memref_slice %arg11[%run_scoped3A_118, %dma_wait3A_159, %dma_wait3A_160] : memref<2x64x768xf32, #tpu.memory_space<vmem>> -> memref<1x64x768xf32, #tpu.memory_space<vmem>>
      %dma_wait3A_162 = tpu.memref_squeeze %dma_wait3A_161 : memref<1x64x768xf32, #tpu.memory_space<vmem>> -> memref<64x768xf32, #tpu.memory_space<vmem>>
      %dma_wait3A_163 = arith.constant 0 : i32
      %dma_wait3A_164 = tpu.memref_slice %arg6[%add3A_117, %dma_wait3A_163] : memref<8192x768xf32, #tpu.memory_space<hbm>> -> memref<64x768xf32, #tpu.memory_space<hbm>>
      %dma_wait3A_165 = arith.constant 0 : i32
      %dma_wait3A_166 = tpu.memref_slice %arg6[%add3A_117, %dma_wait3A_165] : memref<8192x768xf32, #tpu.memory_space<hbm>> -> memref<64x768xf32, #tpu.memory_space<hbm>>
      %dma_wait3A_167 = arith.constant 0 : i32
      %dma_wait3A_168 = arith.constant 0 : i32
      %dma_wait3A_169 = tpu.memref_slice %arg11[%run_scoped3A_118, %dma_wait3A_167, %dma_wait3A_168] : memref<2x64x768xf32, #tpu.memory_space<vmem>> -> memref<1x64x768xf32, #tpu.memory_space<vmem>>
      %dma_wait3A_170 = tpu.memref_squeeze %dma_wait3A_169 : memref<1x64x768xf32, #tpu.memory_space<vmem>> -> memref<64x768xf32, #tpu.memory_space<vmem>>
      tpu.wait_dma2 semaphore(%run_scoped3A_146 : memref<!tpu.dma_semaphore, #tpu.memory_space<semaphore_mem>>) src(%dma_wait3A_170 : memref<64x768xf32, #tpu.memory_space<vmem>>) dst(%dma_wait3A_166 : memref<64x768xf32, #tpu.memory_space<hbm>>)
      tpu.yield
    }) : () -> ()
    %dma_start3A_119 = arith.constant 3 : i32
    %dma_start3A_120 = arith.constant 1 : i32
    %dma_start3A_121 = arith.constant 0 : i32
    %dma_start3A_122 = arith.constant 0 : i32
    %dma_start3A_123 = tpu.memref_slice %arg11[%dma_start3A_120, %dma_start3A_121, %dma_start3A_122] : memref<2x64x768xf32, #tpu.memory_space<vmem>> -> memref<1x64x768xf32, #tpu.memory_space<vmem>>
    %dma_start3A_124 = tpu.memref_squeeze %dma_start3A_123 : memref<1x64x768xf32, #tpu.memory_space<vmem>> -> memref<64x768xf32, #tpu.memory_space<vmem>>
    %dma_start3A_125 = arith.constant 0 : i32
    %dma_start3A_126 = tpu.memref_slice %arg10[%dma_start3A_119, %dma_start3A_125] : memref<4x64xi32, #tpu.memory_space<vmem>> -> memref<1x64xi32, #tpu.memory_space<vmem>>
    %dma_start3A_127 = tpu.memref_squeeze %dma_start3A_126 : memref<1x64xi32, #tpu.memory_space<vmem>> -> memref<64xi32, #tpu.memory_space<vmem>>
    %dma_start3A_128 = arith.constant 0 : i32
    %dma_start3A_129 = arith.constant 0 : i32
    %dma_start3A_130 = tpu.memref_slice %arg4[%dma_start3A_128, %dma_start3A_129] : memref<16384x768xf32, #tpu.memory_space<hbm>> -> memref<16384x768xf32, #tpu.memory_space<hbm>>
    tpu.enqueue_indirect_dma source(%dma_start3A_130 : memref<16384x768xf32, #tpu.memory_space<hbm>>) target(%dma_start3A_124 : memref<64x768xf32, #tpu.memory_space<vmem>>) offsets(%dma_start3A_127 : memref<64xi32, #tpu.memory_space<vmem>>) semaphore(%arg12 : memref<!tpu.dma_semaphore, #tpu.memory_space<semaphore_mem>>)
    %dma_wait3A_131 = arith.constant 3 : i32
    %dma_wait3A_132 = arith.constant 1 : i32
    %dma_wait3A_133 = arith.constant 0 : i32
    %dma_wait3A_134 = arith.constant 0 : i32
    %dma_wait3A_135 = tpu.memref_slice %arg11[%dma_wait3A_132, %dma_wait3A_133, %dma_wait3A_134] : memref<2x64x768xf32, #tpu.memory_space<vmem>> -> memref<1x64x768xf32, #tpu.memory_space<vmem>>
    %dma_wait3A_136 = tpu.memref_squeeze %dma_wait3A_135 : memref<1x64x768xf32, #tpu.memory_space<vmem>> -> memref<64x768xf32, #tpu.memory_space<vmem>>
    %dma_wait3A_137 = arith.constant 0 : i32
    %dma_wait3A_138 = tpu.memref_slice %arg10[%dma_wait3A_131, %dma_wait3A_137] : memref<4x64xi32, #tpu.memory_space<vmem>> -> memref<1x64xi32, #tpu.memory_space<vmem>>
    %dma_wait3A_139 = tpu.memref_squeeze %dma_wait3A_138 : memref<1x64xi32, #tpu.memory_space<vmem>> -> memref<64xi32, #tpu.memory_space<vmem>>
    %dma_wait3A_140 = arith.constant 0 : i32
    %dma_wait3A_141 = arith.constant 0 : i32
    %dma_wait3A_142 = tpu.memref_slice %arg4[%dma_wait3A_140, %dma_wait3A_141] : memref<16384x768xf32, #tpu.memory_space<hbm>> -> memref<16384x768xf32, #tpu.memory_space<hbm>>
    tpu.wait_indirect_dma semaphore(%arg12 : memref<!tpu.dma_semaphore, #tpu.memory_space<semaphore_mem>>) src(%dma_wait3A_142 : memref<16384x768xf32, #tpu.memory_space<hbm>>) dst(%dma_wait3A_136 : memref<64x768xf32, #tpu.memory_space<vmem>>)
    %add3A_143 = arith.constant 192 : i32
    %add3A_144 = arith.addi %add3A_28, %add3A_143 : i32
    %run_scoped3A_145 = arith.constant 1 : i32
    "tpu.region"() ({
      %run_scoped3A_146 = tpu.sem_alloc : memref<!tpu.dma_semaphore, #tpu.memory_space<semaphore_mem>>
      %dma_start3A_147 = arith.constant 0 : i32
      %dma_start3A_148 = arith.constant 0 : i32
      %dma_start3A_149 = tpu.memref_slice %arg11[%run_scoped3A_145, %dma_start3A_147, %dma_start3A_148] : memref<2x64x768xf32, #tpu.memory_space<vmem>> -> memref<1x64x768xf32, #tpu.memory_space<vmem>>
      %dma_start3A_150 = tpu.memref_squeeze %dma_start3A_149 : memref<1x64x768xf32, #tpu.memory_space<vmem>> -> memref<64x768xf32, #tpu.memory_space<vmem>>
      %dma_start3A_151 = arith.constant 0 : i32
      %dma_start3A_152 = tpu.memref_slice %arg6[%add3A_144, %dma_start3A_151] : memref<8192x768xf32, #tpu.memory_space<hbm>> -> memref<64x768xf32, #tpu.memory_space<hbm>>
      %dma_start3A_153 = arith.constant 0 : i32
      %dma_start3A_154 = tpu.memref_slice %arg6[%add3A_144, %dma_start3A_153] : memref<8192x768xf32, #tpu.memory_space<hbm>> -> memref<64x768xf32, #tpu.memory_space<hbm>>
      %dma_start3A_155 = arith.constant 0 : i32
      %dma_start3A_156 = arith.constant 0 : i32
      %dma_start3A_157 = tpu.memref_slice %arg11[%run_scoped3A_145, %dma_start3A_155, %dma_start3A_156] : memref<2x64x768xf32, #tpu.memory_space<vmem>> -> memref<1x64x768xf32, #tpu.memory_space<vmem>>
      %dma_start3A_158 = tpu.memref_squeeze %dma_start3A_157 : memref<1x64x768xf32, #tpu.memory_space<vmem>> -> memref<64x768xf32, #tpu.memory_space<vmem>>
      tpu.enqueue_dma source(%dma_start3A_158 : memref<64x768xf32, #tpu.memory_space<vmem>>) target(%dma_start3A_154 : memref<64x768xf32, #tpu.memory_space<hbm>>) target_semaphore(%run_scoped3A_146 : memref<!tpu.dma_semaphore, #tpu.memory_space<semaphore_mem>>)
      %dma_wait3A_159 = arith.constant 0 : i32
      %dma_wait3A_160 = arith.constant 0 : i32
      %dma_wait3A_161 = tpu.memref_slice %arg11[%run_scoped3A_145, %dma_wait3A_159, %dma_wait3A_160] : memref<2x64x768xf32, #tpu.memory_space<vmem>> -> memref<1x64x768xf32, #tpu.memory_space<vmem>>
      %dma_wait3A_162 = tpu.memref_squeeze %dma_wait3A_161 : memref<1x64x768xf32, #tpu.memory_space<vmem>> -> memref<64x768xf32, #tpu.memory_space<vmem>>
      %dma_wait3A_163 = arith.constant 0 : i32
      %dma_wait3A_164 = tpu.memref_slice %arg6[%add3A_144, %dma_wait3A_163] : memref<8192x768xf32, #tpu.memory_space<hbm>> -> memref<64x768xf32, #tpu.memory_space<hbm>>
      %dma_wait3A_165 = arith.constant 0 : i32
      %dma_wait3A_166 = tpu.memref_slice %arg6[%add3A_144, %dma_wait3A_165] : memref<8192x768xf32, #tpu.memory_space<hbm>> -> memref<64x768xf32, #tpu.memory_space<hbm>>
      %dma_wait3A_167 = arith.constant 0 : i32
      %dma_wait3A_168 = arith.constant 0 : i32
      %dma_wait3A_169 = tpu.memref_slice %arg11[%run_scoped3A_145, %dma_wait3A_167, %dma_wait3A_168] : memref<2x64x768xf32, #tpu.memory_space<vmem>> -> memref<1x64x768xf32, #tpu.memory_space<vmem>>
      %dma_wait3A_170 = tpu.memref_squeeze %dma_wait3A_169 : memref<1x64x768xf32, #tpu.memory_space<vmem>> -> memref<64x768xf32, #tpu.memory_space<vmem>>
      tpu.wait_dma2 semaphore(%run_scoped3A_146 : memref<!tpu.dma_semaphore, #tpu.memory_space<semaphore_mem>>) src(%dma_wait3A_170 : memref<64x768xf32, #tpu.memory_space<vmem>>) dst(%dma_wait3A_166 : memref<64x768xf32, #tpu.memory_space<hbm>>)
      tpu.yield
    }) : () -> ()
    return
  }
}

module attributes {stable_mosaic.version = 14 : i64} {
  func.func @_router_body(%arg0: i32, %arg1: memref<4096x768xf32, #tpu.memory_space<vmem>>, %arg2: memref<768x1xf32, #tpu.memory_space<vmem>>, %arg3: memref<1xf32, #tpu.memory_space<smem>>, %arg4: memref<4096x1xf32, #tpu.memory_space<vmem>>) attributes {dimension_semantics = [#tpu.dimension_semantics<arbitrary>], iteration_bounds = array<i64: 4>, scalar_prefetch = 0 : i64, scratch_operands = 0 : i64, tpu.core_type = #tpu.core_type<tc>, window_params = [{transform_indices = @transform_0, window_bounds = array<i64: 4096, 768>}, {pipeline_mode = #tpu.pipeline_mode<synchronous>, transform_indices = @transform_1, window_bounds = array<i64: 768, 1>}, {transform_indices = @transform_2, window_bounds = array<i64: 1>}, {transform_indices = @transform_3, window_bounds = array<i64: 4096, 1>}]} {
    %get3A = arith.constant 0 : index
    %get3A_0 = arith.constant 0 : index
    %get3A_1 = vector.load %arg1[%get3A, %get3A_0] : memref<4096x768xf32, #tpu.memory_space<vmem>>, vector<4096x768xf32>
    %get3A_2 = arith.constant 0 : index
    %get3A_3 = arith.constant 0 : index
    %get3A_4 = vector.load %arg2[%get3A_2, %get3A_3] : memref<768x1xf32, #tpu.memory_space<vmem>>, vector<768x1xf32>
    %dot_general3A = arith.constant dense<0.000000e+00> : vector<4096x1xf32>
    %dot_general3A_5 = tpu.matmul %get3A_1, %get3A_4, %dot_general3A {dimension_numbers = #tpu.dot_dimension_numbers<[1], [0], [0], [1], [0, 0, 1, 1], [], []>, transpose_lhs_hint = false} : vector<4096x768xf32>, vector<768x1xf32>, vector<4096x1xf32> -> vector<4096x1xf32>
    %get3A_6 = arith.constant 0 : index
    %get3A_7 = memref.load %arg3[%get3A_6] : memref<1xf32, #tpu.memory_space<smem>>
    %add3A = vector.broadcast %get3A_7 : f32 to vector<4096x1xf32>
    %add3A_8 = arith.addf %dot_general3A_5, %add3A : vector<4096x1xf32>
    %logistic3A = arith.negf %add3A_8 : vector<4096x1xf32>
    %logistic3A_9 = math.exp %logistic3A : vector<4096x1xf32>
    %logistic3A_10 = arith.constant 1.000000e+00 : f32
    %logistic3A_11 = vector.broadcast %logistic3A_10 : f32 to vector<4096x1xf32>
    %logistic3A_12 = arith.addf %logistic3A_11, %logistic3A_9 : vector<4096x1xf32>
    %logistic3A_13 = arith.divf %logistic3A_11, %logistic3A_12 : vector<4096x1xf32>
    %swap3A = arith.constant 0 : index
    %swap3A_14 = arith.constant 0 : index
    %swap3A_15 = vector.load %arg4[%swap3A, %swap3A_14] : memref<4096x1xf32, #tpu.memory_space<vmem>>, vector<4096x1xf32>
    tpu.vector_store %arg4[%swap3A, %swap3A_14], %logistic3A_13 {strides = array<i32>} : memref<4096x1xf32, #tpu.memory_space<vmem>>, vector<4096x1xf32>,
    return
  }
  func.func @transform_0(%arg0: i32) -> (i32, i32) {
    %c0_i32 = arith.constant 0 : i32
    %c0_i32_0 = arith.constant 0 : i32
    return %arg0, %c0_i32 : i32, i32
  }
  func.func @transform_1(%arg0: i32) -> (i32, i32) {
    %c0_i32 = arith.constant 0 : i32
    %c0_i32_0 = arith.constant 0 : i32
    %c0_i32_1 = arith.constant 0 : i32
    return %c0_i32, %c0_i32_0 : i32, i32
  }
  func.func @transform_2(%arg0: i32) -> i32 {
    %c0_i32 = arith.constant 0 : i32
    %c0_i32_0 = arith.constant 0 : i32
    return %c0_i32 : i32
  }
  func.func @transform_3(%arg0: i32) -> (i32, i32) {
    %c0_i32 = arith.constant 0 : i32
    %c0_i32_0 = arith.constant 0 : i32
    return %arg0, %c0_i32 : i32, i32
  }
}

module attributes {stable_mosaic.version = 14 : i64} {
  func.func @_thr_body(%arg0: memref<4x4096xf32, #tpu.memory_space<vmem>>, %arg1: memref<4x128xf32, #tpu.memory_space<vmem>>) attributes {dimension_semantics = [], scalar_prefetch = 0 : i64, scratch_operands = 0 : i64, tpu.core_type = #tpu.core_type<tc>} {
    %get3A = arith.constant 0 : index
    %get3A_0 = arith.constant 0 : index
    %get3A_1 = vector.load %arg0[%get3A, %get3A_0] : memref<4x4096xf32, #tpu.memory_space<vmem>>, vector<4x4096xf32>
    %bitcast_convert_type3A = tpu.bitcast %get3A_1 : vector<4x4096xf32> -> vector<4x4096xi32>
    %broadcast_in_dim3A = arith.constant 0 : i32
    %broadcast_in_dim3A_2 = vector.broadcast %broadcast_in_dim3A : i32 to vector<4x1xi32>
    %broadcast_in_dim3A_3 = arith.constant 2139095040 : i32
    %broadcast_in_dim3A_4 = vector.broadcast %broadcast_in_dim3A_3 : i32 to vector<4x1xi32>
    %scan3A = arith.constant 0 : i32
    %scan3A_5 = arith.constant 31 : i32
    %scan3A_6 = arith.addi %scan3A, %scan3A_5 : i32
    %scan3A_7 = arith.constant 1 : i32
    %scan3A_8:2 = scf.for %scan3A_14 = %scan3A to %scan3A_6 step %scan3A_7 iter_args(%scan3A_15 = %broadcast_in_dim3A_2, %scan3A_16 = %broadcast_in_dim3A_4) -> (vector<4x1xi32>, vector<4x1xi32>)  : i32 {
      %sub3A = arith.subi %scan3A_16, %scan3A_15 : vector<4x1xi32>
      %jit3A = arith.constant 2 : i32
      %div3A = vector.broadcast %jit3A : i32 to vector<4x1xi32>
      %div3A_17 = arith.divsi %sub3A, %div3A : vector<4x1xi32>
      %sign3A = arith.constant 0 : i32
      %sign3A_18 = vector.broadcast %sign3A : i32 to vector<4x1xi32>
      %sign3A_19 = arith.cmpi sgt, %sub3A, %sign3A_18 : vector<4x1xi32>
      %sign3A_20 = arith.extui %sign3A_19 : vector<4x1xi1> to vector<4x1xi32>
      %sign3A_21 = arith.constant 0 : i32
      %sign3A_22 = vector.broadcast %sign3A_21 : i32 to vector<4x1xi32>
      %sign3A_23 = arith.cmpi slt, %sub3A, %sign3A_22 : vector<4x1xi32>
      %sign3A_24 = arith.extui %sign3A_23 : vector<4x1xi1> to vector<4x1xi32>
      %sign3A_25 = arith.subi %sign3A_20, %sign3A_24 : vector<4x1xi32>
      %sign3A_26 = arith.constant 0 : i32
      %sign3A_27 = arith.cmpi sgt, %jit3A, %sign3A_26 : i32
      %sign3A_28 = arith.extui %sign3A_27 : i1 to i32
      %sign3A_29 = arith.constant 0 : i32
      %sign3A_30 = arith.cmpi slt, %jit3A, %sign3A_29 : i32
      %sign3A_31 = arith.extui %sign3A_30 : i1 to i32
      %sign3A_32 = arith.subi %sign3A_28, %sign3A_31 : i32
      %ne3A = vector.broadcast %sign3A_32 : i32 to vector<4x1xi32>
      %ne3A_33 = arith.cmpi ne, %sign3A_25, %ne3A : vector<4x1xi32>
      %rem3A = vector.broadcast %jit3A : i32 to vector<4x1xi32>
      %rem3A_34 = arith.remsi %sub3A, %rem3A : vector<4x1xi32>
      %ne3A_35 = arith.constant 0 : i32
      %ne3A_36 = vector.broadcast %ne3A_35 : i32 to vector<4x1xi32>
      %ne3A_37 = arith.cmpi ne, %rem3A_34, %ne3A_36 : vector<4x1xi32>
      %and3A = arith.andi %ne3A_33, %ne3A_37 : vector<4x1xi1>
      %sub3A_38 = arith.constant 1 : i32
      %sub3A_39 = vector.broadcast %sub3A_38 : i32 to vector<4x1xi32>
      %sub3A_40 = arith.subi %div3A_17, %sub3A_39 : vector<4x1xi32>
      %select_n3A = arith.select %and3A, %sub3A_40, %div3A_17 : vector<4x1xi1>, vector<4x1xi32>
      %add3A = arith.addi %scan3A_15, %select_n3A : vector<4x1xi32>
      %ge3A = vector.broadcast %add3A : vector<4x1xi32> to vector<4x4096xi32>
      %ge3A_41 = arith.cmpi sge, %bitcast_convert_type3A, %ge3A : vector<4x4096xi32>
      %convert_element_type3A = arith.extui %ge3A_41 : vector<4x4096xi1> to vector<4x4096xi32>
      %reduce_sum3A = arith.constant dense<0> : vector<4xi32>
      %reduce_sum3A_42 = vector.multi_reduction <add>, %convert_element_type3A, %reduce_sum3A [1] : vector<4x4096xi32> to vector<4xi32>
      %broadcast_in_dim3A_43 = vector.shape_cast %reduce_sum3A_42 : vector<4xi32> to vector<4x1xi32>
      %ge3A_44 = arith.constant 2048 : i32
      %ge3A_45 = vector.broadcast %ge3A_44 : i32 to vector<4x1xi32>
      %ge3A_46 = arith.cmpi sge, %broadcast_in_dim3A_43, %ge3A_45 : vector<4x1xi32>
      %select_n3A_47 = arith.select %ge3A_46, %add3A, %scan3A_15 : vector<4x1xi1>, vector<4x1xi32>
      %select_n3A_48 = arith.select %ge3A_46, %scan3A_16, %add3A : vector<4x1xi1>, vector<4x1xi32>
      scf.yield %select_n3A_47, %select_n3A_48 : vector<4x1xi32>, vector<4x1xi32>
    }
    %bitcast_convert_type3A_9 = tpu.bitcast %scan3A_8#0 : vector<4x1xi32> -> vector<4x1xf32>
    %broadcast_in_dim3A_10 = vector.shape_cast %bitcast_convert_type3A_9 : vector<4x1xf32> to vector<4x1xf32>
    %broadcast_in_dim3A_11 = vector.broadcast %broadcast_in_dim3A_10 : vector<4x1xf32> to vector<4x128xf32>
    %swap3A = arith.constant 0 : index
    %swap3A_12 = arith.constant 0 : index
    %swap3A_13 = vector.load %arg1[%swap3A, %swap3A_12] : memref<4x128xf32, #tpu.memory_space<vmem>>, vector<4x128xf32>
    tpu.vector_store %arg1[%swap3A, %swap3A_12], %broadcast_in_dim3A_11 {strides = array<i32>} : memref<4x128xf32, #tpu.memory_space<vmem>>, vector<4x128xf32>,
    return
  }
}

module attributes {stable_mosaic.version = 14 : i64} {
  func.func @_wvo_body(%arg0: memref<768x768xf32, #tpu.memory_space<vmem>>, %arg1: memref<768x768xf32, #tpu.memory_space<vmem>>, %arg2: memref<768x768xf32, #tpu.memory_space<vmem>>) attributes {dimension_semantics = [], scalar_prefetch = 0 : i64, scratch_operands = 0 : i64, tpu.core_type = #tpu.core_type<tc>} {
    %get3A = arith.constant 0 : index
    %get3A_0 = arith.constant 0 : index
    %get3A_1 = vector.load %arg0[%get3A, %get3A_0] : memref<768x768xf32, #tpu.memory_space<vmem>>, vector<768x768xf32>
    %get3A_2 = arith.constant 0 : index
    %get3A_3 = arith.constant 0 : index
    %get3A_4 = vector.load %arg1[%get3A_2, %get3A_3] : memref<768x768xf32, #tpu.memory_space<vmem>>, vector<768x768xf32>
    %dot_general3A = arith.constant dense<0.000000e+00> : vector<768x768xf32>
    %dot_general3A_5 = tpu.matmul %get3A_1, %get3A_4, %dot_general3A {dimension_numbers = #tpu.dot_dimension_numbers<[1], [0], [0], [1], [0, 0, 1, 1], [], []>, transpose_lhs_hint = false} : vector<768x768xf32>, vector<768x768xf32>, vector<768x768xf32> -> vector<768x768xf32>
    %swap3A = arith.constant 0 : index
    %swap3A_6 = arith.constant 0 : index
    %swap3A_7 = vector.load %arg2[%swap3A, %swap3A_6] : memref<768x768xf32, #tpu.memory_space<vmem>>, vector<768x768xf32>
    tpu.vector_store %arg2[%swap3A, %swap3A_6], %dot_general3A_5 {strides = array<i32>} : memref<768x768xf32, #tpu.memory_space<vmem>>, vector<768x768xf32>,
    return
  }
}

module attributes {stable_mosaic.version = 14 : i64} {
  func.func @_sel_body(%arg0: i32, %arg1: memref<512x768xf32, #tpu.memory_space<vmem>>, %arg2: memref<768x768xf32, #tpu.memory_space<vmem>>, %arg3: memref<1x768xf32, #tpu.memory_space<vmem>>, %arg4: memref<1x768xf32, #tpu.memory_space<vmem>>, %arg5: memref<768x3072xf32, #tpu.memory_space<vmem>>, %arg6: memref<768x3072xf32, #tpu.memory_space<vmem>>, %arg7: memref<3072x768xf32, #tpu.memory_space<vmem>>, %arg8: memref<512x768xf32, #tpu.memory_space<vmem>>) attributes {dimension_semantics = [#tpu.dimension_semantics<arbitrary>], iteration_bounds = array<i64: 16>, scalar_prefetch = 0 : i64, scratch_operands = 0 : i64, tpu.core_type = #tpu.core_type<tc>, window_params = [{transform_indices = @transform_0, window_bounds = array<i64: 512, 768>}, {pipeline_mode = #tpu.pipeline_mode<synchronous>, transform_indices = @transform_1, window_bounds = array<i64: 768, 768>}, {pipeline_mode = #tpu.pipeline_mode<synchronous>, transform_indices = @transform_2, window_bounds = array<i64: 1, 768>}, {pipeline_mode = #tpu.pipeline_mode<synchronous>, transform_indices = @transform_3, window_bounds = array<i64: 1, 768>}, {pipeline_mode = #tpu.pipeline_mode<synchronous>, transform_indices = @transform_4, window_bounds = array<i64: 768, 3072>}, {pipeline_mode = #tpu.pipeline_mode<synchronous>, transform_indices = @transform_5, window_bounds = array<i64: 768, 3072>}, {pipeline_mode = #tpu.pipeline_mode<synchronous>, transform_indices = @transform_6, window_bounds = array<i64: 3072, 768>}, {transform_indices = @transform_7, window_bounds = array<i64: 512, 768>}]} {
    %get3A = arith.constant 0 : index
    %get3A_0 = arith.constant 0 : index
    %get3A_1 = vector.load %arg1[%get3A, %get3A_0] : memref<512x768xf32, #tpu.memory_space<vmem>>, vector<512x768xf32>
    %mul3A = arith.mulf %get3A_1, %get3A_1 : vector<512x768xf32>
    %reduce_sum3A = arith.constant dense<0.000000e+00> : vector<512xf32>
    %reduce_sum3A_2 = vector.multi_reduction <add>, %mul3A, %reduce_sum3A [1] : vector<512x768xf32> to vector<512xf32>
    %broadcast_in_dim3A = vector.shape_cast %reduce_sum3A_2 : vector<512xf32> to vector<512x1xf32>
    %div3A = arith.constant 7.680000e+02 : f32
    %div3A_3 = vector.broadcast %div3A : f32 to vector<512x1xf32>
    %div3A_4 = arith.divf %broadcast_in_dim3A, %div3A_3 : vector<512x1xf32>
    %add3A = arith.constant 9.99999974E-6 : f32
    %add3A_5 = vector.broadcast %add3A : f32 to vector<512x1xf32>
    %add3A_6 = arith.addf %div3A_4, %add3A_5 : vector<512x1xf32>
    %rsqrt3A = math.rsqrt %add3A_6 : vector<512x1xf32>
    %mul3A_7 = vector.broadcast %rsqrt3A : vector<512x1xf32> to vector<512x768xf32>
    %mul3A_8 = arith.mulf %get3A_1, %mul3A_7 : vector<512x768xf32>
    %get3A_9 = arith.constant 0 : index
    %get3A_10 = arith.constant 0 : index
    %get3A_11 = vector.load %arg3[%get3A_9, %get3A_10] : memref<1x768xf32, #tpu.memory_space<vmem>>, vector<1x768xf32>
    %mul3A_12 = vector.broadcast %get3A_11 : vector<1x768xf32> to vector<512x768xf32>
    %mul3A_13 = arith.mulf %mul3A_8, %mul3A_12 : vector<512x768xf32>
    %get3A_14 = arith.constant 0 : index
    %get3A_15 = arith.constant 0 : index
    %get3A_16 = vector.load %arg2[%get3A_14, %get3A_15] : memref<768x768xf32, #tpu.memory_space<vmem>>, vector<768x768xf32>
    %dot_general3A = arith.constant dense<0.000000e+00> : vector<512x768xf32>
    %dot_general3A_17 = tpu.matmul %mul3A_13, %get3A_16, %dot_general3A {dimension_numbers = #tpu.dot_dimension_numbers<[1], [0], [0], [1], [0, 0, 1, 1], [], []>, transpose_lhs_hint = false} : vector<512x768xf32>, vector<768x768xf32>, vector<512x768xf32> -> vector<512x768xf32>
    %add3A_18 = arith.addf %get3A_1, %dot_general3A_17 : vector<512x768xf32>
    %mul3A_19 = arith.mulf %add3A_18, %add3A_18 : vector<512x768xf32>
    %reduce_sum3A_20 = arith.constant dense<0.000000e+00> : vector<512xf32>
    %reduce_sum3A_21 = vector.multi_reduction <add>, %mul3A_19, %reduce_sum3A_20 [1] : vector<512x768xf32> to vector<512xf32>
    %broadcast_in_dim3A_22 = vector.shape_cast %reduce_sum3A_21 : vector<512xf32> to vector<512x1xf32>
    %div3A_23 = arith.constant 7.680000e+02 : f32
    %div3A_24 = vector.broadcast %div3A_23 : f32 to vector<512x1xf32>
    %div3A_25 = arith.divf %broadcast_in_dim3A_22, %div3A_24 : vector<512x1xf32>
    %add3A_26 = arith.constant 9.99999974E-6 : f32
    %add3A_27 = vector.broadcast %add3A_26 : f32 to vector<512x1xf32>
    %add3A_28 = arith.addf %div3A_25, %add3A_27 : vector<512x1xf32>
    %rsqrt3A_29 = math.rsqrt %add3A_28 : vector<512x1xf32>
    %mul3A_30 = vector.broadcast %rsqrt3A_29 : vector<512x1xf32> to vector<512x768xf32>
    %mul3A_31 = arith.mulf %add3A_18, %mul3A_30 : vector<512x768xf32>
    %get3A_32 = arith.constant 0 : index
    %get3A_33 = arith.constant 0 : index
    %get3A_34 = vector.load %arg4[%get3A_32, %get3A_33] : memref<1x768xf32, #tpu.memory_space<vmem>>, vector<1x768xf32>
    %mul3A_35 = vector.broadcast %get3A_34 : vector<1x768xf32> to vector<512x768xf32>
    %mul3A_36 = arith.mulf %mul3A_31, %mul3A_35 : vector<512x768xf32>
    %get3A_37 = arith.constant 0 : index
    %get3A_38 = arith.constant 0 : index
    %get3A_39 = vector.load %arg5[%get3A_37, %get3A_38] : memref<768x3072xf32, #tpu.memory_space<vmem>>, vector<768x3072xf32>
    %dot_general3A_40 = arith.constant dense<0.000000e+00> : vector<512x3072xf32>
    %dot_general3A_41 = tpu.matmul %mul3A_36, %get3A_39, %dot_general3A_40 {dimension_numbers = #tpu.dot_dimension_numbers<[1], [0], [0], [1], [0, 0, 1, 1], [], []>, transpose_lhs_hint = false} : vector<512x768xf32>, vector<768x3072xf32>, vector<512x3072xf32> -> vector<512x3072xf32>
    %get3A_42 = arith.constant 0 : index
    %get3A_43 = arith.constant 0 : index
    %get3A_44 = vector.load %arg6[%get3A_42, %get3A_43] : memref<768x3072xf32, #tpu.memory_space<vmem>>, vector<768x3072xf32>
    %dot_general3A_45 = arith.constant dense<0.000000e+00> : vector<512x3072xf32>
    %dot_general3A_46 = tpu.matmul %mul3A_36, %get3A_44, %dot_general3A_45 {dimension_numbers = #tpu.dot_dimension_numbers<[1], [0], [0], [1], [0, 0, 1, 1], [], []>, transpose_lhs_hint = false} : vector<512x768xf32>, vector<768x3072xf32>, vector<512x3072xf32> -> vector<512x3072xf32>
    %logistic3A = arith.negf %dot_general3A_41 : vector<512x3072xf32>
    %logistic3A_47 = math.exp %logistic3A : vector<512x3072xf32>
    %logistic3A_48 = arith.constant 1.000000e+00 : f32
    %logistic3A_49 = vector.broadcast %logistic3A_48 : f32 to vector<512x3072xf32>
    %logistic3A_50 = arith.addf %logistic3A_49, %logistic3A_47 : vector<512x3072xf32>
    %logistic3A_51 = arith.divf %logistic3A_49, %logistic3A_50 : vector<512x3072xf32>
    %mul3A_52 = arith.mulf %dot_general3A_41, %logistic3A_51 : vector<512x3072xf32>
    %mul3A_53 = arith.mulf %mul3A_52, %dot_general3A_46 : vector<512x3072xf32>
    %get3A_54 = arith.constant 0 : index
    %get3A_55 = arith.constant 0 : index
    %get3A_56 = vector.load %arg7[%get3A_54, %get3A_55] : memref<3072x768xf32, #tpu.memory_space<vmem>>, vector<3072x768xf32>
    %dot_general3A_57 = arith.constant dense<0.000000e+00> : vector<512x768xf32>
    %dot_general3A_58 = tpu.matmul %mul3A_53, %get3A_56, %dot_general3A_57 {dimension_numbers = #tpu.dot_dimension_numbers<[1], [0], [0], [1], [0, 0, 1, 1], [], []>, transpose_lhs_hint = false} : vector<512x3072xf32>, vector<3072x768xf32>, vector<512x768xf32> -> vector<512x768xf32>
    %add3A_59 = arith.addf %add3A_18, %dot_general3A_58 : vector<512x768xf32>
    %swap3A = arith.constant 0 : index
    %swap3A_60 = arith.constant 0 : index
    %swap3A_61 = vector.load %arg8[%swap3A, %swap3A_60] : memref<512x768xf32, #tpu.memory_space<vmem>>, vector<512x768xf32>
    tpu.vector_store %arg8[%swap3A, %swap3A_60], %add3A_59 {strides = array<i32>} : memref<512x768xf32, #tpu.memory_space<vmem>>, vector<512x768xf32>,
    return
  }
  func.func @transform_0(%arg0: i32) -> (i32, i32) {
    %c0_i32 = arith.constant 0 : i32
    %c0_i32_0 = arith.constant 0 : i32
    return %arg0, %c0_i32 : i32, i32
  }
  func.func @transform_1(%arg0: i32) -> (i32, i32) {
    %c0_i32 = arith.constant 0 : i32
    %c0_i32_0 = arith.constant 0 : i32
    %c0_i32_1 = arith.constant 0 : i32
    return %c0_i32, %c0_i32_0 : i32, i32
  }
  func.func @transform_2(%arg0: i32) -> (i32, i32) {
    %c0_i32 = arith.constant 0 : i32
    %c0_i32_0 = arith.constant 0 : i32
    %c0_i32_1 = arith.constant 0 : i32
    return %c0_i32, %c0_i32_0 : i32, i32
  }
  func.func @transform_3(%arg0: i32) -> (i32, i32) {
    %c0_i32 = arith.constant 0 : i32
    %c0_i32_0 = arith.constant 0 : i32
    %c0_i32_1 = arith.constant 0 : i32
    return %c0_i32, %c0_i32_0 : i32, i32
  }
  func.func @transform_4(%arg0: i32) -> (i32, i32) {
    %c0_i32 = arith.constant 0 : i32
    %c0_i32_0 = arith.constant 0 : i32
    %c0_i32_1 = arith.constant 0 : i32
    return %c0_i32, %c0_i32_0 : i32, i32
  }
  func.func @transform_5(%arg0: i32) -> (i32, i32) {
    %c0_i32 = arith.constant 0 : i32
    %c0_i32_0 = arith.constant 0 : i32
    %c0_i32_1 = arith.constant 0 : i32
    return %c0_i32, %c0_i32_0 : i32, i32
  }
  func.func @transform_6(%arg0: i32) -> (i32, i32) {
    %c0_i32 = arith.constant 0 : i32
    %c0_i32_0 = arith.constant 0 : i32
    %c0_i32_1 = arith.constant 0 : i32
    return %c0_i32, %c0_i32_0 : i32, i32
  }
  func.func @transform_7(%arg0: i32) -> (i32, i32) {
    %c0_i32 = arith.constant 0 : i32
    %c0_i32_0 = arith.constant 0 : i32
    return %arg0, %c0_i32 : i32, i32
  }
}

</mosaic_0001>

<sc_bundles>
// kernel: kernel.11.cloned.1.call-start
scs
__scs_entry_jumppad:
0x0: {  	(pc) =	sbr.rel $0x88, $3  }
0x1: {  	(tag) =	ssettag $0x0;
	lr =	simm.s32 $0x1  }
0x2: {  	[smem:$0x3F97] =	sst lr;
	_ =	strace $0xD0000000  }
0x3: {  	_ = 	snop  }
0x4: {  	_ = 	snop  }
0x5: {  	_ = 	snop  }
0x6: {  	_ = 	snop  }
0x7: {  	_ = 	snop  }
__scs_overlays_trampoline_lowered:
0x8: {  	[smem:$0x3FA6] =	sst s0  }
0x9: {  	[smem:$0x3FA7] =	sst s1  }
0xa: {  	[smem:$0x3FA8] =	sst s2  }
0xb: {  	[smem:$0x3FA9] =	sst s3  }
0xc: {  	[smem:$0x3FAA] =	sst s4  }
0xd: {  	[smem:$0x3FAB] =	sst s5  }
0xe: {  	[smem:$0x3FAC] =	sst s6  }
0xf: {  	[smem:$0x3FAD] =	sst s7  }
0x10: {  	[smem:$0x3FAE] =	sst s8  }
0x11: {  	[smem:$0x3FAF] =	sst s9;
	s0 =	simm.s32 @!p0 $0x0  }
0x12: {  	s1 =	sld [smem:$0x3F95];
	s0 =	simm.s32 @p0 $0x1  }
0x13: {  	[smem:$0x3FB0] =	sst s0;
	s0 =	simm.s32 @!p1 $0x0  }
0x14: {  	s2 =	sld [smem:$0x3F94];
	s0 =	simm.s32 @p1 $0x1  }
0x15: {  	[smem:$0x3FB1] =	sst s0;
	s0 =	simm.s32 @!p2 $0x0  }
0x16: {  	s3 =	sld [smem:$0x3FDB];
	s0 =	simm.s32 @p2 $0x1  }
0x17: {  	s4 =	simm.s32 $0x1BF5;
	[smem:$0x3FB3] =	sst s0  }
0x18: {  	s0 =	sld [smem:$0x3F96];
	_ =	swait.ge [sflag:s4], $0x0  }
0x19: {  	s7 =	sld [smem:$0x3F97]  }
0x1a: {  	s8 =	sadd.s32 $0xFFFFE003, lr  }
0x1b: {  	s9 =	sadd.s32 $0xFFFFFEF7, lr;
	s5 =	simm.s32 $0xFFFFFFFF;
	p2 =	slt.u32 s8, $0xFFFFF086  }
0x1c: {  	p1 =	slt.u32 s9, $0xF7A;
	s5 =	simm.s32 @!p2 $0x0  }
0x1d: {  	s5 =	simm.s32 @p1 $0x1;
	p0 =	seq.s32 s7, s2  }
0x1e: {  	s7 =	smul.u32 @!p0 $0xF7A, s2;
	p2 =	seq.s32 @!p0 s5, $0x0  }
0x1f: {  	s9 =	smul.u32 $0xF7A, s1;
	s8 =	simm.s32 @!p0 $0x1BF5;
	p2 =	por !p2, p0  }
0x20: {  	[sflag:s8] =	ssyncset.s32 @!p0 $0xFFFFF086;
	s6 =	sadd.s32 @!p0 s3, s7;
	s7 =	simm.s32 @!p0 $0x108  }
0x21: {  	s3 =	sadd.s32 s3, s9;
	s6 =	sadd.s32 @!p0 $0x88, s6;
	s7 =	simm.s32 @p2 $0x1082  }
0x22: {  	[simem:s7], [sflag:s8] =	dma.local @!p0 [hbm:s6], $0xF7A  }
0x23: {  	s9 =	sor.u32 $0xD0000000, s2;
	s6 =	simm.s32 $0x108;
	_ =	swait.ge @!p0 [sflag:s8], $0x0  }
0x24: {  	s3 =	sadd.s32 $0x88, s3;
	s6 =	simm.s32 @!p1 $0x1082;
	[sflag:s4] =	ssyncset.s32 $0xFFFFF086  }
0x25: {  	[simem:s6], [sflag:s4] =	dma.local [hbm:s3], $0xF7A  }
0x26: {  	[smem:$0x3F97] =	sst s1;
	(tag) =	ssettag s2;
	_ =	strace s9  }
0x27: {  	s1 =	sld [smem:$0x3FA7]  }
0x28: {  	s2 =	sld [smem:$0x3FA8]  }
0x29: {  	s4 =	sld [smem:$0x3FAA]  }
0x2a: {  	p0 =	seq.s32 s5, $0x0;
	s5 =	sld [smem:$0x3FAB]  }
0x2b: {  	s6 =	sld [smem:$0x3FAC]  }
0x2c: {  	s7 =	sld [smem:$0x3FAD]  }
0x2d: {  	s3 =	simm.s32 $0x108;
	s8 =	sld [smem:$0x3FAE]  }
0x2e: {  	s3 =	simm.s32 @!p0 $0x1082;
	s9 =	sld [smem:$0x3FAF]  }
0x2f: {  	lr =	sadd.s32 s0, s3;
	s0 =	sld [smem:$0x3FA6]  }
0x30: {  	s3 =	sld [smem:$0x3FA9]  }
0x31: {  	[smem:$0x3FB2] =	sst s10  }
0x32: {  	s10 =	sld [smem:$0x3FB0];
	_ =	sdelay $0x3  }
0x33: {  	p0 =	seq.s32 s10, $0x1;
	s10 =	sld [smem:$0x3FB2];
	_ =	sdelay $0x3  }
0x34: {  	[smem:$0x3FB2] =	sst s10  }
0x35: {  	s10 =	sld [smem:$0x3FB1];
	_ =	sdelay $0x3  }
0x36: {  	p1 =	seq.s32 s10, $0x1;
	s10 =	sld [smem:$0x3FB2];
	_ =	sdelay $0x3  }
0x37: {  	[smem:$0x3FB2] =	sst s10  }
0x38: {  	s10 =	sld [smem:$0x3FB3]  }
0x39: {  	_ = 	snop;
	(pc) =	sbr.ind lr, $3  }
0x3a: {  	_ = 	snop  }
0x3b: {  	_ = 	snop  }
0x3c: {  	p2 =	seq.s32 s10, $0x1;
	s10 =	sld [smem:$0x3FB2]  }
0x3d: {  	_ =	shalt  }
0x3e: {  	_ =	shalt  }
0x3f: {  	_ =	shalt  }
0x40: {  	_ =	shalt  }
0x41: {  	_ =	shalt  }
0x42: {  	_ =	shalt  }
0x43: {  	_ =	shalt  }
0x44: {  	_ =	shalt  }
0x45: {  	_ =	shalt  }
0x46: {  	_ =	shalt  }
0x47: {  	_ =	shalt  }
0x48: {  	_ =	shalt  }
0x49: {  	_ =	shalt  }
0x4a: {  	_ =	shalt  }
0x4b: {  	_ =	shalt  }
0x4c: {  	_ =	shalt  }
0x4d: {  	_ =	shalt  }
0x4e: {  	_ =	shalt  }
0x4f: {  	_ =	shalt  }
0x50: {  	_ =	shalt  }
0x51: {  	_ =	shalt  }
0x52: {  	_ =	shalt  }
0x53: {  	_ =	shalt  }
0x54: {  	_ =	shalt  }
0x55: {  	_ =	shalt  }
0x56: {  	_ =	shalt  }
0x57: {  	_ =	shalt  }
0x58: {  	_ =	shalt  }
0x59: {  	_ =	shalt  }
0x5a: {  	_ =	shalt  }
0x5b: {  	_ =	shalt  }
0x5c: {  	_ =	shalt  }
0x5d: {  	_ =	shalt  }
0x5e: {  	_ =	shalt  }
0x5f: {  	_ =	shalt  }
0x60: {  	_ =	shalt  }
0x61: {  	_ =	shalt  }
0x62: {  	_ =	shalt  }
0x63: {  	_ =	shalt  }
0x64: {  	_ =	shalt  }
0x65: {  	_ =	shalt  }
0x66: {  	_ =	shalt  }
0x67: {  	_ =	shalt  }
0x68: {  	_ =	shalt  }
0x69: {  	_ =	shalt  }
0x6a: {  	_ =	shalt  }
0x6b: {  	_ =	shalt  }
0x6c: {  	_ =	shalt  }
0x6d: {  	_ =	shalt  }
0x6e: {  	_ =	shalt  }
0x6f: {  	_ =	shalt  }
0x70: {  	_ =	shalt  }
0x71: {  	_ =	shalt  }
0x72: {  	_ =	shalt  }
0x73: {  	_ =	shalt  }
0x74: {  	_ =	shalt  }
0x75: {  	_ =	shalt  }
0x76: {  	_ =	shalt  }
0x77: {  	_ =	shalt  }
0x78: {  	_ =	shalt  }
0x79: {  	_ =	shalt  }
0x7a: {  	_ =	shalt  }
0x7b: {  	_ =	shalt  }
0x7c: {  	_ =	shalt  }
0x7d: {  	_ =	shalt  }
0x7e: {  	_ =	shalt  }
0x7f: {  	_ =	shalt  }
0x80: {  	_ =	shalt  }
0x81: {  	_ =	shalt  }
0x82: {  	_ =	shalt  }
0x83: {  	_ =	shalt  }
0x84: {  	_ =	shalt  }
0x85: {  	_ =	shalt  }
0x86: {  	_ =	shalt  }
0x87: {  	_ =	shalt  }
.Lfunc_end0:
.L_simem_size_0:
called_computation.1_lowered:
.L_overlay_start_0:
0x88: {  	s2 =	sld [smem:$0x3FD9]  }
0x89: {  	s3 =	sld [smem:$0x3FFE];
	_ =	sdelay $0x1  }
0x8a: {  	s1 =	srdreg.scid  }
0x8b: {  	s0 =	sand.u32 $0x1, s1  }
0x8c: {  	s17 =	sshll.u32 s0, $0xA;
	s2 =	sadd.s32 s3, s2  }
0x8d: {  	s2 =	sadd.s32 s2, s17  }
0x8e: {  	[smem:$0x3FBE] =	sst s2  }
0x8f: {  	_ = 	snop  }
0x90: {  	s2 =	sld [smem:$0x3FC9]  }
0x91: {  	s18 =	sld [smem:$0x3FD0];
	(tm) =	ssettm $0x1  }
0x92: {  	s4 =	sld [smem:$0x3FFB];
	_ =	sdelay $0x3  }
0x93: {  	_ =	strace s4  }
0x94: {  	s4 =	sld [smem:$0x3FFC];
	_ =	sdelay $0x3  }
0x95: {  	_ =	strace s4  }
0x96: {  	s4 =	sld [smem:$0x3FFD];
	_ =	sdelay $0x3  }
0x97: {  	_ =	strace s4  }
0x98: {  	_ =	strace $0x8FFFFFFF  }
0x99: {  	s19 =	sld [smem:$0x3FDB];
	_ =	sdelay $0x1  }
0x9a: {  	s5 =	simm.s32 $_scs_section_size  }
0x9b: {  	s6 =	simm.s32 $_size__tile_overlayer_lowered;
	s7 =	simm.s32 $_tile_overlayer_lowered  }
0x9c: {  	s22 =	simm.s32 $0x1BFF;
	s21 =	sshll.u32 s7, $0x1;
	s4 =	sadd.s32 s5, s19  }
0x9d: {  	s8 =	simm.s32 $0x0;
	s20 =	sshll.u32 s6, $0x1;
	s6 =	sadd.s32 s21, s4  }
0x9e: {  	[timem:s8], [sflag:s22] =	dma.local [hbm:s6], s20  }
0x9f: {  	_ =	swait.ge [sflag:s22], s20  }
0xa0: {  	s5 =	ssub.s32 $0x0, s20;
	[sflag:s22] =	ssyncset.done $0x0  }
0xa1: {  	[sflag:s22] =	ssyncadd.s32 s5;
	_ =	sdelay $0x1  }
0xa2: {  	s23 =	simm.s32 $0x1B8B  }
0xa3: {  	_ =	swait.ge [sflag:s23], $0x1  }
0xa4: {  	[sflag:s23] =	ssyncset.done $0x0  }
0xa5: {  	s25 =	simm.s32 $0x1B8E;
	s24 =	sld [smem:$0x3FFE];
	[sflag:s23] =	ssyncadd.s32 $0xFFFFFFFF  }
0xa6: {  	s26 =	simm.s32 $execute0_lowered;
	[smem:$0x3FD2] =	sst s25  }
0xa7: {  	s6 =	sshll.u32 s26, $0x1;
	_ =	strace $0x80000049;
	[dreg:$0x1] =	wrdreg $0xFFFFFFFF  }
0xa8: {  	s28 =	simm.s32 $_size_execute0_lowered;
	s4 =	sadd.s32 s4, s6;
	[dreg:$0x0] =	wrdreg $0x0  }
0xa9: {  	s6 =	sshll.u32 s28, $0x1;
	[dreg:$0x2] =	wrdreg s4  }
0xaa: {  	[dreg:$0x3] =	wrdreg s6  }
0xab: {  	[dreg:$0x4] =	wrdreg $0xC0  }
0xac: {  	_ =	task [dreg:s8], $0x5FFFF  }
0xad: {  	[dreg:$0x1] =	wrdreg $0xFFFFFFFF  }
0xae: {  	[dreg:$0x0] =	wrdreg $0x60  }
0xaf: {  	[dreg:$0x2] =	wrdreg s2  }
0xb0: {  	[dreg:$0x3] =	wrdreg s24  }
0xb1: {  	[dreg:$0x4] =	wrdreg s18  }
0xb2: {  	[dreg:$0x5] =	wrdreg $0x9  }
0xb3: {  	_ =	task.clear_ibuf [dreg:s8], $0x6FFFF;
	_ =	strace $0x90000049  }
0xb4: {  	s29 =	simm.s32 $0x9;
	_ =	strace $0x8000004B  }
0xb5: {  	_ =	swait.ge [sflag:s29], $0x1  }
0xb6: {  	[sflag:s29] =	ssyncadd.s32 $0xFFFFFFFF  }
0xb7: {  	_ =	strace $0x9000004B  }
0xb8: {  	_ =	sfence  }
0xb9: {  	s30 =	sld [smem:$0x0];
	_ =	sdelay $0x2  }
0xba: {  	s31 =	sshll.u32 s1, $0xD;
	s1 =	sshrl.u32 s1, $0x2  }
0xbb: {  	s3 =	sand.u32 $0x4000, s31;
	s1 =	sadd.s32 s1, s30  }
0xbc: {  	s0 =	sor.u32 s3, s0;
	s1 =	sshll.u32 s1, $0x11  }
0xbd: {  	s0 =	sor.u32 s1, s0  }
0xbe: {  	s0 =	sadd.s32 $0x8F2B, s0  }
0xbf: {  	[sflag:s0] =	ssyncadd.remote.s32 $0x1  }
0xc0: {  	_ =	sfence.sel $0xFFFF  }
0xc1: {  	[dreg:$0x0] =	wrdreg $0xFFFFFFFF;
	(pc) =	sbr.abs _section_cstart, $3  }
0xc2: {  	[dreg:$0x1] =	wrdreg $0xFFFFFFFF  }
0xc3: {  	_ =	task.clear_ibuf [dreg:s8], $0x2FFFF;
	_ =	strace $0x9FFFFFFF  }
0xc4: {  	(tm) =	ssettm $0x7FFFFFFF  }
0xc5: {  	_ =	shalt  }
tec
execute0_lowered:
.L_overlay_start_1:
0x0: {  	(tag) =	ssettag $0x1  }
0x1: {  	s0 =	srdreg.scid  }
0x2: {  	s1 =	rddreg [dreg:$0x0];
	s9 =	stileid.u32;
	s0 =	sand.u32 $0x1, s0  }
0x3: {  	s4 =	rddreg [dreg:$0x1];
	s5 =	sshll.u32 s9, $0x6;
	s3 =	sshll.u32 s0, $0xA  }
0x4: {  	s2 =	rddreg [dreg:$0x2];
	s5 =	sor.u32 s5, s3  }
0x5: {  	s28 =	simm.s32 $0x5A00;
	s3 =	simm.s32 $0x0;
	s6 =	smul.u32 $0x300, s5  }
0x6: {  	s29 =	simm.s32 $0x6200;
	s30 =	simm.s32 $0x6A00;
	[smem:$0x7FF] =	sst s3  }
0x7: {  	s5 =	smul.u32 $0x1800, s5;
	_ =	strace $0x8000004A;
	s7 =	sadd.s32 s1, s6  }
0x8: {  	s8 =	sor.u32 $0x1800, s6;
	s12 =	sadd.s32 s2, s6;
	[dreg:$0x4] =	wrdreg s7  }
0x9: {  	s6 =	sor.u32 $0x3000, s6;
	s11 =	sadd.s32 s1, s8;
	[dreg:$0x6] =	wrdreg s12  }
0xa: {  	s31 =	simm.s32 $0x7200;
	s13 =	sadd.s32 s1, s6;
	[dreg:$0x5] =	wrdreg s11  }
0xb: {  	s5 =	sshrl.u32 s5, $0x3;
	s14 =	sadd.s32 s2, s8;
	[dreg:$0x7] =	wrdreg s13  }
0xc: {  	s15 =	sadd.s32 $0x4800, s5;
	s6 =	sadd.s32 s2, s6;
	[dreg:$0x8] =	wrdreg s14  }
0xd: {  	s17 =	sadd.s32 $0x6000, s5;
	s16 =	sadd.s32 s1, s15;
	[dreg:$0xa] =	wrdreg s6  }
0xe: {  	s26 =	sadd.s32 $0x3800, s4;
	s18 =	sadd.s32 s1, s17;
	[dreg:$0x9] =	wrdreg s16  }
0xf: {  	s20 =	sadd.s32 $0x7800, s5;
	s19 =	sadd.s32 s2, s15;
	[dreg:$0xb] =	wrdreg s18  }
0x10: {  	s4 =	sadd.s32 $0x3400, s4;
	s21 =	sadd.s32 s1, s20;
	[dreg:$0xc] =	wrdreg s19  }
0x11: {  	s23 =	sadd.s32 $0x9000, s5;
	s22 =	sadd.s32 s2, s17;
	[dreg:$0xd] =	wrdreg s21  }
0x12: {  	s5 =	sadd.s32 $0xA800, s5;
	s24 =	sadd.s32 s1, s23;
	[dreg:$0xe] =	wrdreg s22  }
0x13: {  	s12 =	sshll.u32 s9, $0x5;
	s25 =	sadd.s32 s2, s20;
	[dreg:$0xf] =	wrdreg s24  }
0x14: {  	s8 =	simm.s32 $0x1;
	s1 =	sadd.s32 s1, s5;
	[dreg:$0x10] =	wrdreg s25  }
0x15: {  	s9 =	simm.s32 $0xC200;
	s10 =	sadd.s32 s2, s23;
	[dreg:$0x11] =	wrdreg s1  }
0x16: {  	s11 =	sshll.u32 s0, $0x9;
	s13 =	sadd.s32 s2, s5;
	[dreg:$0x12] =	wrdreg s10  }
0x17: {  	s0 =	ssub.s32 $0x2, s0;
	s14 =	sor.u32 s12, s11;
	[dreg:$0x13] =	wrdreg s13  }
0x18: {  	s17 =	sshrl.u32 s0, $0x1;
	s24 =	simm.s32 $0x80;
	s25 =	simm.s32 $0x100  }
0x19: {  	s11 =	simm.s32 $0x3;
	s12 =	simm.s32 $0x8A00;
	s13 =	simm.s32 $0x9200  }
0x1a: {  	s15 =	sadd.s32 s4, s14;
	s7 =	sor.u32 $0x8, s14;
	s18 =	sor.u32 $0x10, s14  }
0x1b: {  	s10 =	sor.u32 $0x18, s14;
	s5 =	smul.u32 $0x300, s14;
	[dreg:$0x1c] =	wrdreg s24  }
0x1c: {  	s0 =	ssub.s32 s0, s17;
	[dreg:$0x1d] =	wrdreg s25;
	s24 =	simm.s32 $0x4200  }
0x1d: {  	s25 =	simm.s32 $0x4A00;
	s16 =	sadd.s32 s4, s7;
	s7 =	smul.u32 $0x300, s7  }
0x1e: {  	s14 =	simm.s32 $0x9A00;
	[dreg:$0x14] =	wrdreg s15;
	s1 =	smul.u32 $0x300, s18  }
0x1f: {  	s19 =	sadd.s32 s4, s18;
	s4 =	sadd.s32 s4, s10;
	s22 =	smul.u32 $0x300, s10  }
0x20: {  	s6 =	smax.u32 s0, $0x1;
	s10 =	simm.s32 $0x2;
	[dreg:$0x15] =	wrdreg s16  }
0x21: {  	s18 =	simm.s32 $0x1200;
	s15 =	simm.s32 $0xA200;
	[dreg:$0x16] =	wrdreg s19  }
0x22: {  	[dreg:$0x17] =	wrdreg s4;
	s20 =	sadd.s32 s26, s5;
	s4 =	sadd.s32 $0x100, s2  }
0x23: {  	s5 =	sadd.s32 $0x200, s2;
	[dreg:$0x18] =	wrdreg s20;
	s21 =	sadd.s32 s26, s7  }
0x24: {  	s19 =	simm.s32 $0x1A00;
	s1 =	sadd.s32 s26, s1;
	[dreg:$0x19] =	wrdreg s21  }
0x25: {  	s23 =	sadd.s32 s26, s22;
	s7 =	simm.s32 $0x200;
	[dreg:$0x1a] =	wrdreg s1  }
0x26: {  	v2 =	vlaneseq.u32;
	s26 =	simm.s32 $0x180;
	s20 =	simm.s32 $0x2200;
	[dreg:$0x1b] =	wrdreg s23  }
0x27: {  	vm0 =	vmmov $0xffff;
	v1 =	vshrl.u32 v2, $0x3;
	s22 =	simm.s32 $0x3200;
	[dreg:$0x1e] =	wrdreg s26;
	s21 =	simm.s32 $0x2A00  }
0x28: {  	v0 =	vand.u32 $0x7, v2;
	v2 =	vor.u32 $0x8, v2;
	v1 =	vmul.u32 $0x8, v1;
	s23 =	simm.s32 $0x3A00;
	s26 =	simm.s32 $0x5200;
	s1 =	simm.s32 $0x7A00  }
.LBB2_1:
0x29: {  	s16 =	rddreg [dreg:$0x4]  }
0x2a: {  	[tilespmem:s7], [sflag:$0x1] =	stream.linear.gather [hbm4b:s16+s3], $0xC000, $0x38;
	[tilespmem:$0x18200] =	vst v63  }
0x2b: {  	_ =	swait.ge [sflag:s8], $0xC000  }
0x2c: {  	[sflag:s8] =	ssyncset.done $0x0  }
0x2d: {  	s0 =	rddreg [dreg:$0x5];
	[sflag:s8] =	ssyncadd.s32 $0xFFFF4000  }
0x2e: {  	[tilespmem:s9], [sflag:$0x1] =	stream.linear.gather [hbm4b:s0+s3], $0xC000, $0x38;
	[tilespmem:$0x18200] =	vst v63  }
0x2f: {  	s17 =	rddreg [dreg:$0x6]  }
0x30: {  	[hbm4b:s17+s3] =	stream.linear.scatter [tilespmem:s7], [sflag:$0x2], $0xC000, $0x38;
	[tilespmem:$0x18200] =	vst v63  }
0x31: {  	_ =	swait.ge [sflag:s8], $0xC000  }
0x32: {  	[sflag:s8] =	ssyncset.done $0x0  }
0x33: {  	[sflag:s8] =	ssyncadd.s32 $0xFFFF4000  }
0x34: {  	_ =	swait.ge [sflag:s10], $0xC000  }
0x35: {  	[sflag:s10] =	ssyncset.done $0x0  }
0x36: {  	s17 =	rddreg [dreg:$0x7];
	[sflag:s10] =	ssyncadd.s32 $0xFFFF4000  }
0x37: {  	[tilespmem:s7], [sflag:$0x1] =	stream.linear.gather [hbm4b:s17+s3], $0xC000, $0x38;
	[tilespmem:$0x18200] =	vst v63  }
0x38: {  	s0 =	rddreg [dreg:$0x8]  }
0x39: {  	[hbm4b:s0+s3] =	stream.linear.scatter [tilespmem:s9], [sflag:$0x2], $0xC000, $0x38;
	[tilespmem:$0x18200] =	vst v63  }
0x3a: {  	_ =	swait.ge [sflag:s8], $0xC000  }
0x3b: {  	[sflag:s8] =	ssyncset.done $0x0  }
0x3c: {  	[sflag:s8] =	ssyncadd.s32 $0xFFFF4000  }
0x3d: {  	_ =	swait.ge [sflag:s10], $0xC000  }
0x3e: {  	[sflag:s10] =	ssyncset.done $0x0  }
0x3f: {  	s17 =	rddreg [dreg:$0x9];
	[sflag:s10] =	ssyncadd.s32 $0xFFFF4000  }
0x40: {  	[tilespmem:s9], [sflag:$0x1] =	stream.linear.gather [hbm4b:s17+s3], $0xC000, $0x38;
	[tilespmem:$0x18200] =	vst v63  }
0x41: {  	s0 =	rddreg [dreg:$0xa]  }
0x42: {  	[hbm4b:s0+s3] =	stream.linear.scatter [tilespmem:s7], [sflag:$0x2], $0xC000, $0x38;
	[tilespmem:$0x18200] =	vst v63  }
0x43: {  	_ =	swait.ge [sflag:s8], $0xC000  }
0x44: {  	[sflag:s8] =	ssyncset.done $0x0  }
0x45: {  	[sflag:s8] =	ssyncadd.s32 $0xFFFF4000  }
0x46: {  	_ =	swait.ge [sflag:s10], $0xC000  }
0x47: {  	[sflag:s10] =	ssyncset.done $0x0  }
0x48: {  	s17 =	rddreg [dreg:$0xb];
	[sflag:s10] =	ssyncadd.s32 $0xFFFF4000  }
0x49: {  	[tilespmem:s7], [sflag:$0x1] =	stream.linear.gather [hbm4b:s17+s3], $0xC000, $0x38;
	[tilespmem:$0x18200] =	vst v63  }
0x4a: {  	s0 =	rddreg [dreg:$0xc]  }
0x4b: {  	[hbm4b:s0+s3] =	stream.linear.scatter [tilespmem:s9], [sflag:$0x2], $0xC000, $0x38;
	[tilespmem:$0x18200] =	vst v63  }
0x4c: {  	_ =	swait.ge [sflag:s8], $0xC000  }
0x4d: {  	[sflag:s8] =	ssyncset.done $0x0  }
0x4e: {  	[sflag:s8] =	ssyncadd.s32 $0xFFFF4000  }
0x4f: {  	_ =	swait.ge [sflag:s10], $0xC000  }
0x50: {  	[sflag:s10] =	ssyncset.done $0x0  }
0x51: {  	s17 =	rddreg [dreg:$0xd];
	[sflag:s10] =	ssyncadd.s32 $0xFFFF4000  }
0x52: {  	[tilespmem:s9], [sflag:$0x1] =	stream.linear.gather [hbm4b:s17+s3], $0xC000, $0x38;
	[tilespmem:$0x18200] =	vst v63  }
0x53: {  	s0 =	rddreg [dreg:$0xe]  }
0x54: {  	[hbm4b:s0+s3] =	stream.linear.scatter [tilespmem:s7], [sflag:$0x2], $0xC000, $0x38;
	[tilespmem:$0x18200] =	vst v63  }
0x55: {  	_ =	swait.ge [sflag:s8], $0xC000  }
0x56: {  	[sflag:s8] =	ssyncset.done $0x0  }
0x57: {  	[sflag:s8] =	ssyncadd.s32 $0xFFFF4000  }
0x58: {  	_ =	swait.ge [sflag:s10], $0xC000  }
0x59: {  	[sflag:s10] =	ssyncset.done $0x0  }
0x5a: {  	s17 =	rddreg [dreg:$0xf];
	[sflag:s10] =	ssyncadd.s32 $0xFFFF4000  }
0x5b: {  	[tilespmem:s7], [sflag:$0x1] =	stream.linear.gather [hbm4b:s17+s3], $0xC000, $0x38;
	[tilespmem:$0x18200] =	vst v63  }
0x5c: {  	s0 =	rddreg [dreg:$0x10]  }
0x5d: {  	[hbm4b:s0+s3] =	stream.linear.scatter [tilespmem:s9], [sflag:$0x2], $0xC000, $0x38;
	[tilespmem:$0x18200] =	vst v63  }
0x5e: {  	_ =	swait.ge [sflag:s8], $0xC000  }
0x5f: {  	[sflag:s8] =	ssyncset.done $0x0  }
0x60: {  	[sflag:s8] =	ssyncadd.s32 $0xFFFF4000  }
0x61: {  	_ =	swait.ge [sflag:s10], $0xC000  }
0x62: {  	[sflag:s10] =	ssyncset.done $0x0  }
0x63: {  	s17 =	rddreg [dreg:$0x11];
	[sflag:s10] =	ssyncadd.s32 $0xFFFF4000  }
0x64: {  	[tilespmem:s9], [sflag:$0x1] =	stream.linear.gather [hbm4b:s17+s3], $0xC000, $0x38;
	[tilespmem:$0x18200] =	vst v63  }
0x65: {  	s0 =	rddreg [dreg:$0x12]  }
0x66: {  	[hbm4b:s0+s3] =	stream.linear.scatter [tilespmem:s7], [sflag:$0x2], $0xC000, $0x38;
	[tilespmem:$0x18200] =	vst v63  }
0x67: {  	_ =	swait.ge [sflag:s8], $0xC000  }
0x68: {  	[sflag:s8] =	ssyncset.done $0x0  }
0x69: {  	[sflag:s8] =	ssyncadd.s32 $0xFFFF4000  }
0x6a: {  	_ =	swait.ge [sflag:s10], $0xC000  }
0x6b: {  	[sflag:s10] =	ssyncset.done $0x0  }
0x6c: {  	s17 =	rddreg [dreg:$0x13];
	[sflag:s10] =	ssyncadd.s32 $0xFFFF4000  }
0x6d: {  	[hbm4b:s17+s3] =	stream.linear.scatter [tilespmem:s9], [sflag:$0x2], $0xC000, $0x38;
	[tilespmem:$0x18200] =	vst v63  }
0x6e: {  	_ =	swait.ge [sflag:s10], $0xC000  }
0x6f: {  	[sflag:s10] =	ssyncset.done $0x0  }
0x70: {  	[sflag:s10] =	ssyncadd.s32 $0xFFFF4000  }
0x71: {  	[bflag:$0x0] =	sbarrier.arrive $0xFFFF  }
0x72: {  	s0 =	rddreg [dreg:$0x14]  }
0x73: {  	[tilespmem:s3], [sflag:$0x3] =	stream.linear.gather [hbm4b:s0+s3], $0x40, $0x38;
	[tilespmem:$0x18200] =	vst v63  }
0x74: {  	_ =	swait.ge [sflag:s11], $0x40  }
0x75: {  	s17 =	rddreg [dreg:$0x15];
	[sflag:s11] =	ssyncset.done $0x0  }
0x76: {  	s0 =	rddreg [dreg:$0x1c];
	[sflag:s11] =	ssyncadd.s32 $0xFFFFFFC0  }
0x77: {  	[tilespmem:s0], [sflag:$0x3] =	stream.linear.gather [hbm4b:s17+s3], $0x40, $0x38;
	[tilespmem:$0x18200] =	vst v63  }
0x78: {  	_ =	swait.ge [sflag:s11], $0x40  }
0x79: {  	s17 =	rddreg [dreg:$0x16];
	[sflag:s11] =	ssyncset.done $0x0  }
0x7a: {  	s0 =	rddreg [dreg:$0x1d];
	[sflag:s11] =	ssyncadd.s32 $0xFFFFFFC0  }
0x7b: {  	[tilespmem:s0], [sflag:$0x3] =	stream.linear.gather [hbm4b:s17+s3], $0x40, $0x38;
	[tilespmem:$0x18200] =	vst v63  }
0x7c: {  	_ =	swait.ge [sflag:s11], $0x40  }
0x7d: {  	s17 =	rddreg [dreg:$0x17];
	[sflag:s11] =	ssyncset.done $0x0  }
0x7e: {  	s0 =	rddreg [dreg:$0x1e];
	[sflag:s11] =	ssyncadd.s32 $0xFFFFFFC0  }
0x7f: {  	[tilespmem:s0], [sflag:$0x3] =	stream.linear.gather [hbm4b:s17+s3], $0x40, $0x38;
	[tilespmem:$0x18200] =	vst v63  }
0x80: {  	_ =	swait.ge [sflag:s11], $0x40  }
0x81: {  	[sflag:s11] =	ssyncset.done $0x0  }
0x82: {  	s0 =	rddreg [dreg:$0x18];
	[sflag:s11] =	ssyncadd.s32 $0xFFFFFFC0  }
0x83: {  	[tilespmem:s7], [sflag:$0x3] =	stream.linear.gather [hbm4b:s0+s3], $0xC000, $0x38;
	[tilespmem:$0x18200] =	vst v63  }
0x84: {  	_ =	swait.ge [sflag:s11], $0xC000  }
0x85: {  	[sflag:s11] =	ssyncset.done $0x0  }
0x86: {  	[sflag:s11] =	ssyncadd.s32 $0xFFFF4000  }
0x87: {  	v3 =	vld [tilespmem:$0x0];
	_ =	sdelay $0x4  }
0x88: {  	v4 =	vshrl.u32 v3, $0x3  }
0x89: {  	v4 =	vmul.u32 $0x30, v4  }
0x8a: {  	v3 =	vand.u32 $0x7, v3  }
0x8b: {  	v3 =	vor.u32 v3, v4  }
0x8c: {  	v4 =	vperm.xlane v3, v0;
	_ =	sdelay $0x1  }
0x8d: {  	v4 =	vadd.s32 v1, v4;
	_ =	sdelay $0x3  }
0x8e: {  	v3 =	vperm.xlane v3, v2  }
0x8f: {  	[hbm4b:s2+s3] =	stream.indirect_vreg.scatter [tilespmem:s7], [sflag:$0x1], $0x80, v4, vm0, $0xb8;
	[tilespmem:$0x18200] =	vst v63  }
0x90: {  	s17 =	simm.s32 $0xA00;
	v3 =	vadd.s32 v1, v3  }
0x91: {  	[hbm4b:s4+s3] =	stream.indirect_vreg.scatter [tilespmem:s17], [sflag:$0x1], $0x80, v4, vm0, $0xb8;
	[tilespmem:$0x18200] =	vst v63  }
0x92: {  	_ = 	snop  }
0x93: {  	[hbm4b:s5+s3] =	stream.indirect_vreg.scatter [tilespmem:s18], [sflag:$0x1], $0x80, v4, vm0, $0xb8;
	[tilespmem:$0x18200] =	vst v63  }
0x94: {  	_ = 	snop  }
0x95: {  	[hbm4b:s2+s3] =	stream.indirect_vreg.scatter [tilespmem:s19], [sflag:$0x1], $0x80, v3, vm0, $0xb8;
	[tilespmem:$0x18200] =	vst v63  }
0x96: {  	_ = 	snop  }
0x97: {  	[hbm4b:s4+s3] =	stream.indirect_vreg.scatter [tilespmem:s20], [sflag:$0x1], $0x80, v3, vm0, $0xb8;
	[tilespmem:$0x18200] =	vst v63  }
0x98: {  	_ = 	snop  }
0x99: {  	[hbm4b:s5+s3] =	stream.indirect_vreg.scatter [tilespmem:s21], [sflag:$0x1], $0x80, v3, vm0, $0xb8;
	[tilespmem:$0x18200] =	vst v63  }
0x9a: {  	v3 =	vld [tilespmem:$0x10];
	_ =	sdelay $0x4  }
0x9b: {  	v49 =	vshrl.u32 v3, $0x3  }
0x9c: {  	v4 =	vmul.u32 $0x30, v49  }
0x9d: {  	v3 =	vand.u32 $0x7, v3  }
0x9e: {  	v3 =	vor.u32 v3, v4  }
0x9f: {  	v4 =	vperm.xlane v3, v0;
	_ =	sdelay $0x1  }
0xa0: {  	v4 =	vadd.s32 v1, v4;
	_ =	sdelay $0x3  }
0xa1: {  	v3 =	vperm.xlane v3, v2  }
0xa2: {  	[hbm4b:s2+s3] =	stream.indirect_vreg.scatter [tilespmem:s22], [sflag:$0x1], $0x80, v4, vm0, $0xb8;
	[tilespmem:$0x18200] =	vst v63  }
0xa3: {  	v3 =	vadd.s32 v1, v3  }
0xa4: {  	[hbm4b:s4+s3] =	stream.indirect_vreg.scatter [tilespmem:s23], [sflag:$0x1], $0x80, v4, vm0, $0xb8;
	[tilespmem:$0x18200] =	vst v63  }
0xa5: {  	_ = 	snop  }
0xa6: {  	[hbm4b:s5+s3] =	stream.indirect_vreg.scatter [tilespmem:s24], [sflag:$0x1], $0x80, v4, vm0, $0xb8;
	[tilespmem:$0x18200] =	vst v63  }
0xa7: {  	_ = 	snop  }
0xa8: {  	[hbm4b:s2+s3] =	stream.indirect_vreg.scatter [tilespmem:s25], [sflag:$0x1], $0x80, v3, vm0, $0xb8;
	[tilespmem:$0x18200] =	vst v63  }
0xa9: {  	_ = 	snop  }
0xaa: {  	[hbm4b:s4+s3] =	stream.indirect_vreg.scatter [tilespmem:s26], [sflag:$0x1], $0x80, v3, vm0, $0xb8;
	[tilespmem:$0x18200] =	vst v63  }
0xab: {  	_ = 	snop  }
0xac: {  	[hbm4b:s5+s3] =	stream.indirect_vreg.scatter [tilespmem:s28], [sflag:$0x1], $0x80, v3, vm0, $0xb8;
	[tilespmem:$0x18200] =	vst v63  }
0xad: {  	v3 =	vld [tilespmem:$0x20];
	_ =	sdelay $0x4  }
0xae: {  	v50 =	vshrl.u32 v3, $0x3  }
0xaf: {  	v4 =	vmul.u32 $0x30, v50  }
0xb0: {  	v3 =	vand.u32 $0x7, v3  }
0xb1: {  	v3 =	vor.u32 v3, v4  }
0xb2: {  	v4 =	vperm.xlane v3, v0;
	_ =	sdelay $0x1  }
0xb3: {  	v4 =	vadd.s32 v1, v4;
	_ =	sdelay $0x3  }
0xb4: {  	v3 =	vperm.xlane v3, v2  }
0xb5: {  	[hbm4b:s2+s3] =	stream.indirect_vreg.scatter [tilespmem:s29], [sflag:$0x1], $0x80, v4, vm0, $0xb8;
	[tilespmem:$0x18200] =	vst v63  }
0xb6: {  	v3 =	vadd.s32 v1, v3  }
0xb7: {  	[hbm4b:s4+s3] =	stream.indirect_vreg.scatter [tilespmem:s30], [sflag:$0x1], $0x80, v4, vm0, $0xb8;
	[tilespmem:$0x18200] =	vst v63  }
0xb8: {  	_ = 	snop  }
0xb9: {  	[hbm4b:s5+s3] =	stream.indirect_vreg.scatter [tilespmem:s31], [sflag:$0x1], $0x80, v4, vm0, $0xb8;
	[tilespmem:$0x18200] =	vst v63  }
0xba: {  	_ = 	snop  }
0xbb: {  	[hbm4b:s2+s3] =	stream.indirect_vreg.scatter [tilespmem:s1], [sflag:$0x1], $0x80, v3, vm0, $0xb8;
	[tilespmem:$0x18200] =	vst v63  }
0xbc: {  	s0 =	simm.s32 $0x8200  }
0xbd: {  	[hbm4b:s4+s3] =	stream.indirect_vreg.scatter [tilespmem:s0], [sflag:$0x1], $0x80, v3, vm0, $0xb8;
	[tilespmem:$0x18200] =	vst v63  }
0xbe: {  	_ = 	snop  }
0xbf: {  	[hbm4b:s5+s3] =	stream.indirect_vreg.scatter [tilespmem:s12], [sflag:$0x1], $0x80, v3, vm0, $0xb8;
	[tilespmem:$0x18200] =	vst v63  }
0xc0: {  	v3 =	vld [tilespmem:$0x30];
	_ =	sdelay $0x4  }
0xc1: {  	v51 =	vshrl.u32 v3, $0x3  }
0xc2: {  	v4 =	vmul.u32 $0x30, v51  }
0xc3: {  	v3 =	vand.u32 $0x7, v3  }
0xc4: {  	v3 =	vor.u32 v3, v4  }
0xc5: {  	v4 =	vperm.xlane v3, v0;
	_ =	sdelay $0x1  }
0xc6: {  	v4 =	vadd.s32 v1, v4;
	_ =	sdelay $0x3  }
0xc7: {  	v3 =	vperm.xlane v3, v2  }
0xc8: {  	[hbm4b:s2+s3] =	stream.indirect_vreg.scatter [tilespmem:s13], [sflag:$0x1], $0x80, v4, vm0, $0xb8;
	[tilespmem:$0x18200] =	vst v63  }
0xc9: {  	v3 =	vadd.s32 v1, v3  }
0xca: {  	[hbm4b:s4+s3] =	stream.indirect_vreg.scatter [tilespmem:s14], [sflag:$0x1], $0x80, v4, vm0, $0xb8;
	[tilespmem:$0x18200] =	vst v63  }
0xcb: {  	_ = 	snop  }
0xcc: {  	[hbm4b:s5+s3] =	stream.indirect_vreg.scatter [tilespmem:s15], [sflag:$0x1], $0x80, v4, vm0, $0xb8;
	[tilespmem:$0x18200] =	vst v63  }
0xcd: {  	s16 =	simm.s32 $0xAA00  }
0xce: {  	[hbm4b:s2+s3] =	stream.indirect_vreg.scatter [tilespmem:s16], [sflag:$0x1], $0x80, v3, vm0, $0xb8;
	[tilespmem:$0x18200] =	vst v63  }
0xcf: {  	s16 =	simm.s32 $0xB200  }
0xd0: {  	[hbm4b:s4+s3] =	stream.indirect_vreg.scatter [tilespmem:s16], [sflag:$0x1], $0x80, v3, vm0, $0xb8;
	[tilespmem:$0x18200] =	vst v63  }
0xd1: {  	s16 =	simm.s32 $0xBA00  }
0xd2: {  	[hbm4b:s5+s3] =	stream.indirect_vreg.scatter [tilespmem:s16], [sflag:$0x1], $0x80, v3, vm0, $0xb8;
	[tilespmem:$0x18200] =	vst v63  }
0xd3: {  	_ =	swait.ge [sflag:s8], $0xC000  }
0xd4: {  	[sflag:s8] =	ssyncset.done $0x0  }
0xd5: {  	s16 =	rddreg [dreg:$0x19];
	[sflag:s8] =	ssyncadd.s32 $0xFFFF4000  }
0xd6: {  	[tilespmem:s9], [sflag:$0x3] =	stream.linear.gather [hbm4b:s16+s3], $0xC000, $0x38;
	[tilespmem:$0x18200] =	vst v63  }
0xd7: {  	_ =	swait.ge [sflag:s11], $0xC000  }
0xd8: {  	[sflag:s11] =	ssyncset.done $0x0  }
0xd9: {  	[sflag:s11] =	ssyncadd.s32 $0xFFFF4000  }
0xda: {  	v3 =	vld [tilespmem:$0x80];
	_ =	sdelay $0x4  }
0xdb: {  	v52 =	vshrl.u32 v3, $0x3  }
0xdc: {  	v4 =	vmul.u32 $0x30, v52  }
0xdd: {  	v3 =	vand.u32 $0x7, v3  }
0xde: {  	v3 =	vor.u32 v3, v4  }
0xdf: {  	v4 =	vperm.xlane v3, v0;
	_ =	sdelay $0x1  }
0xe0: {  	v4 =	vadd.s32 v1, v4;
	_ =	sdelay $0x3  }
0xe1: {  	v3 =	vperm.xlane v3, v2  }
0xe2: {  	[hbm4b:s2+s3] =	stream.indirect_vreg.scatter [tilespmem:s9], [sflag:$0x1], $0x80, v4, vm0, $0xb8;
	[tilespmem:$0x18200] =	vst v63  }
0xe3: {  	s16 =	simm.s32 $0xCA00;
	v3 =	vadd.s32 v1, v3  }
0xe4: {  	[hbm4b:s4+s3] =	stream.indirect_vreg.scatter [tilespmem:s16], [sflag:$0x1], $0x80, v4, vm0, $0xb8;
	[tilespmem:$0x18200] =	vst v63  }
0xe5: {  	s16 =	simm.s32 $0xD200  }
0xe6: {  	[hbm4b:s5+s3] =	stream.indirect_vreg.scatter [tilespmem:s16], [sflag:$0x1], $0x80, v4, vm0, $0xb8;
	[tilespmem:$0x18200] =	vst v63  }
0xe7: {  	s16 =	simm.s32 $0xDA00  }
0xe8: {  	[hbm4b:s2+s3] =	stream.indirect_vreg.scatter [tilespmem:s16], [sflag:$0x1], $0x80, v3, vm0, $0xb8;
	[tilespmem:$0x18200] =	vst v63  }
0xe9: {  	s16 =	simm.s32 $0xE200  }
0xea: {  	[hbm4b:s4+s3] =	stream.indirect_vreg.scatter [tilespmem:s16], [sflag:$0x1], $0x80, v3, vm0, $0xb8;
	[tilespmem:$0x18200] =	vst v63  }
0xeb: {  	s16 =	simm.s32 $0xEA00  }
0xec: {  	[hbm4b:s5+s3] =	stream.indirect_vreg.scatter [tilespmem:s16], [sflag:$0x1], $0x80, v3, vm0, $0xb8;
	[tilespmem:$0x18200] =	vst v63  }
0xed: {  	v3 =	vld [tilespmem:$0x90];
	_ =	sdelay $0x4  }
0xee: {  	v53 =	vshrl.u32 v3, $0x3  }
0xef: {  	v4 =	vmul.u32 $0x30, v53  }
0xf0: {  	v3 =	vand.u32 $0x7, v3  }
0xf1: {  	v3 =	vor.u32 v3, v4  }
0xf2: {  	v4 =	vperm.xlane v3, v0;
	_ =	sdelay $0x1  }
0xf3: {  	v4 =	vadd.s32 v1, v4;
	_ =	sdelay $0x3  }
0xf4: {  	s16 =	simm.s32 $0xF200;
	v3 =	vperm.xlane v3, v2  }
0xf5: {  	[hbm4b:s2+s3] =	stream.indirect_vreg.scatter [tilespmem:s16], [sflag:$0x1], $0x80, v4, vm0, $0xb8;
	[tilespmem:$0x18200] =	vst v63  }
0xf6: {  	v3 =	vadd.s32 v1, v3;
	s16 =	simm.s32 $0xFA00  }
0xf7: {  	[hbm4b:s4+s3] =	stream.indirect_vreg.scatter [tilespmem:s16], [sflag:$0x1], $0x80, v4, vm0, $0xb8;
	[tilespmem:$0x18200] =	vst v63  }
0xf8: {  	s16 =	simm.s32 $0x10200  }
0xf9: {  	[hbm4b:s5+s3] =	stream.indirect_vreg.scatter [tilespmem:s16], [sflag:$0x1], $0x80, v4, vm0, $0xb8;
	[tilespmem:$0x18200] =	vst v63  }
0xfa: {  	s16 =	simm.s32 $0x10A00  }
0xfb: {  	[hbm4b:s2+s3] =	stream.indirect_vreg.scatter [tilespmem:s16], [sflag:$0x1], $0x80, v3, vm0, $0xb8;
	[tilespmem:$0x18200] =	vst v63  }
0xfc: {  	s16 =	simm.s32 $0x11200  }
0xfd: {  	[hbm4b:s4+s3] =	stream.indirect_vreg.scatter [tilespmem:s16], [sflag:$0x1], $0x80, v3, vm0, $0xb8;
	[tilespmem:$0x18200] =	vst v63  }
0xfe: {  	s16 =	simm.s32 $0x11A00  }
0xff: {  	[hbm4b:s5+s3] =	stream.indirect_vreg.scatter [tilespmem:s16], [sflag:$0x1], $0x80, v3, vm0, $0xb8;
	[tilespmem:$0x18200] =	vst v63  }
0x100: {  	v3 =	vld [tilespmem:$0xA0];
	_ =	sdelay $0x4  }
0x101: {  	v54 =	vshrl.u32 v3, $0x3  }
0x102: {  	v4 =	vmul.u32 $0x30, v54  }
0x103: {  	v3 =	vand.u32 $0x7, v3  }
0x104: {  	v3 =	vor.u32 v3, v4  }
0x105: {  	v4 =	vperm.xlane v3, v0;
	_ =	sdelay $0x1  }
0x106: {  	v4 =	vadd.s32 v1, v4;
	_ =	sdelay $0x3  }
0x107: {  	s16 =	simm.s32 $0x12200;
	v3 =	vperm.xlane v3, v2  }
0x108: {  	[hbm4b:s2+s3] =	stream.indirect_vreg.scatter [tilespmem:s16], [sflag:$0x1], $0x80, v4, vm0, $0xb8;
	[tilespmem:$0x18200] =	vst v63  }
0x109: {  	v3 =	vadd.s32 v1, v3;
	s16 =	simm.s32 $0x12A00  }
0x10a: {  	[hbm4b:s4+s3] =	stream.indirect_vreg.scatter [tilespmem:s16], [sflag:$0x1], $0x80, v4, vm0, $0xb8;
	[tilespmem:$0x18200] =	vst v63  }
0x10b: {  	s16 =	simm.s32 $0x13200  }
0x10c: {  	[hbm4b:s5+s3] =	stream.indirect_vreg.scatter [tilespmem:s16], [sflag:$0x1], $0x80, v4, vm0, $0xb8;
	[tilespmem:$0x18200] =	vst v63  }
0x10d: {  	s16 =	simm.s32 $0x13A00  }
0x10e: {  	[hbm4b:s2+s3] =	stream.indirect_vreg.scatter [tilespmem:s16], [sflag:$0x1], $0x80, v3, vm0, $0xb8;
	[tilespmem:$0x18200] =	vst v63  }
0x10f: {  	s16 =	simm.s32 $0x14200  }
0x110: {  	[hbm4b:s4+s3] =	stream.indirect_vreg.scatter [tilespmem:s16], [sflag:$0x1], $0x80, v3, vm0, $0xb8;
	[tilespmem:$0x18200] =	vst v63  }
0x111: {  	s16 =	simm.s32 $0x14A00  }
0x112: {  	[hbm4b:s5+s3] =	stream.indirect_vreg.scatter [tilespmem:s16], [sflag:$0x1], $0x80, v3, vm0, $0xb8;
	[tilespmem:$0x18200] =	vst v63  }
0x113: {  	v3 =	vld [tilespmem:$0xB0];
	_ =	sdelay $0x4  }
0x114: {  	v55 =	vshrl.u32 v3, $0x3  }
0x115: {  	v4 =	vmul.u32 $0x30, v55  }
0x116: {  	v3 =	vand.u32 $0x7, v3  }
0x117: {  	v3 =	vor.u32 v3, v4  }
0x118: {  	v4 =	vperm.xlane v3, v0;
	_ =	sdelay $0x1  }
0x119: {  	v4 =	vadd.s32 v1, v4;
	_ =	sdelay $0x3  }
0x11a: {  	s16 =	simm.s32 $0x15200;
	v3 =	vperm.xlane v3, v2  }
0x11b: {  	[hbm4b:s2+s3] =	stream.indirect_vreg.scatter [tilespmem:s16], [sflag:$0x1], $0x80, v4, vm0, $0xb8;
	[tilespmem:$0x18200] =	vst v63  }
0x11c: {  	v3 =	vadd.s32 v1, v3;
	s16 =	simm.s32 $0x15A00  }
0x11d: {  	[hbm4b:s4+s3] =	stream.indirect_vreg.scatter [tilespmem:s16], [sflag:$0x1], $0x80, v4, vm0, $0xb8;
	[tilespmem:$0x18200] =	vst v63  }
0x11e: {  	s16 =	simm.s32 $0x16200  }
0x11f: {  	[hbm4b:s5+s3] =	stream.indirect_vreg.scatter [tilespmem:s16], [sflag:$0x1], $0x80, v4, vm0, $0xb8;
	[tilespmem:$0x18200] =	vst v63  }
0x120: {  	s16 =	simm.s32 $0x16A00  }
0x121: {  	[hbm4b:s2+s3] =	stream.indirect_vreg.scatter [tilespmem:s16], [sflag:$0x1], $0x80, v3, vm0, $0xb8;
	[tilespmem:$0x18200] =	vst v63  }
0x122: {  	s16 =	simm.s32 $0x17200  }
0x123: {  	[hbm4b:s4+s3] =	stream.indirect_vreg.scatter [tilespmem:s16], [sflag:$0x1], $0x80, v3, vm0, $0xb8;
	[tilespmem:$0x18200] =	vst v63  }
0x124: {  	s16 =	simm.s32 $0x17A00  }
0x125: {  	[hbm4b:s5+s3] =	stream.indirect_vreg.scatter [tilespmem:s16], [sflag:$0x1], $0x80, v3, vm0, $0xb8;
	[tilespmem:$0x18200] =	vst v63  }
0x126: {  	_ =	swait.ge [sflag:s8], $0xC000  }
0x127: {  	[sflag:s8] =	ssyncset.done $0x0  }
0x128: {  	s16 =	rddreg [dreg:$0x1a];
	[sflag:s8] =	ssyncadd.s32 $0xFFFF4000  }
0x129: {  	[tilespmem:s7], [sflag:$0x3] =	stream.linear.gather [hbm4b:s16+s3], $0xC000, $0x38;
	[tilespmem:$0x18200] =	vst v63  }
0x12a: {  	_ =	swait.ge [sflag:s11], $0xC000  }
0x12b: {  	[sflag:s11] =	ssyncset.done $0x0  }
0x12c: {  	[sflag:s11] =	ssyncadd.s32 $0xFFFF4000  }
0x12d: {  	v3 =	vld [tilespmem:$0x100];
	_ =	sdelay $0x4  }
0x12e: {  	v56 =	vshrl.u32 v3, $0x3  }
0x12f: {  	v4 =	vmul.u32 $0x30, v56  }
0x130: {  	v3 =	vand.u32 $0x7, v3  }
0x131: {  	v3 =	vor.u32 v3, v4  }
0x132: {  	v4 =	vperm.xlane v3, v0;
	_ =	sdelay $0x1  }
0x133: {  	v4 =	vadd.s32 v1, v4;
	_ =	sdelay $0x3  }
0x134: {  	v3 =	vperm.xlane v3, v2  }
0x135: {  	[hbm4b:s2+s3] =	stream.indirect_vreg.scatter [tilespmem:s7], [sflag:$0x1], $0x80, v4, vm0, $0xb8;
	[tilespmem:$0x18200] =	vst v63  }
0x136: {  	v3 =	vadd.s32 v1, v3  }
0x137: {  	[hbm4b:s4+s3] =	stream.indirect_vreg.scatter [tilespmem:s17], [sflag:$0x1], $0x80, v4, vm0, $0xb8;
	[tilespmem:$0x18200] =	vst v63  }
0x138: {  	_ = 	snop  }
0x139: {  	[hbm4b:s5+s3] =	stream.indirect_vreg.scatter [tilespmem:s18], [sflag:$0x1], $0x80, v4, vm0, $0xb8;
	[tilespmem:$0x18200] =	vst v63  }
0x13a: {  	_ = 	snop  }
0x13b: {  	[hbm4b:s2+s3] =	stream.indirect_vreg.scatter [tilespmem:s19], [sflag:$0x1], $0x80, v3, vm0, $0xb8;
	[tilespmem:$0x18200] =	vst v63  }
0x13c: {  	_ = 	snop  }
0x13d: {  	[hbm4b:s4+s3] =	stream.indirect_vreg.scatter [tilespmem:s20], [sflag:$0x1], $0x80, v3, vm0, $0xb8;
	[tilespmem:$0x18200] =	vst v63  }
0x13e: {  	_ = 	snop  }
0x13f: {  	[hbm4b:s5+s3] =	stream.indirect_vreg.scatter [tilespmem:s21], [sflag:$0x1], $0x80, v3, vm0, $0xb8;
	[tilespmem:$0x18200] =	vst v63  }
0x140: {  	v3 =	vld [tilespmem:$0x110];
	_ =	sdelay $0x4  }
0x141: {  	v57 =	vshrl.u32 v3, $0x3  }
0x142: {  	v4 =	vmul.u32 $0x30, v57  }
0x143: {  	v3 =	vand.u32 $0x7, v3  }
0x144: {  	v3 =	vor.u32 v3, v4  }
0x145: {  	v4 =	vperm.xlane v3, v0;
	_ =	sdelay $0x1  }
0x146: {  	v4 =	vadd.s32 v1, v4;
	_ =	sdelay $0x3  }
0x147: {  	v3 =	vperm.xlane v3, v2  }
0x148: {  	[hbm4b:s2+s3] =	stream.indirect_vreg.scatter [tilespmem:s22], [sflag:$0x1], $0x80, v4, vm0, $0xb8;
	[tilespmem:$0x18200] =	vst v63  }
0x149: {  	v3 =	vadd.s32 v1, v3  }
0x14a: {  	[hbm4b:s4+s3] =	stream.indirect_vreg.scatter [tilespmem:s23], [sflag:$0x1], $0x80, v4, vm0, $0xb8;
	[tilespmem:$0x18200] =	vst v63  }
0x14b: {  	_ = 	snop  }
0x14c: {  	[hbm4b:s5+s3] =	stream.indirect_vreg.scatter [tilespmem:s24], [sflag:$0x1], $0x80, v4, vm0, $0xb8;
	[tilespmem:$0x18200] =	vst v63  }
0x14d: {  	_ = 	snop  }
0x14e: {  	[hbm4b:s2+s3] =	stream.indirect_vreg.scatter [tilespmem:s25], [sflag:$0x1], $0x80, v3, vm0, $0xb8;
	[tilespmem:$0x18200] =	vst v63  }
0x14f: {  	_ = 	snop  }
0x150: {  	[hbm4b:s4+s3] =	stream.indirect_vreg.scatter [tilespmem:s26], [sflag:$0x1], $0x80, v3, vm0, $0xb8;
	[tilespmem:$0x18200] =	vst v63  }
0x151: {  	_ = 	snop  }
0x152: {  	[hbm4b:s5+s3] =	stream.indirect_vreg.scatter [tilespmem:s28], [sflag:$0x1], $0x80, v3, vm0, $0xb8;
	[tilespmem:$0x18200] =	vst v63  }
0x153: {  	v3 =	vld [tilespmem:$0x120];
	_ =	sdelay $0x4  }
0x154: {  	v58 =	vshrl.u32 v3, $0x3  }
0x155: {  	v4 =	vmul.u32 $0x30, v58  }
0x156: {  	v3 =	vand.u32 $0x7, v3  }
0x157: {  	v3 =	vor.u32 v3, v4  }
0x158: {  	v4 =	vperm.xlane v3, v0;
	_ =	sdelay $0x1  }
0x159: {  	v4 =	vadd.s32 v1, v4;
	_ =	sdelay $0x3  }
0x15a: {  	v3 =	vperm.xlane v3, v2  }
0x15b: {  	[hbm4b:s2+s3] =	stream.indirect_vreg.scatter [tilespmem:s29], [sflag:$0x1], $0x80, v4, vm0, $0xb8;
	[tilespmem:$0x18200] =	vst v63  }
0x15c: {  	v3 =	vadd.s32 v1, v3  }
0x15d: {  	[hbm4b:s4+s3] =	stream.indirect_vreg.scatter [tilespmem:s30], [sflag:$0x1], $0x80, v4, vm0, $0xb8;
	[tilespmem:$0x18200] =	vst v63  }
0x15e: {  	_ = 	snop  }
0x15f: {  	[hbm4b:s5+s3] =	stream.indirect_vreg.scatter [tilespmem:s31], [sflag:$0x1], $0x80, v4, vm0, $0xb8;
	[tilespmem:$0x18200] =	vst v63  }
0x160: {  	_ = 	snop  }
0x161: {  	[hbm4b:s2+s3] =	stream.indirect_vreg.scatter [tilespmem:s1], [sflag:$0x1], $0x80, v3, vm0, $0xb8;
	[tilespmem:$0x18200] =	vst v63  }
0x162: {  	_ = 	snop  }
0x163: {  	[hbm4b:s4+s3] =	stream.indirect_vreg.scatter [tilespmem:s0], [sflag:$0x1], $0x80, v3, vm0, $0xb8;
	[tilespmem:$0x18200] =	vst v63  }
0x164: {  	_ = 	snop  }
0x165: {  	[hbm4b:s5+s3] =	stream.indirect_vreg.scatter [tilespmem:s12], [sflag:$0x1], $0x80, v3, vm0, $0xb8;
	[tilespmem:$0x18200] =	vst v63  }
0x166: {  	v3 =	vld [tilespmem:$0x130];
	_ =	sdelay $0x4  }
0x167: {  	v59 =	vshrl.u32 v3, $0x3  }
0x168: {  	v4 =	vmul.u32 $0x30, v59  }
0x169: {  	v3 =	vand.u32 $0x7, v3  }
0x16a: {  	v3 =	vor.u32 v3, v4  }
0x16b: {  	v4 =	vperm.xlane v3, v0;
	_ =	sdelay $0x1  }
0x16c: {  	v4 =	vadd.s32 v1, v4;
	_ =	sdelay $0x3  }
0x16d: {  	v3 =	vperm.xlane v3, v2  }
0x16e: {  	[hbm4b:s2+s3] =	stream.indirect_vreg.scatter [tilespmem:s13], [sflag:$0x1], $0x80, v4, vm0, $0xb8;
	[tilespmem:$0x18200] =	vst v63  }
0x16f: {  	v3 =	vadd.s32 v1, v3  }
0x170: {  	[hbm4b:s4+s3] =	stream.indirect_vreg.scatter [tilespmem:s14], [sflag:$0x1], $0x80, v4, vm0, $0xb8;
	[tilespmem:$0x18200] =	vst v63  }
0x171: {  	_ = 	snop  }
0x172: {  	[hbm4b:s5+s3] =	stream.indirect_vreg.scatter [tilespmem:s15], [sflag:$0x1], $0x80, v4, vm0, $0xb8;
	[tilespmem:$0x18200] =	vst v63  }
0x173: {  	s17 =	simm.s32 $0xAA00  }
0x174: {  	[hbm4b:s2+s3] =	stream.indirect_vreg.scatter [tilespmem:s17], [sflag:$0x1], $0x80, v3, vm0, $0xb8;
	[tilespmem:$0x18200] =	vst v63  }
0x175: {  	s16 =	simm.s32 $0xB200  }
0x176: {  	[hbm4b:s4+s3] =	stream.indirect_vreg.scatter [tilespmem:s16], [sflag:$0x1], $0x80, v3, vm0, $0xb8;
	[tilespmem:$0x18200] =	vst v63  }
0x177: {  	s17 =	simm.s32 $0xBA00  }
0x178: {  	[hbm4b:s5+s3] =	stream.indirect_vreg.scatter [tilespmem:s17], [sflag:$0x1], $0x80, v3, vm0, $0xb8;
	[tilespmem:$0x18200] =	vst v63  }
0x179: {  	_ =	swait.ge [sflag:s8], $0xC000  }
0x17a: {  	[sflag:s8] =	ssyncset.done $0x0  }
0x17b: {  	s0 =	rddreg [dreg:$0x1b];
	[sflag:s8] =	ssyncadd.s32 $0xFFFF4000  }
0x17c: {  	[tilespmem:s9], [sflag:$0x3] =	stream.linear.gather [hbm4b:s0+s3], $0xC000, $0x38;
	[tilespmem:$0x18200] =	vst v63  }
0x17d: {  	_ =	swait.ge [sflag:s11], $0xC000  }
0x17e: {  	[sflag:s11] =	ssyncset.done $0x0  }
0x17f: {  	[sflag:s11] =	ssyncadd.s32 $0xFFFF4000  }
0x180: {  	v3 =	vld [tilespmem:$0x180];
	_ =	sdelay $0x4  }
0x181: {  	v60 =	vshrl.u32 v3, $0x3  }
0x182: {  	v4 =	vmul.u32 $0x30, v60  }
0x183: {  	v3 =	vand.u32 $0x7, v3  }
0x184: {  	v3 =	vor.u32 v3, v4  }
0x185: {  	v4 =	vperm.xlane v3, v0;
	_ =	sdelay $0x1  }
0x186: {  	v4 =	vadd.s32 v1, v4;
	_ =	sdelay $0x3  }
0x187: {  	v3 =	vperm.xlane v3, v2  }
0x188: {  	[hbm4b:s2+s3] =	stream.indirect_vreg.scatter [tilespmem:s9], [sflag:$0x1], $0x80, v4, vm0, $0xb8;
	[tilespmem:$0x18200] =	vst v63  }
0x189: {  	s17 =	simm.s32 $0xCA00;
	v3 =	vadd.s32 v1, v3  }
0x18a: {  	[hbm4b:s4+s3] =	stream.indirect_vreg.scatter [tilespmem:s17], [sflag:$0x1], $0x80, v4, vm0, $0xb8;
	[tilespmem:$0x18200] =	vst v63  }
0x18b: {  	s16 =	simm.s32 $0xD200  }
0x18c: {  	[hbm4b:s5+s3] =	stream.indirect_vreg.scatter [tilespmem:s16], [sflag:$0x1], $0x80, v4, vm0, $0xb8;
	[tilespmem:$0x18200] =	vst v63  }
0x18d: {  	s17 =	simm.s32 $0xDA00  }
0x18e: {  	[hbm4b:s2+s3] =	stream.indirect_vreg.scatter [tilespmem:s17], [sflag:$0x1], $0x80, v3, vm0, $0xb8;
	[tilespmem:$0x18200] =	vst v63  }
0x18f: {  	s16 =	simm.s32 $0xE200  }
0x190: {  	[hbm4b:s4+s3] =	stream.indirect_vreg.scatter [tilespmem:s16], [sflag:$0x1], $0x80, v3, vm0, $0xb8;
	[tilespmem:$0x18200] =	vst v63  }
0x191: {  	s17 =	simm.s32 $0xEA00  }
0x192: {  	[hbm4b:s5+s3] =	stream.indirect_vreg.scatter [tilespmem:s17], [sflag:$0x1], $0x80, v3, vm0, $0xb8;
	[tilespmem:$0x18200] =	vst v63  }
0x193: {  	v3 =	vld [tilespmem:$0x190];
	_ =	sdelay $0x4  }
0x194: {  	v61 =	vshrl.u32 v3, $0x3  }
0x195: {  	v4 =	vmul.u32 $0x30, v61  }
0x196: {  	v3 =	vand.u32 $0x7, v3  }
0x197: {  	v3 =	vor.u32 v3, v4  }
0x198: {  	v4 =	vperm.xlane v3, v0;
	_ =	sdelay $0x1  }
0x199: {  	v4 =	vadd.s32 v1, v4;
	_ =	sdelay $0x3  }
0x19a: {  	s16 =	simm.s32 $0xF200;
	v3 =	vperm.xlane v3, v2  }
0x19b: {  	[hbm4b:s2+s3] =	stream.indirect_vreg.scatter [tilespmem:s16], [sflag:$0x1], $0x80, v4, vm0, $0xb8;
	[tilespmem:$0x18200] =	vst v63  }
0x19c: {  	s17 =	simm.s32 $0xFA00;
	v3 =	vadd.s32 v1, v3  }
0x19d: {  	[hbm4b:s4+s3] =	stream.indirect_vreg.scatter [tilespmem:s17], [sflag:$0x1], $0x80, v4, vm0, $0xb8;
	[tilespmem:$0x18200] =	vst v63  }
0x19e: {  	s16 =	simm.s32 $0x10200  }
0x19f: {  	[hbm4b:s5+s3] =	stream.indirect_vreg.scatter [tilespmem:s16], [sflag:$0x1], $0x80, v4, vm0, $0xb8;
	[tilespmem:$0x18200] =	vst v63  }
0x1a0: {  	s17 =	simm.s32 $0x10A00  }
0x1a1: {  	[hbm4b:s2+s3] =	stream.indirect_vreg.scatter [tilespmem:s17], [sflag:$0x1], $0x80, v3, vm0, $0xb8;
	[tilespmem:$0x18200] =	vst v63  }
0x1a2: {  	s16 =	simm.s32 $0x11200  }
0x1a3: {  	[hbm4b:s4+s3] =	stream.indirect_vreg.scatter [tilespmem:s16], [sflag:$0x1], $0x80, v3, vm0, $0xb8;
	[tilespmem:$0x18200] =	vst v63  }
0x1a4: {  	s17 =	simm.s32 $0x11A00  }
0x1a5: {  	[hbm4b:s5+s3] =	stream.indirect_vreg.scatter [tilespmem:s17], [sflag:$0x1], $0x80, v3, vm0, $0xb8;
	[tilespmem:$0x18200] =	vst v63  }
0x1a6: {  	v3 =	vld [tilespmem:$0x1A0];
	_ =	sdelay $0x4  }
0x1a7: {  	v62 =	vshrl.u32 v3, $0x3  }
0x1a8: {  	v4 =	vmul.u32 $0x30, v62  }
0x1a9: {  	v3 =	vand.u32 $0x7, v3  }
0x1aa: {  	v3 =	vor.u32 v3, v4  }
0x1ab: {  	v4 =	vperm.xlane v3, v0;
	_ =	sdelay $0x1  }
0x1ac: {  	v4 =	vadd.s32 v1, v4;
	_ =	sdelay $0x3  }
0x1ad: {  	s16 =	simm.s32 $0x12200;
	v3 =	vperm.xlane v3, v2  }
0x1ae: {  	[hbm4b:s2+s3] =	stream.indirect_vreg.scatter [tilespmem:s16], [sflag:$0x1], $0x80, v4, vm0, $0xb8;
	[tilespmem:$0x18200] =	vst v63  }
0x1af: {  	s17 =	simm.s32 $0x12A00;
	v3 =	vadd.s32 v1, v3  }
0x1b0: {  	[hbm4b:s4+s3] =	stream.indirect_vreg.scatter [tilespmem:s17], [sflag:$0x1], $0x80, v4, vm0, $0xb8;
	[tilespmem:$0x18200] =	vst v63  }
0x1b1: {  	s16 =	simm.s32 $0x13200  }
0x1b2: {  	[hbm4b:s5+s3] =	stream.indirect_vreg.scatter [tilespmem:s16], [sflag:$0x1], $0x80, v4, vm0, $0xb8;
	[tilespmem:$0x18200] =	vst v63  }
0x1b3: {  	s17 =	simm.s32 $0x13A00  }
0x1b4: {  	[hbm4b:s2+s3] =	stream.indirect_vreg.scatter [tilespmem:s17], [sflag:$0x1], $0x80, v3, vm0, $0xb8;
	[tilespmem:$0x18200] =	vst v63  }
0x1b5: {  	s16 =	simm.s32 $0x14200  }
0x1b6: {  	[hbm4b:s4+s3] =	stream.indirect_vreg.scatter [tilespmem:s16], [sflag:$0x1], $0x80, v3, vm0, $0xb8;
	[tilespmem:$0x18200] =	vst v63  }
0x1b7: {  	s17 =	simm.s32 $0x14A00  }
0x1b8: {  	[hbm4b:s5+s3] =	stream.indirect_vreg.scatter [tilespmem:s17], [sflag:$0x1], $0x80, v3, vm0, $0xb8;
	[tilespmem:$0x18200] =	vst v63  }
0x1b9: {  	v3 =	vld [tilespmem:$0x1B0];
	_ =	sdelay $0x4  }
0x1ba: {  	v63 =	vshrl.u32 v3, $0x3  }
0x1bb: {  	v4 =	vmul.u32 $0x30, v63  }
0x1bc: {  	v3 =	vand.u32 $0x7, v3  }
0x1bd: {  	v3 =	vor.u32 v3, v4  }
0x1be: {  	v4 =	vperm.xlane v3, v0;
	_ =	sdelay $0x1  }
0x1bf: {  	v4 =	vadd.s32 v1, v4;
	_ =	sdelay $0x3  }
0x1c0: {  	s16 =	simm.s32 $0x15200;
	v3 =	vperm.xlane v3, v2  }
0x1c1: {  	[hbm4b:s2+s3] =	stream.indirect_vreg.scatter [tilespmem:s16], [sflag:$0x1], $0x80, v4, vm0, $0xb8;
	[tilespmem:$0x18200] =	vst v63  }
0x1c2: {  	s17 =	simm.s32 $0x15A00;
	v3 =	vadd.s32 v1, v3  }
0x1c3: {  	[hbm4b:s4+s3] =	stream.indirect_vreg.scatter [tilespmem:s17], [sflag:$0x1], $0x80, v4, vm0, $0xb8;
	[tilespmem:$0x18200] =	vst v63  }
0x1c4: {  	s16 =	simm.s32 $0x16200  }
0x1c5: {  	[hbm4b:s5+s3] =	stream.indirect_vreg.scatter [tilespmem:s16], [sflag:$0x1], $0x80, v4, vm0, $0xb8;
	[tilespmem:$0x18200] =	vst v63  }
0x1c6: {  	s17 =	simm.s32 $0x16A00  }
0x1c7: {  	[hbm4b:s2+s3] =	stream.indirect_vreg.scatter [tilespmem:s17], [sflag:$0x1], $0x80, v3, vm0, $0xb8;
	[tilespmem:$0x18200] =	vst v63  }
0x1c8: {  	p0 =	sne.s32 s6, $0x1;
	s16 =	simm.s32 $0x17200  }
0x1c9: {  	[hbm4b:s4+s3] =	stream.indirect_vreg.scatter [tilespmem:s16], [sflag:$0x1], $0x80, v3, vm0, $0xb8;
	[tilespmem:$0x18200] =	vst v63  }
.Ltmp0:
0x1ca: {  	s17 =	simm.s32 $0x17A00;
	(pc) =	sbr.rel @p0 .LBB2_1-.Ltmp0, $4  }
0x1cb: {  	[hbm4b:s5+s3] =	stream.indirect_vreg.scatter [tilespmem:s17], [sflag:$0x1], $0x80, v3, vm0, $0xb8;
	[tilespmem:$0x18200] =	vst v63  }
0x1cc: {  	_ =	swait.ge [sflag:s8], $0xC000  }
0x1cd: {  	[sflag:s8] =	ssyncset.done $0x0  }
0x1ce: {  	s6 =	sadd.s32 $0xFFFFFFFF, s6;
	[sflag:s8] =	ssyncadd.s32 $0xFFFF4000  }
0x1cf: {  	_ =	sfence.sel $0x180000  }
0x1d0: {  	[bflag:$0x0] =	sbarrier.arrive $0xFFFF  }
0x1d1: {  	_ =	strace $0x9000004A  }
0x1d2: {  	s0 =	stileid.u32;
	[bflag:$0x2] =	sbarrier.arrive $0xFFFF  }
0x1d3: {  	p0 =	sne.s32 s0, $0x0;
	s0 =	rddreg [dreg:$0x3]  }
0x1d4: {  	s0 =	sadd.s32 @!p0 $0x100000, s0  }
0x1d5: {  	[sflag:s0] =	ssyncadd.tile.s32 @!p0 $0x1;
	_ =	shalt  }
.Lfunc_end2:
_tile_overlayer_lowered:
.L_overlay_start_2:
0x1d6: {  	(tag) =	ssettag $0x2  }
0x1d7: {  	s0 =	rddreg [dreg:$0x0];
	s2 =	stileid.u32  }
0x1d8: {  	s1 =	rddreg [dreg:$0x1];
	p0 =	sne.s32 s2, $0x0  }
0x1d9: {  	s3 =	rddreg [dreg:$0x2];
	[bflag:$0x3] =	sbarrier.arrive $0xFFFF;
	s2 =	simm.s32 @!p0 $0x1C03  }
0x1da: {  	[timem:s3], [sflag:s2] =	dma.local @!p0 [hbm:s0], s1  }
0x1db: {  	s0 =	simm.s32 @!p0 $0x3  }
0x1dc: {  	_ =	swait.ge @!p0 [sflag:s0], s1  }
0x1dd: {  	s1 =	ssub.s32 @!p0 $0x0, s1;
	[sflag:s0] =	ssyncset.done @!p0 $0x0  }
0x1de: {  	[sflag:s0] =	ssyncadd.s32 @!p0 s1  }
0x1df: {  	[bflag:$0x3] =	sbarrier.arrive $0xFFFF  }
0x1e0: {  	_ =	shalt  }

// kernel: kernel.8.cloned.1.call-start
scs
__scs_entry_jumppad:
0x0: {  	(pc) =	sbr.rel $0x88, $3  }
0x1: {  	(tag) =	ssettag $0x0;
	lr =	simm.s32 $0x1  }
0x2: {  	[smem:$0x3F97] =	sst lr;
	_ =	strace $0xD0000000  }
0x3: {  	_ = 	snop  }
0x4: {  	_ = 	snop  }
0x5: {  	_ = 	snop  }
0x6: {  	_ = 	snop  }
0x7: {  	_ = 	snop  }
__scs_overlays_trampoline_lowered:
0x8: {  	[smem:$0x3FA6] =	sst s0  }
0x9: {  	[smem:$0x3FA7] =	sst s1  }
0xa: {  	[smem:$0x3FA8] =	sst s2  }
0xb: {  	[smem:$0x3FA9] =	sst s3  }
0xc: {  	[smem:$0x3FAA] =	sst s4  }
0xd: {  	[smem:$0x3FAB] =	sst s5  }
0xe: {  	[smem:$0x3FAC] =	sst s6  }
0xf: {  	[smem:$0x3FAD] =	sst s7  }
0x10: {  	[smem:$0x3FAE] =	sst s8  }
0x11: {  	[smem:$0x3FAF] =	sst s9;
	s0 =	simm.s32 @!p0 $0x0  }
0x12: {  	s1 =	sld [smem:$0x3F95];
	s0 =	simm.s32 @p0 $0x1  }
0x13: {  	[smem:$0x3FB0] =	sst s0;
	s0 =	simm.s32 @!p1 $0x0  }
0x14: {  	s2 =	sld [smem:$0x3F94];
	s0 =	simm.s32 @p1 $0x1  }
0x15: {  	[smem:$0x3FB1] =	sst s0;
	s0 =	simm.s32 @!p2 $0x0  }
0x16: {  	s3 =	sld [smem:$0x3FDB];
	s0 =	simm.s32 @p2 $0x1  }
0x17: {  	s4 =	simm.s32 $0x1BF5;
	[smem:$0x3FB3] =	sst s0  }
0x18: {  	s0 =	sld [smem:$0x3F96];
	_ =	swait.ge [sflag:s4], $0x0  }
0x19: {  	s7 =	sld [smem:$0x3F97]  }
0x1a: {  	s8 =	sadd.s32 $0xFFFFE003, lr  }
0x1b: {  	s9 =	sadd.s32 $0xFFFFFEF7, lr;
	s5 =	simm.s32 $0xFFFFFFFF;
	p2 =	slt.u32 s8, $0xFFFFF086  }
0x1c: {  	p1 =	slt.u32 s9, $0xF7A;
	s5 =	simm.s32 @!p2 $0x0  }
0x1d: {  	s5 =	simm.s32 @p1 $0x1;
	p0 =	seq.s32 s7, s2  }
0x1e: {  	s7 =	smul.u32 @!p0 $0xF7A, s2;
	p2 =	seq.s32 @!p0 s5, $0x0  }
0x1f: {  	s9 =	smul.u32 $0xF7A, s1;
	s8 =	simm.s32 @!p0 $0x1BF5;
	p2 =	por !p2, p0  }
0x20: {  	[sflag:s8] =	ssyncset.s32 @!p0 $0xFFFFF086;
	s6 =	sadd.s32 @!p0 s3, s7;
	s7 =	simm.s32 @!p0 $0x108  }
0x21: {  	s3 =	sadd.s32 s3, s9;
	s6 =	sadd.s32 @!p0 $0x88, s6;
	s7 =	simm.s32 @p2 $0x1082  }
0x22: {  	[simem:s7], [sflag:s8] =	dma.local @!p0 [hbm:s6], $0xF7A  }
0x23: {  	s9 =	sor.u32 $0xD0000000, s2;
	s6 =	simm.s32 $0x108;
	_ =	swait.ge @!p0 [sflag:s8], $0x0  }
0x24: {  	s3 =	sadd.s32 $0x88, s3;
	s6 =	simm.s32 @!p1 $0x1082;
	[sflag:s4] =	ssyncset.s32 $0xFFFFF086  }
0x25: {  	[simem:s6], [sflag:s4] =	dma.local [hbm:s3], $0xF7A  }
0x26: {  	[smem:$0x3F97] =	sst s1;
	(tag) =	ssettag s2;
	_ =	strace s9  }
0x27: {  	s1 =	sld [smem:$0x3FA7]  }
0x28: {  	s2 =	sld [smem:$0x3FA8]  }
0x29: {  	s4 =	sld [smem:$0x3FAA]  }
0x2a: {  	p0 =	seq.s32 s5, $0x0;
	s5 =	sld [smem:$0x3FAB]  }
0x2b: {  	s6 =	sld [smem:$0x3FAC]  }
0x2c: {  	s7 =	sld [smem:$0x3FAD]  }
0x2d: {  	s3 =	simm.s32 $0x108;
	s8 =	sld [smem:$0x3FAE]  }
0x2e: {  	s3 =	simm.s32 @!p0 $0x1082;
	s9 =	sld [smem:$0x3FAF]  }
0x2f: {  	lr =	sadd.s32 s0, s3;
	s0 =	sld [smem:$0x3FA6]  }
0x30: {  	s3 =	sld [smem:$0x3FA9]  }
0x31: {  	[smem:$0x3FB2] =	sst s10  }
0x32: {  	s10 =	sld [smem:$0x3FB0];
	_ =	sdelay $0x3  }
0x33: {  	p0 =	seq.s32 s10, $0x1;
	s10 =	sld [smem:$0x3FB2];
	_ =	sdelay $0x3  }
0x34: {  	[smem:$0x3FB2] =	sst s10  }
0x35: {  	s10 =	sld [smem:$0x3FB1];
	_ =	sdelay $0x3  }
0x36: {  	p1 =	seq.s32 s10, $0x1;
	s10 =	sld [smem:$0x3FB2];
	_ =	sdelay $0x3  }
0x37: {  	[smem:$0x3FB2] =	sst s10  }
0x38: {  	s10 =	sld [smem:$0x3FB3]  }
0x39: {  	_ = 	snop;
	(pc) =	sbr.ind lr, $3  }
0x3a: {  	_ = 	snop  }
0x3b: {  	_ = 	snop  }
0x3c: {  	p2 =	seq.s32 s10, $0x1;
	s10 =	sld [smem:$0x3FB2]  }
0x3d: {  	_ =	shalt  }
0x3e: {  	_ =	shalt  }
0x3f: {  	_ =	shalt  }
0x40: {  	_ =	shalt  }
0x41: {  	_ =	shalt  }
0x42: {  	_ =	shalt  }
0x43: {  	_ =	shalt  }
0x44: {  	_ =	shalt  }
0x45: {  	_ =	shalt  }
0x46: {  	_ =	shalt  }
0x47: {  	_ =	shalt  }
0x48: {  	_ =	shalt  }
0x49: {  	_ =	shalt  }
0x4a: {  	_ =	shalt  }
0x4b: {  	_ =	shalt  }
0x4c: {  	_ =	shalt  }
0x4d: {  	_ =	shalt  }
0x4e: {  	_ =	shalt  }
0x4f: {  	_ =	shalt  }
0x50: {  	_ =	shalt  }
0x51: {  	_ =	shalt  }
0x52: {  	_ =	shalt  }
0x53: {  	_ =	shalt  }
0x54: {  	_ =	shalt  }
0x55: {  	_ =	shalt  }
0x56: {  	_ =	shalt  }
0x57: {  	_ =	shalt  }
0x58: {  	_ =	shalt  }
0x59: {  	_ =	shalt  }
0x5a: {  	_ =	shalt  }
0x5b: {  	_ =	shalt  }
0x5c: {  	_ =	shalt  }
0x5d: {  	_ =	shalt  }
0x5e: {  	_ =	shalt  }
0x5f: {  	_ =	shalt  }
0x60: {  	_ =	shalt  }
0x61: {  	_ =	shalt  }
0x62: {  	_ =	shalt  }
0x63: {  	_ =	shalt  }
0x64: {  	_ =	shalt  }
0x65: {  	_ =	shalt  }
0x66: {  	_ =	shalt  }
0x67: {  	_ =	shalt  }
0x68: {  	_ =	shalt  }
0x69: {  	_ =	shalt  }
0x6a: {  	_ =	shalt  }
0x6b: {  	_ =	shalt  }
0x6c: {  	_ =	shalt  }
0x6d: {  	_ =	shalt  }
0x6e: {  	_ =	shalt  }
0x6f: {  	_ =	shalt  }
0x70: {  	_ =	shalt  }
0x71: {  	_ =	shalt  }
0x72: {  	_ =	shalt  }
0x73: {  	_ =	shalt  }
0x74: {  	_ =	shalt  }
0x75: {  	_ =	shalt  }
0x76: {  	_ =	shalt  }
0x77: {  	_ =	shalt  }
0x78: {  	_ =	shalt  }
0x79: {  	_ =	shalt  }
0x7a: {  	_ =	shalt  }
0x7b: {  	_ =	shalt  }
0x7c: {  	_ =	shalt  }
0x7d: {  	_ =	shalt  }
0x7e: {  	_ =	shalt  }
0x7f: {  	_ =	shalt  }
0x80: {  	_ =	shalt  }
0x81: {  	_ =	shalt  }
0x82: {  	_ =	shalt  }
0x83: {  	_ =	shalt  }
0x84: {  	_ =	shalt  }
0x85: {  	_ =	shalt  }
0x86: {  	_ =	shalt  }
0x87: {  	_ =	shalt  }
.Lfunc_end0:
.L_simem_size_0:
called_computation_lowered:
.L_overlay_start_0:
0x88: {  	s2 =	sld [smem:$0x3FD9]  }
0x89: {  	s3 =	sld [smem:$0x3FFE];
	_ =	sdelay $0x1  }
0x8a: {  	s1 =	srdreg.scid  }
0x8b: {  	s0 =	sand.u32 $0x1, s1  }
0x8c: {  	s17 =	sshll.u32 s0, $0xA;
	s2 =	sadd.s32 s3, s2  }
0x8d: {  	s2 =	sadd.s32 s2, s17  }
0x8e: {  	[smem:$0x3FBE] =	sst s2  }
0x8f: {  	_ = 	snop  }
0x90: {  	s2 =	sld [smem:$0x3FC9]  }
0x91: {  	s18 =	sld [smem:$0x3FD0];
	(tm) =	ssettm $0x1  }
0x92: {  	s4 =	sld [smem:$0x3FFB];
	_ =	sdelay $0x3  }
0x93: {  	_ =	strace s4  }
0x94: {  	s4 =	sld [smem:$0x3FFC];
	_ =	sdelay $0x3  }
0x95: {  	_ =	strace s4  }
0x96: {  	s4 =	sld [smem:$0x3FFD];
	_ =	sdelay $0x3  }
0x97: {  	_ =	strace s4  }
0x98: {  	_ =	strace $0x8FFFFFFF  }
0x99: {  	s19 =	sld [smem:$0x3FDB];
	_ =	sdelay $0x1  }
0x9a: {  	s5 =	simm.s32 $_scs_section_size  }
0x9b: {  	s6 =	simm.s32 $_size__tile_overlayer_lowered;
	s7 =	simm.s32 $_tile_overlayer_lowered  }
0x9c: {  	s22 =	simm.s32 $0x1BFF;
	s21 =	sshll.u32 s7, $0x1;
	s4 =	sadd.s32 s5, s19  }
0x9d: {  	s8 =	simm.s32 $0x0;
	s20 =	sshll.u32 s6, $0x1;
	s6 =	sadd.s32 s21, s4  }
0x9e: {  	[timem:s8], [sflag:s22] =	dma.local [hbm:s6], s20  }
0x9f: {  	_ =	swait.ge [sflag:s22], s20  }
0xa0: {  	s5 =	ssub.s32 $0x0, s20;
	[sflag:s22] =	ssyncset.done $0x0  }
0xa1: {  	[sflag:s22] =	ssyncadd.s32 s5;
	_ =	sdelay $0x1  }
0xa2: {  	s23 =	simm.s32 $0x1B8B  }
0xa3: {  	_ =	swait.ge [sflag:s23], $0x1  }
0xa4: {  	[sflag:s23] =	ssyncset.done $0x0  }
0xa5: {  	s25 =	simm.s32 $0x1B8E;
	s24 =	sld [smem:$0x3FFE];
	[sflag:s23] =	ssyncadd.s32 $0xFFFFFFFF  }
0xa6: {  	s26 =	simm.s32 $execute0_lowered;
	[smem:$0x3FD2] =	sst s25  }
0xa7: {  	s6 =	sshll.u32 s26, $0x1;
	_ =	strace $0x80000046;
	[dreg:$0x1] =	wrdreg $0xFFFFFFFF  }
0xa8: {  	s28 =	simm.s32 $_size_execute0_lowered;
	s4 =	sadd.s32 s4, s6;
	[dreg:$0x0] =	wrdreg $0x0  }
0xa9: {  	s6 =	sshll.u32 s28, $0x1;
	[dreg:$0x2] =	wrdreg s4  }
0xaa: {  	[dreg:$0x3] =	wrdreg s6  }
0xab: {  	[dreg:$0x4] =	wrdreg $0xC0  }
0xac: {  	_ =	task [dreg:s8], $0x5FFFF  }
0xad: {  	[dreg:$0x1] =	wrdreg $0xFFFFFFFF  }
0xae: {  	[dreg:$0x0] =	wrdreg $0x60  }
0xaf: {  	[dreg:$0x2] =	wrdreg s24  }
0xb0: {  	[dreg:$0x3] =	wrdreg s2  }
0xb1: {  	[dreg:$0x4] =	wrdreg s18  }
0xb2: {  	[dreg:$0x5] =	wrdreg $0x9  }
0xb3: {  	_ =	task.clear_ibuf [dreg:s8], $0x6FFFF;
	_ =	strace $0x90000046  }
0xb4: {  	s29 =	simm.s32 $0x9;
	_ =	strace $0x80000048  }
0xb5: {  	_ =	swait.ge [sflag:s29], $0x1  }
0xb6: {  	[sflag:s29] =	ssyncadd.s32 $0xFFFFFFFF  }
0xb7: {  	_ =	strace $0x90000048  }
0xb8: {  	_ =	sfence  }
0xb9: {  	s30 =	sld [smem:$0x0];
	_ =	sdelay $0x2  }
0xba: {  	s31 =	sshll.u32 s1, $0xD;
	s1 =	sshrl.u32 s1, $0x2  }
0xbb: {  	s3 =	sand.u32 $0x4000, s31;
	s1 =	sadd.s32 s1, s30  }
0xbc: {  	s0 =	sor.u32 s3, s0;
	s1 =	sshll.u32 s1, $0x11  }
0xbd: {  	s0 =	sor.u32 s1, s0  }
0xbe: {  	s0 =	sadd.s32 $0x8F2B, s0  }
0xbf: {  	[sflag:s0] =	ssyncadd.remote.s32 $0x1  }
0xc0: {  	_ =	sfence.sel $0xFFFF  }
0xc1: {  	[dreg:$0x0] =	wrdreg $0xFFFFFFFF;
	(pc) =	sbr.abs _section_cstart, $3  }
0xc2: {  	[dreg:$0x1] =	wrdreg $0xFFFFFFFF  }
0xc3: {  	_ =	task.clear_ibuf [dreg:s8], $0x2FFFF;
	_ =	strace $0x9FFFFFFF  }
0xc4: {  	(tm) =	ssettm $0x7FFFFFFF  }
0xc5: {  	_ =	shalt  }
tec
execute0_lowered:
.L_overlay_start_1:
0x0: {  	(tag) =	ssettag $0x1  }
0x1: {  	s0 =	rddreg [dreg:$0x0]  }
0x2: {  	s1 =	srdreg.scid;
	s2 =	rddreg [dreg:$0x1]  }
0x3: {  	s13 =	stileid.u32;
	s4 =	rddreg [dreg:$0x2]  }
0x4: {  	s3 =	simm.s32 $0x0;
	s30 =	simm.s32 $0x1;
	s31 =	simm.s32 $0x2300  }
0x5: {  	s28 =	simm.s32 $0x4B00;
	s14 =	simm.s32 $0x9300;
	s29 =	simm.s32 $0xCB00  }
0x6: {  	s1 =	sand.u32 $0x1, s1;
	s6 =	sand.u32 $0x1, s13;
	[smem:$0x7FF] =	sst s3  }
0x7: {  	s12 =	sshll.u32 s13, $0x5;
	p0 =	sgt.u32 s13, $0x1;
	s13 =	simm.s32 $0x8B00  }
0x8: {  	s5 =	sshll.u32 s1, $0x1;
	_ =	strace $0x80000047;
	s9 =	ssub.s32 $0x2, s1  }
0x9: {  	s11 =	sshll.u32 s1, $0x9;
	s1 =	sshll.u32 s1, $0xD;
	s24 =	sshll.u32 s6, $0xC  }
0xa: {  	s5 =	sor.u32 s6, s5;
	s10 =	sshrl.u32 s9, $0x1;
	s15 =	sor.u32 s12, s11  }
0xb: {  	s11 =	sadd.s32 $0x100, s2;
	s12 =	sadd.s32 $0x200, s2;
	s26 =	sor.u32 s24, s1  }
0xc: {  	s6 =	simm.s32 $0x6300;
	s7 =	sshll.u32 s5, $0x4;
	s8 =	sshll.u32 s5, $0x1  }
0xd: {  	s9 =	ssub.s32 s9, s10;
	s5 =	sshll.u32 s5, $0x8;
	s16 =	sor.u32 $0x8, s15  }
0xe: {  	s19 =	sor.u32 $0x10, s15;
	s20 =	sor.u32 $0x18, s15;
	[dreg:$0x10] =	wrdreg s26  }
0xf: {  	s26 =	simm.s32 $0x4300;
	s7 =	sadd.s32 s7, s0;
	s25 =	smax.u32 s9, $0x1  }
0x10: {  	s8 =	sadd.s32 s8, s0;
	s7 =	sadd.s32 $0x2A00, s7;
	[dreg:$0xf] =	wrdreg s25  }
0x11: {  	s0 =	sadd.s32 $0x3400, s0;
	s8 =	sadd.s32 $0x3200, s8;
	[dreg:$0x4] =	wrdreg s7  }
0x12: {  	s10 =	simm.s32 $0x8300;
	s5 =	sadd.s32 s0, s5;
	[dreg:$0x5] =	wrdreg s8  }
0x13: {  	s22 =	smul.u32 $0x300, s16;
	s17 =	sadd.s32 s0, s15;
	[dreg:$0x6] =	wrdreg s5  }
0x14: {  	s23 =	smul.u32 $0x300, s20;
	s18 =	sadd.s32 s0, s16;
	[dreg:$0x7] =	wrdreg s17  }
0x15: {  	s9 =	simm.s32 $0x7B00;
	s21 =	sadd.s32 s0, s19;
	[dreg:$0x8] =	wrdreg s18  }
0x16: {  	s0 =	sadd.s32 s0, s20;
	s16 =	simm.s32 $0xA300;
	[dreg:$0x9] =	wrdreg s21  }
0x17: {  	s20 =	simm.s32 $0xC300;
	s7 =	smul.u32 $0x300, s15;
	[dreg:$0xa] =	wrdreg s0  }
0x18: {  	s5 =	smul.u32 $0x300, s19;
	s0 =	sadd.s32 s4, s22;
	s21 =	simm.s32 $0x2  }
0x19: {  	s19 =	simm.s32 $0x0;
	s8 =	simm.s32 $0x7300;
	s15 =	simm.s32 $0x9B00  }
0x1a: {  	s17 =	simm.s32 $0xAB00;
	[dreg:$0xc] =	wrdreg s0;
	s0 =	sadd.s32 s4, s23  }
0x1b: {  	v0 =	vlaneseq.u32;
	s23 =	simm.s32 $0x1080;
	s7 =	sadd.s32 s4, s7;
	[dreg:$0xe] =	wrdreg s0  }
0x1c: {  	v1 =	vimm.s32 $0x0;
	vm0 =	vmmov $0xffff;
	v3 =	vshrl.u32 v0, $0x3;
	s5 =	sadd.s32 s4, s5;
	s4 =	simm.s32 $0x5300;
	[dreg:$0xb] =	wrdreg s7  }
0x1d: {  	v2 =	vand.u32 $0x7, v0;
	v4 =	vor.u32 $0x8, v0;
	v3 =	vmul.u32 $0x8, v3;
	[dreg:$0xd] =	wrdreg s5;
	s5 =	simm.s32 $0x5B00;
	s7 =	simm.s32 $0x6B00  }
.LBB2_1:
0x1e: {  	s18 =	rddreg [dreg:$0x4];
	s22 =	simm.s32 $0x80;
	s24 =	simm.s32 $0x200  }
0x1f: {  	[tilespmem:s3], [sflag:$0x2] =	stream.strided.gather [hbm4b:s18+s22], $0x1000, s24, s22, $0x38;
	[tilespmem:$0x1A300] =	vst v63  }
0x20: {  	_ =	swait.ge [sflag:s21], $0x1000  }
0x21: {  	[sflag:s21] =	ssyncset.done $0x0  }
0x22: {  	s24 =	simm.s32 $0x1000;
	s22 =	rddreg [dreg:$0x5];
	[sflag:s21] =	ssyncadd.s32 $0xFFFFF000  }
0x23: {  	[tilespmem:s24], [sflag:$0x2] =	stream.linear.gather [hbm4b:s22+s3], $0x10, $0x38;
	[tilespmem:$0x1A300] =	vst v63  }
0x24: {  	_ =	swait.ge [sflag:s21], $0x10  }
0x25: {  	[sflag:s21] =	ssyncset.done $0x0  }
0x26: {  	[sflag:s21] =	ssyncadd.s32 $0xFFFFFFF0  }
0x27: {  	s25 =	simm.s32 $0x0;
	v5 =	vld [tilespmem:$0x1000]  }
0x28: {  	v6 =	vld [tilespmem:s25+$0x0];
	_ =	sdelay $0x4  }
0x29: {  	vm1 =	vge.f32 v6, v5  }
0x2a: {  	v6 =	vsel vm1, $0x1, v1  }
0x2b: {  	(xrf0) =	vadd.scan.msk.s32 $0xffff, v6;
	_ =	sdelay $0x2  }
0x2c: {  	v6 =	vmov s3  }
0x2d: {  	v6 =	vadd.s32 $0xFFFFFFFF, v6  }
0x2e: {  	v6 =	vbroadcast v6, $0x0  }
0x2f: {  	v7, _, _ =	vpop (xrf0)  }
0x30: {  	v6 =	vadd.s32 v7, v6;
	(v2sf) =	vpush v7, $0xF  }
0x31: {  	v6 =	vnsel vm1, $0x1008, v6;
	_ =	sdelay $0x2  }
0x32: {  	s18 =	rddreg [dreg:$0x10]  }
0x33: {  	v8 =	vor.u32 s18, v0  }
0x34: {  	s24 =	simm.s32 $0x80;
	s22 =	simm.s32 $0x0;
	s25 =	simm.s32 $0x10;
	[tilespmem:v6+s23+$0x0] =	vst.idx.msk $0xffff, v8  }
.LBB2_2:
0x35: {  	p1 =	sne.s32 s24, $0x3FC0;
	v6 =	vld [tilespmem:s25+$0x0];
	_ =	sdelay $0x4  }
0x36: {  	vm1 =	vge.f32 v6, v5  }
0x37: {  	v6 =	vsel vm1, $0x1, v1  }
0x38: {  	(xrf0) =	vadd.scan.msk.s32 $0xffff, v6  }
0x39: {  	s25 =	spop (v2sf)  }
0x3a: {  	s22 =	sadd.s32 s22, s25  }
0x3b: {  	v6 =	vmov s22  }
0x3c: {  	v6 =	vadd.s32 $0xFFFFFFFF, v6  }
0x3d: {  	v6 =	vbroadcast v6, $0x0  }
0x3e: {  	v7, _, _ =	vpop (xrf0)  }
0x3f: {  	v6 =	vadd.s32 v7, v6;
	(v2sf) =	vpush v7, $0xF  }
0x40: {  	v6 =	vnsel vm1, $0x1008, v6  }
.Ltmp0:
0x41: {  	(pc) =	sbr.rel @p1 .LBB2_2-.Ltmp0, $4  }
0x42: {  	_ = 	snop  }
0x43: {  	s18 =	sadd.s32 $0x10, s18  }
0x44: {  	v7 =	vor.u32 s18, v0  }
0x45: {  	s25 =	sshra.s32 s24, $0x2;
	s24 =	sadd.s32 $0x40, s24;
	[tilespmem:v6+s23+$0x0] =	vst.idx.msk $0xffff, v7  }
0x46: {  	v6 =	vld [tilespmem:s25+$0x0];
	_ =	sdelay $0x4  }
0x47: {  	vm1 =	vge.f32 v6, v5  }
0x48: {  	v5 =	vsel vm1, $0x1, v1  }
0x49: {  	(xrf0) =	vadd.scan.msk.s32 $0xffff, v5;
	_ =	sdelay $0x5  }
0x4a: {  	v5, _, _ =	vpop (xrf0)  }
0x4b: {  	(v2sf) =	vpush v5, $0xF  }
0x4c: {  	s24 =	spop (v2sf)  }
0x4d: {  	s22 =	sadd.s32 s22, s24  }
0x4e: {  	v6 =	vmov s22  }
0x4f: {  	v6 =	vadd.s32 $0xFFFFFFFF, v6  }
0x50: {  	v6 =	vbroadcast v6, $0x0;
	_ =	sdelay $0x1  }
0x51: {  	v5 =	vadd.s32 v5, v6  }
0x52: {  	v5 =	vnsel vm1, $0x1008, v5;
	_ =	sdelay $0x2  }
0x53: {  	s18 =	sadd.s32 $0x10, s18  }
0x54: {  	v6 =	vor.u32 s18, v0  }
0x55: {  	s24 =	rddreg [dreg:$0x6];
	s22 =	simm.s32 @!p0 $0x1080;
	s18 =	simm.s32 @!p0 $0x0;
	[tilespmem:v5+s23+$0x0] =	vst.idx.msk $0xffff, v6  }
0x56: {  	[hbm4b:s24+s18] =	stream.linear.scatter @!p0 [tilespmem:s22], [sflag:$0x2], $0x800, $0x38;
	[tilespmem:$0x1A300] =	vst v63  }
0x57: {  	s18 =	simm.s32 @!p0 $0x2;
	s22 =	spop (v2sf)  }
0x58: {  	_ =	swait.ge @!p0 [sflag:s18], $0x800  }
0x59: {  	[sflag:s18] =	ssyncset.done @!p0 $0x0  }
0x5a: {  	[sflag:s18] =	ssyncadd.s32 @!p0 $0xFFFFF800  }
0x5b: {  	[bflag:$0x0] =	sbarrier.arrive $0xFFFF  }
0x5c: {  	s25 =	simm.s32 $0x2100;
	s24 =	rddreg [dreg:$0x7]  }
0x5d: {  	[tilespmem:s25], [sflag:$0x2] =	stream.linear.gather [hbm4b:s24+s3], $0x40, $0x38;
	[tilespmem:$0x1A300] =	vst v63  }
0x5e: {  	_ =	swait.ge [sflag:s21], $0x40  }
0x5f: {  	[sflag:s21] =	ssyncset.done $0x0  }
0x60: {  	s1 =	simm.s32 $0x2180;
	s0 =	rddreg [dreg:$0x8];
	[sflag:s21] =	ssyncadd.s32 $0xFFFFFFC0  }
0x61: {  	[tilespmem:s1], [sflag:$0x2] =	stream.linear.gather [hbm4b:s0+s3], $0x40, $0x38;
	[tilespmem:$0x1A300] =	vst v63  }
0x62: {  	_ =	swait.ge [sflag:s21], $0x40  }
0x63: {  	[sflag:s21] =	ssyncset.done $0x0  }
0x64: {  	s25 =	simm.s32 $0x2200;
	s24 =	rddreg [dreg:$0x9];
	[sflag:s21] =	ssyncadd.s32 $0xFFFFFFC0  }
0x65: {  	[tilespmem:s25], [sflag:$0x2] =	stream.linear.gather [hbm4b:s24+s3], $0x40, $0x38;
	[tilespmem:$0x1A300] =	vst v63  }
0x66: {  	_ =	swait.ge [sflag:s21], $0x40  }
0x67: {  	[sflag:s21] =	ssyncset.done $0x0  }
0x68: {  	s1 =	simm.s32 $0x2280;
	s0 =	rddreg [dreg:$0xa];
	[sflag:s21] =	ssyncadd.s32 $0xFFFFFFC0  }
0x69: {  	[tilespmem:s1], [sflag:$0x2] =	stream.linear.gather [hbm4b:s0+s3], $0x40, $0x38;
	[tilespmem:$0x1A300] =	vst v63  }
0x6a: {  	_ =	swait.ge [sflag:s21], $0x40  }
0x6b: {  	[sflag:s21] =	ssyncset.done $0x0  }
0x6c: {  	[sflag:s21] =	ssyncadd.s32 $0xFFFFFFC0  }
0x6d: {  	v5 =	vld [tilespmem:$0x2100];
	_ =	sdelay $0x4  }
0x6e: {  	v6 =	vshrl.u32 v5, $0x3  }
0x6f: {  	v6 =	vmul.u32 $0x30, v6  }
0x70: {  	v5 =	vand.u32 $0x7, v5  }
0x71: {  	v5 =	vor.u32 v5, v6  }
0x72: {  	v6 =	vperm.xlane v5, v2;
	_ =	sdelay $0x1  }
0x73: {  	v6 =	vadd.s32 v3, v6;
	_ =	sdelay $0x3  }
0x74: {  	v5 =	vperm.xlane v5, v4  }
0x75: {  	[tilespmem:s31], [sflag:$0x1] =	stream.indirect_vreg.gather [hbm4b:s2+s3], $0x80, v6, vm0, $0xb8;
	[tilespmem:$0x1A300] =	vst v63  }
0x76: {  	s22 =	simm.s32 $0x2B00;
	v5 =	vadd.s32 v3, v5  }
0x77: {  	[tilespmem:s22], [sflag:$0x1] =	stream.indirect_vreg.gather [hbm4b:s11+s3], $0x80, v6, vm0, $0xb8;
	[tilespmem:$0x1A300] =	vst v63  }
0x78: {  	s24 =	simm.s32 $0x3300  }
0x79: {  	[tilespmem:s24], [sflag:$0x1] =	stream.indirect_vreg.gather [hbm4b:s12+s3], $0x80, v6, vm0, $0xb8;
	[tilespmem:$0x1A300] =	vst v63  }
0x7a: {  	s25 =	simm.s32 $0x3B00  }
0x7b: {  	[tilespmem:s25], [sflag:$0x1] =	stream.indirect_vreg.gather [hbm4b:s2+s3], $0x80, v5, vm0, $0xb8;
	[tilespmem:$0x1A300] =	vst v63  }
0x7c: {  	_ = 	snop  }
0x7d: {  	[tilespmem:s26], [sflag:$0x1] =	stream.indirect_vreg.gather [hbm4b:s11+s3], $0x80, v5, vm0, $0xb8;
	[tilespmem:$0x1A300] =	vst v63  }
0x7e: {  	_ = 	snop  }
0x7f: {  	[tilespmem:s28], [sflag:$0x1] =	stream.indirect_vreg.gather [hbm4b:s12+s3], $0x80, v5, vm0, $0xb8;
	[tilespmem:$0x1A300] =	vst v63  }
0x80: {  	v5 =	vld [tilespmem:$0x2110];
	_ =	sdelay $0x4  }
0x81: {  	v6 =	vshrl.u32 v5, $0x3  }
0x82: {  	v6 =	vmul.u32 $0x30, v6  }
0x83: {  	v5 =	vand.u32 $0x7, v5  }
0x84: {  	v5 =	vor.u32 v5, v6  }
0x85: {  	v6 =	vperm.xlane v5, v2;
	_ =	sdelay $0x1  }
0x86: {  	v6 =	vadd.s32 v3, v6;
	_ =	sdelay $0x3  }
0x87: {  	v5 =	vperm.xlane v5, v4  }
0x88: {  	[tilespmem:s4], [sflag:$0x1] =	stream.indirect_vreg.gather [hbm4b:s2+s3], $0x80, v6, vm0, $0xb8;
	[tilespmem:$0x1A300] =	vst v63  }
0x89: {  	v5 =	vadd.s32 v3, v5  }
0x8a: {  	[tilespmem:s5], [sflag:$0x1] =	stream.indirect_vreg.gather [hbm4b:s11+s3], $0x80, v6, vm0, $0xb8;
	[tilespmem:$0x1A300] =	vst v63  }
0x8b: {  	_ = 	snop  }
0x8c: {  	[tilespmem:s6], [sflag:$0x1] =	stream.indirect_vreg.gather [hbm4b:s12+s3], $0x80, v6, vm0, $0xb8;
	[tilespmem:$0x1A300] =	vst v63  }
0x8d: {  	_ = 	snop  }
0x8e: {  	[tilespmem:s7], [sflag:$0x1] =	stream.indirect_vreg.gather [hbm4b:s2+s3], $0x80, v5, vm0, $0xb8;
	[tilespmem:$0x1A300] =	vst v63  }
0x8f: {  	_ = 	snop  }
0x90: {  	[tilespmem:s8], [sflag:$0x1] =	stream.indirect_vreg.gather [hbm4b:s11+s3], $0x80, v5, vm0, $0xb8;
	[tilespmem:$0x1A300] =	vst v63  }
0x91: {  	_ = 	snop  }
0x92: {  	[tilespmem:s9], [sflag:$0x1] =	stream.indirect_vreg.gather [hbm4b:s12+s3], $0x80, v5, vm0, $0xb8;
	[tilespmem:$0x1A300] =	vst v63  }
0x93: {  	v5 =	vld [tilespmem:$0x2120];
	_ =	sdelay $0x4  }
0x94: {  	v6 =	vshrl.u32 v5, $0x3  }
0x95: {  	v6 =	vmul.u32 $0x30, v6  }
0x96: {  	v5 =	vand.u32 $0x7, v5  }
0x97: {  	v5 =	vor.u32 v5, v6  }
0x98: {  	v6 =	vperm.xlane v5, v2;
	_ =	sdelay $0x1  }
0x99: {  	v6 =	vadd.s32 v3, v6;
	_ =	sdelay $0x3  }
0x9a: {  	v5 =	vperm.xlane v5, v4  }
0x9b: {  	[tilespmem:s10], [sflag:$0x1] =	stream.indirect_vreg.gather [hbm4b:s2+s3], $0x80, v6, vm0, $0xb8;
	[tilespmem:$0x1A300] =	vst v63  }
0x9c: {  	v5 =	vadd.s32 v3, v5  }
0x9d: {  	[tilespmem:s13], [sflag:$0x1] =	stream.indirect_vreg.gather [hbm4b:s11+s3], $0x80, v6, vm0, $0xb8;
	[tilespmem:$0x1A300] =	vst v63  }
0x9e: {  	_ = 	snop  }
0x9f: {  	[tilespmem:s14], [sflag:$0x1] =	stream.indirect_vreg.gather [hbm4b:s12+s3], $0x80, v6, vm0, $0xb8;
	[tilespmem:$0x1A300] =	vst v63  }
0xa0: {  	_ = 	snop  }
0xa1: {  	[tilespmem:s15], [sflag:$0x1] =	stream.indirect_vreg.gather [hbm4b:s2+s3], $0x80, v5, vm0, $0xb8;
	[tilespmem:$0x1A300] =	vst v63  }
0xa2: {  	_ = 	snop  }
0xa3: {  	[tilespmem:s16], [sflag:$0x1] =	stream.indirect_vreg.gather [hbm4b:s11+s3], $0x80, v5, vm0, $0xb8;
	[tilespmem:$0x1A300] =	vst v63  }
0xa4: {  	_ = 	snop  }
0xa5: {  	[tilespmem:s17], [sflag:$0x1] =	stream.indirect_vreg.gather [hbm4b:s12+s3], $0x80, v5, vm0, $0xb8;
	[tilespmem:$0x1A300] =	vst v63  }
0xa6: {  	v5 =	vld [tilespmem:$0x2130];
	_ =	sdelay $0x4  }
0xa7: {  	v6 =	vshrl.u32 v5, $0x3  }
0xa8: {  	v6 =	vmul.u32 $0x30, v6  }
0xa9: {  	v5 =	vand.u32 $0x7, v5  }
0xaa: {  	v5 =	vor.u32 v5, v6  }
0xab: {  	v6 =	vperm.xlane v5, v2;
	_ =	sdelay $0x1  }
0xac: {  	v6 =	vadd.s32 v3, v6;
	_ =	sdelay $0x3  }
0xad: {  	s1 =	simm.s32 $0xB300;
	v5 =	vperm.xlane v5, v4  }
0xae: {  	[tilespmem:s1], [sflag:$0x1] =	stream.indirect_vreg.gather [hbm4b:s2+s3], $0x80, v6, vm0, $0xb8;
	[tilespmem:$0x1A300] =	vst v63  }
0xaf: {  	s0 =	simm.s32 $0xBB00;
	v5 =	vadd.s32 v3, v5  }
0xb0: {  	[tilespmem:s0], [sflag:$0x1] =	stream.indirect_vreg.gather [hbm4b:s11+s3], $0x80, v6, vm0, $0xb8;
	[tilespmem:$0x1A300] =	vst v63  }
0xb1: {  	_ = 	snop  }
0xb2: {  	[tilespmem:s20], [sflag:$0x1] =	stream.indirect_vreg.gather [hbm4b:s12+s3], $0x80, v6, vm0, $0xb8;
	[tilespmem:$0x1A300] =	vst v63  }
0xb3: {  	_ = 	snop  }
0xb4: {  	[tilespmem:s29], [sflag:$0x1] =	stream.indirect_vreg.gather [hbm4b:s2+s3], $0x80, v5, vm0, $0xb8;
	[tilespmem:$0x1A300] =	vst v63  }
0xb5: {  	s18 =	simm.s32 $0xD300  }
0xb6: {  	[tilespmem:s18], [sflag:$0x1] =	stream.indirect_vreg.gather [hbm4b:s11+s3], $0x80, v5, vm0, $0xb8;
	[tilespmem:$0x1A300] =	vst v63  }
0xb7: {  	s18 =	simm.s32 $0xDB00  }
0xb8: {  	[tilespmem:s18], [sflag:$0x1] =	stream.indirect_vreg.gather [hbm4b:s12+s3], $0x80, v5, vm0, $0xb8;
	[tilespmem:$0x1A300] =	vst v63  }
0xb9: {  	_ =	swait.ge [sflag:s30], $0xC000  }
0xba: {  	[sflag:s30] =	ssyncset.done $0x0  }
0xbb: {  	s0 =	rddreg [dreg:$0xb];
	[sflag:s30] =	ssyncadd.s32 $0xFFFF4000  }
0xbc: {  	[hbm4b:s0+s3] =	stream.linear.scatter [tilespmem:s31], [sflag:$0x2], $0xC000, $0x38;
	[tilespmem:$0x1A300] =	vst v63  }
0xbd: {  	_ =	swait.ge [sflag:s21], $0xC000  }
0xbe: {  	[sflag:s21] =	ssyncset.done $0x0  }
0xbf: {  	[sflag:s21] =	ssyncadd.s32 $0xFFFF4000  }
0xc0: {  	v5 =	vld [tilespmem:$0x2180];
	_ =	sdelay $0x4  }
0xc1: {  	v6 =	vshrl.u32 v5, $0x3  }
0xc2: {  	v6 =	vmul.u32 $0x30, v6  }
0xc3: {  	v5 =	vand.u32 $0x7, v5  }
0xc4: {  	v5 =	vor.u32 v5, v6  }
0xc5: {  	v6 =	vperm.xlane v5, v2;
	_ =	sdelay $0x1  }
0xc6: {  	v6 =	vadd.s32 v3, v6;
	_ =	sdelay $0x3  }
0xc7: {  	s0 =	simm.s32 $0xE300;
	v5 =	vperm.xlane v5, v4  }
0xc8: {  	[tilespmem:s0], [sflag:$0x1] =	stream.indirect_vreg.gather [hbm4b:s2+s3], $0x80, v6, vm0, $0xb8;
	[tilespmem:$0x1A300] =	vst v63  }
0xc9: {  	s18 =	simm.s32 $0xEB00;
	v5 =	vadd.s32 v3, v5  }
0xca: {  	[tilespmem:s18], [sflag:$0x1] =	stream.indirect_vreg.gather [hbm4b:s11+s3], $0x80, v6, vm0, $0xb8;
	[tilespmem:$0x1A300] =	vst v63  }
0xcb: {  	s18 =	simm.s32 $0xF300  }
0xcc: {  	[tilespmem:s18], [sflag:$0x1] =	stream.indirect_vreg.gather [hbm4b:s12+s3], $0x80, v6, vm0, $0xb8;
	[tilespmem:$0x1A300] =	vst v63  }
0xcd: {  	s18 =	simm.s32 $0xFB00  }
0xce: {  	[tilespmem:s18], [sflag:$0x1] =	stream.indirect_vreg.gather [hbm4b:s2+s3], $0x80, v5, vm0, $0xb8;
	[tilespmem:$0x1A300] =	vst v63  }
0xcf: {  	s18 =	simm.s32 $0x10300  }
0xd0: {  	[tilespmem:s18], [sflag:$0x1] =	stream.indirect_vreg.gather [hbm4b:s11+s3], $0x80, v5, vm0, $0xb8;
	[tilespmem:$0x1A300] =	vst v63  }
0xd1: {  	s18 =	simm.s32 $0x10B00  }
0xd2: {  	[tilespmem:s18], [sflag:$0x1] =	stream.indirect_vreg.gather [hbm4b:s12+s3], $0x80, v5, vm0, $0xb8;
	[tilespmem:$0x1A300] =	vst v63  }
0xd3: {  	v5 =	vld [tilespmem:$0x2190];
	_ =	sdelay $0x4  }
0xd4: {  	v6 =	vshrl.u32 v5, $0x3  }
0xd5: {  	v6 =	vmul.u32 $0x30, v6  }
0xd6: {  	v5 =	vand.u32 $0x7, v5  }
0xd7: {  	v5 =	vor.u32 v5, v6  }
0xd8: {  	v6 =	vperm.xlane v5, v2;
	_ =	sdelay $0x1  }
0xd9: {  	v6 =	vadd.s32 v3, v6;
	_ =	sdelay $0x3  }
0xda: {  	s18 =	simm.s32 $0x11300;
	v5 =	vperm.xlane v5, v4  }
0xdb: {  	[tilespmem:s18], [sflag:$0x1] =	stream.indirect_vreg.gather [hbm4b:s2+s3], $0x80, v6, vm0, $0xb8;
	[tilespmem:$0x1A300] =	vst v63  }
0xdc: {  	v5 =	vadd.s32 v3, v5;
	s18 =	simm.s32 $0x11B00  }
0xdd: {  	[tilespmem:s18], [sflag:$0x1] =	stream.indirect_vreg.gather [hbm4b:s11+s3], $0x80, v6, vm0, $0xb8;
	[tilespmem:$0x1A300] =	vst v63  }
0xde: {  	s18 =	simm.s32 $0x12300  }
0xdf: {  	[tilespmem:s18], [sflag:$0x1] =	stream.indirect_vreg.gather [hbm4b:s12+s3], $0x80, v6, vm0, $0xb8;
	[tilespmem:$0x1A300] =	vst v63  }
0xe0: {  	s18 =	simm.s32 $0x12B00  }
0xe1: {  	[tilespmem:s18], [sflag:$0x1] =	stream.indirect_vreg.gather [hbm4b:s2+s3], $0x80, v5, vm0, $0xb8;
	[tilespmem:$0x1A300] =	vst v63  }
0xe2: {  	s18 =	simm.s32 $0x13300  }
0xe3: {  	[tilespmem:s18], [sflag:$0x1] =	stream.indirect_vreg.gather [hbm4b:s11+s3], $0x80, v5, vm0, $0xb8;
	[tilespmem:$0x1A300] =	vst v63  }
0xe4: {  	s18 =	simm.s32 $0x13B00  }
0xe5: {  	[tilespmem:s18], [sflag:$0x1] =	stream.indirect_vreg.gather [hbm4b:s12+s3], $0x80, v5, vm0, $0xb8;
	[tilespmem:$0x1A300] =	vst v63  }
0xe6: {  	v5 =	vld [tilespmem:$0x21A0];
	_ =	sdelay $0x4  }
0xe7: {  	v6 =	vshrl.u32 v5, $0x3  }
0xe8: {  	v6 =	vmul.u32 $0x30, v6  }
0xe9: {  	v5 =	vand.u32 $0x7, v5  }
0xea: {  	v5 =	vor.u32 v5, v6  }
0xeb: {  	v6 =	vperm.xlane v5, v2;
	_ =	sdelay $0x1  }
0xec: {  	v6 =	vadd.s32 v3, v6;
	_ =	sdelay $0x3  }
0xed: {  	s18 =	simm.s32 $0x14300;
	v5 =	vperm.xlane v5, v4  }
0xee: {  	[tilespmem:s18], [sflag:$0x1] =	stream.indirect_vreg.gather [hbm4b:s2+s3], $0x80, v6, vm0, $0xb8;
	[tilespmem:$0x1A300] =	vst v63  }
0xef: {  	v5 =	vadd.s32 v3, v5;
	s18 =	simm.s32 $0x14B00  }
0xf0: {  	[tilespmem:s18], [sflag:$0x1] =	stream.indirect_vreg.gather [hbm4b:s11+s3], $0x80, v6, vm0, $0xb8;
	[tilespmem:$0x1A300] =	vst v63  }
0xf1: {  	s18 =	simm.s32 $0x15300  }
0xf2: {  	[tilespmem:s18], [sflag:$0x1] =	stream.indirect_vreg.gather [hbm4b:s12+s3], $0x80, v6, vm0, $0xb8;
	[tilespmem:$0x1A300] =	vst v63  }
0xf3: {  	s18 =	simm.s32 $0x15B00  }
0xf4: {  	[tilespmem:s18], [sflag:$0x1] =	stream.indirect_vreg.gather [hbm4b:s2+s3], $0x80, v5, vm0, $0xb8;
	[tilespmem:$0x1A300] =	vst v63  }
0xf5: {  	s18 =	simm.s32 $0x16300  }
0xf6: {  	[tilespmem:s18], [sflag:$0x1] =	stream.indirect_vreg.gather [hbm4b:s11+s3], $0x80, v5, vm0, $0xb8;
	[tilespmem:$0x1A300] =	vst v63  }
0xf7: {  	s18 =	simm.s32 $0x16B00  }
0xf8: {  	[tilespmem:s18], [sflag:$0x1] =	stream.indirect_vreg.gather [hbm4b:s12+s3], $0x80, v5, vm0, $0xb8;
	[tilespmem:$0x1A300] =	vst v63  }
0xf9: {  	v5 =	vld [tilespmem:$0x21B0];
	_ =	sdelay $0x4  }
0xfa: {  	v6 =	vshrl.u32 v5, $0x3  }
0xfb: {  	v6 =	vmul.u32 $0x30, v6  }
0xfc: {  	v5 =	vand.u32 $0x7, v5  }
0xfd: {  	v5 =	vor.u32 v5, v6  }
0xfe: {  	v6 =	vperm.xlane v5, v2;
	_ =	sdelay $0x1  }
0xff: {  	v6 =	vadd.s32 v3, v6;
	_ =	sdelay $0x3  }
0x100: {  	s18 =	simm.s32 $0x17300;
	v5 =	vperm.xlane v5, v4  }
0x101: {  	[tilespmem:s18], [sflag:$0x1] =	stream.indirect_vreg.gather [hbm4b:s2+s3], $0x80, v6, vm0, $0xb8;
	[tilespmem:$0x1A300] =	vst v63  }
0x102: {  	v5 =	vadd.s32 v3, v5;
	s18 =	simm.s32 $0x17B00  }
0x103: {  	[tilespmem:s18], [sflag:$0x1] =	stream.indirect_vreg.gather [hbm4b:s11+s3], $0x80, v6, vm0, $0xb8;
	[tilespmem:$0x1A300] =	vst v63  }
0x104: {  	s18 =	simm.s32 $0x18300  }
0x105: {  	[tilespmem:s18], [sflag:$0x1] =	stream.indirect_vreg.gather [hbm4b:s12+s3], $0x80, v6, vm0, $0xb8;
	[tilespmem:$0x1A300] =	vst v63  }
0x106: {  	s18 =	simm.s32 $0x18B00  }
0x107: {  	[tilespmem:s18], [sflag:$0x1] =	stream.indirect_vreg.gather [hbm4b:s2+s3], $0x80, v5, vm0, $0xb8;
	[tilespmem:$0x1A300] =	vst v63  }
0x108: {  	s18 =	simm.s32 $0x19300  }
0x109: {  	[tilespmem:s18], [sflag:$0x1] =	stream.indirect_vreg.gather [hbm4b:s11+s3], $0x80, v5, vm0, $0xb8;
	[tilespmem:$0x1A300] =	vst v63  }
0x10a: {  	s18 =	simm.s32 $0x19B00  }
0x10b: {  	[tilespmem:s18], [sflag:$0x1] =	stream.indirect_vreg.gather [hbm4b:s12+s3], $0x80, v5, vm0, $0xb8;
	[tilespmem:$0x1A300] =	vst v63  }
0x10c: {  	_ =	swait.ge [sflag:s30], $0xC000  }
0x10d: {  	[sflag:s30] =	ssyncset.done $0x0  }
0x10e: {  	s18 =	rddreg [dreg:$0xc];
	[sflag:s30] =	ssyncadd.s32 $0xFFFF4000  }
0x10f: {  	[hbm4b:s18+s3] =	stream.linear.scatter [tilespmem:s0], [sflag:$0x2], $0xC000, $0x38;
	[tilespmem:$0x1A300] =	vst v63  }
0x110: {  	_ =	swait.ge [sflag:s21], $0xC000  }
0x111: {  	[sflag:s21] =	ssyncset.done $0x0  }
0x112: {  	[sflag:s21] =	ssyncadd.s32 $0xFFFF4000  }
0x113: {  	v5 =	vld [tilespmem:$0x2200];
	_ =	sdelay $0x4  }
0x114: {  	v6 =	vshrl.u32 v5, $0x3  }
0x115: {  	v6 =	vmul.u32 $0x30, v6  }
0x116: {  	v5 =	vand.u32 $0x7, v5  }
0x117: {  	v5 =	vor.u32 v5, v6  }
0x118: {  	v6 =	vperm.xlane v5, v2;
	_ =	sdelay $0x1  }
0x119: {  	v6 =	vadd.s32 v3, v6;
	_ =	sdelay $0x3  }
0x11a: {  	v5 =	vperm.xlane v5, v4  }
0x11b: {  	[tilespmem:s31], [sflag:$0x1] =	stream.indirect_vreg.gather [hbm4b:s2+s3], $0x80, v6, vm0, $0xb8;
	[tilespmem:$0x1A300] =	vst v63  }
0x11c: {  	v5 =	vadd.s32 v3, v5  }
0x11d: {  	[tilespmem:s22], [sflag:$0x1] =	stream.indirect_vreg.gather [hbm4b:s11+s3], $0x80, v6, vm0, $0xb8;
	[tilespmem:$0x1A300] =	vst v63  }
0x11e: {  	_ = 	snop  }
0x11f: {  	[tilespmem:s24], [sflag:$0x1] =	stream.indirect_vreg.gather [hbm4b:s12+s3], $0x80, v6, vm0, $0xb8;
	[tilespmem:$0x1A300] =	vst v63  }
0x120: {  	_ = 	snop  }
0x121: {  	[tilespmem:s25], [sflag:$0x1] =	stream.indirect_vreg.gather [hbm4b:s2+s3], $0x80, v5, vm0, $0xb8;
	[tilespmem:$0x1A300] =	vst v63  }
0x122: {  	_ = 	snop  }
0x123: {  	[tilespmem:s26], [sflag:$0x1] =	stream.indirect_vreg.gather [hbm4b:s11+s3], $0x80, v5, vm0, $0xb8;
	[tilespmem:$0x1A300] =	vst v63  }
0x124: {  	_ = 	snop  }
0x125: {  	[tilespmem:s28], [sflag:$0x1] =	stream.indirect_vreg.gather [hbm4b:s12+s3], $0x80, v5, vm0, $0xb8;
	[tilespmem:$0x1A300] =	vst v63  }
0x126: {  	v5 =	vld [tilespmem:$0x2210];
	_ =	sdelay $0x4  }
0x127: {  	v6 =	vshrl.u32 v5, $0x3  }
0x128: {  	v6 =	vmul.u32 $0x30, v6  }
0x129: {  	v5 =	vand.u32 $0x7, v5  }
0x12a: {  	v5 =	vor.u32 v5, v6  }
0x12b: {  	v6 =	vperm.xlane v5, v2;
	_ =	sdelay $0x1  }
0x12c: {  	v6 =	vadd.s32 v3, v6;
	_ =	sdelay $0x3  }
0x12d: {  	v5 =	vperm.xlane v5, v4  }
0x12e: {  	[tilespmem:s4], [sflag:$0x1] =	stream.indirect_vreg.gather [hbm4b:s2+s3], $0x80, v6, vm0, $0xb8;
	[tilespmem:$0x1A300] =	vst v63  }
0x12f: {  	v5 =	vadd.s32 v3, v5  }
0x130: {  	[tilespmem:s5], [sflag:$0x1] =	stream.indirect_vreg.gather [hbm4b:s11+s3], $0x80, v6, vm0, $0xb8;
	[tilespmem:$0x1A300] =	vst v63  }
0x131: {  	_ = 	snop  }
0x132: {  	[tilespmem:s6], [sflag:$0x1] =	stream.indirect_vreg.gather [hbm4b:s12+s3], $0x80, v6, vm0, $0xb8;
	[tilespmem:$0x1A300] =	vst v63  }
0x133: {  	_ = 	snop  }
0x134: {  	[tilespmem:s7], [sflag:$0x1] =	stream.indirect_vreg.gather [hbm4b:s2+s3], $0x80, v5, vm0, $0xb8;
	[tilespmem:$0x1A300] =	vst v63  }
0x135: {  	_ = 	snop  }
0x136: {  	[tilespmem:s8], [sflag:$0x1] =	stream.indirect_vreg.gather [hbm4b:s11+s3], $0x80, v5, vm0, $0xb8;
	[tilespmem:$0x1A300] =	vst v63  }
0x137: {  	_ = 	snop  }
0x138: {  	[tilespmem:s9], [sflag:$0x1] =	stream.indirect_vreg.gather [hbm4b:s12+s3], $0x80, v5, vm0, $0xb8;
	[tilespmem:$0x1A300] =	vst v63  }
0x139: {  	v5 =	vld [tilespmem:$0x2220];
	_ =	sdelay $0x4  }
0x13a: {  	v6 =	vshrl.u32 v5, $0x3  }
0x13b: {  	v6 =	vmul.u32 $0x30, v6  }
0x13c: {  	v5 =	vand.u32 $0x7, v5  }
0x13d: {  	v5 =	vor.u32 v5, v6  }
0x13e: {  	v6 =	vperm.xlane v5, v2;
	_ =	sdelay $0x1  }
0x13f: {  	v6 =	vadd.s32 v3, v6;
	_ =	sdelay $0x3  }
0x140: {  	v5 =	vperm.xlane v5, v4  }
0x141: {  	[tilespmem:s10], [sflag:$0x1] =	stream.indirect_vreg.gather [hbm4b:s2+s3], $0x80, v6, vm0, $0xb8;
	[tilespmem:$0x1A300] =	vst v63  }
0x142: {  	v5 =	vadd.s32 v3, v5  }
0x143: {  	[tilespmem:s13], [sflag:$0x1] =	stream.indirect_vreg.gather [hbm4b:s11+s3], $0x80, v6, vm0, $0xb8;
	[tilespmem:$0x1A300] =	vst v63  }
0x144: {  	_ = 	snop  }
0x145: {  	[tilespmem:s14], [sflag:$0x1] =	stream.indirect_vreg.gather [hbm4b:s12+s3], $0x80, v6, vm0, $0xb8;
	[tilespmem:$0x1A300] =	vst v63  }
0x146: {  	_ = 	snop  }
0x147: {  	[tilespmem:s15], [sflag:$0x1] =	stream.indirect_vreg.gather [hbm4b:s2+s3], $0x80, v5, vm0, $0xb8;
	[tilespmem:$0x1A300] =	vst v63  }
0x148: {  	_ = 	snop  }
0x149: {  	[tilespmem:s16], [sflag:$0x1] =	stream.indirect_vreg.gather [hbm4b:s11+s3], $0x80, v5, vm0, $0xb8;
	[tilespmem:$0x1A300] =	vst v63  }
0x14a: {  	_ = 	snop  }
0x14b: {  	[tilespmem:s17], [sflag:$0x1] =	stream.indirect_vreg.gather [hbm4b:s12+s3], $0x80, v5, vm0, $0xb8;
	[tilespmem:$0x1A300] =	vst v63  }
0x14c: {  	v5 =	vld [tilespmem:$0x2230];
	_ =	sdelay $0x4  }
0x14d: {  	v6 =	vshrl.u32 v5, $0x3  }
0x14e: {  	v6 =	vmul.u32 $0x30, v6  }
0x14f: {  	v5 =	vand.u32 $0x7, v5  }
0x150: {  	v5 =	vor.u32 v5, v6  }
0x151: {  	v6 =	vperm.xlane v5, v2;
	_ =	sdelay $0x1  }
0x152: {  	v6 =	vadd.s32 v3, v6;
	_ =	sdelay $0x3  }
0x153: {  	v5 =	vperm.xlane v5, v4  }
0x154: {  	[tilespmem:s1], [sflag:$0x1] =	stream.indirect_vreg.gather [hbm4b:s2+s3], $0x80, v6, vm0, $0xb8;
	[tilespmem:$0x1A300] =	vst v63  }
0x155: {  	s25 =	simm.s32 $0xBB00;
	v5 =	vadd.s32 v3, v5  }
0x156: {  	[tilespmem:s25], [sflag:$0x1] =	stream.indirect_vreg.gather [hbm4b:s11+s3], $0x80, v6, vm0, $0xb8;
	[tilespmem:$0x1A300] =	vst v63  }
0x157: {  	_ = 	snop  }
0x158: {  	[tilespmem:s20], [sflag:$0x1] =	stream.indirect_vreg.gather [hbm4b:s12+s3], $0x80, v6, vm0, $0xb8;
	[tilespmem:$0x1A300] =	vst v63  }
0x159: {  	_ = 	snop  }
0x15a: {  	[tilespmem:s29], [sflag:$0x1] =	stream.indirect_vreg.gather [hbm4b:s2+s3], $0x80, v5, vm0, $0xb8;
	[tilespmem:$0x1A300] =	vst v63  }
0x15b: {  	s18 =	simm.s32 $0xD300  }
0x15c: {  	[tilespmem:s18], [sflag:$0x1] =	stream.indirect_vreg.gather [hbm4b:s11+s3], $0x80, v5, vm0, $0xb8;
	[tilespmem:$0x1A300] =	vst v63  }
0x15d: {  	s22 =	simm.s32 $0xDB00  }
0x15e: {  	[tilespmem:s22], [sflag:$0x1] =	stream.indirect_vreg.gather [hbm4b:s12+s3], $0x80, v5, vm0, $0xb8;
	[tilespmem:$0x1A300] =	vst v63  }
0x15f: {  	_ =	swait.ge [sflag:s30], $0xC000  }
0x160: {  	[sflag:s30] =	ssyncset.done $0x0  }
0x161: {  	s24 =	rddreg [dreg:$0xd];
	[sflag:s30] =	ssyncadd.s32 $0xFFFF4000  }
0x162: {  	[hbm4b:s24+s3] =	stream.linear.scatter [tilespmem:s31], [sflag:$0x2], $0xC000, $0x38;
	[tilespmem:$0x1A300] =	vst v63  }
0x163: {  	_ =	swait.ge [sflag:s21], $0xC000  }
0x164: {  	[sflag:s21] =	ssyncset.done $0x0  }
0x165: {  	[sflag:s21] =	ssyncadd.s32 $0xFFFF4000  }
0x166: {  	v5 =	vld [tilespmem:$0x2280];
	_ =	sdelay $0x4  }
0x167: {  	v6 =	vshrl.u32 v5, $0x3  }
0x168: {  	v6 =	vmul.u32 $0x30, v6  }
0x169: {  	v5 =	vand.u32 $0x7, v5  }
0x16a: {  	v5 =	vor.u32 v5, v6  }
0x16b: {  	v6 =	vperm.xlane v5, v2;
	_ =	sdelay $0x1  }
0x16c: {  	v6 =	vadd.s32 v3, v6;
	_ =	sdelay $0x3  }
0x16d: {  	v5 =	vperm.xlane v5, v4  }
0x16e: {  	[tilespmem:s0], [sflag:$0x1] =	stream.indirect_vreg.gather [hbm4b:s2+s3], $0x80, v6, vm0, $0xb8;
	[tilespmem:$0x1A300] =	vst v63  }
0x16f: {  	s25 =	simm.s32 $0xEB00;
	v5 =	vadd.s32 v3, v5  }
0x170: {  	[tilespmem:s25], [sflag:$0x1] =	stream.indirect_vreg.gather [hbm4b:s11+s3], $0x80, v6, vm0, $0xb8;
	[tilespmem:$0x1A300] =	vst v63  }
0x171: {  	s18 =	simm.s32 $0xF300  }
0x172: {  	[tilespmem:s18], [sflag:$0x1] =	stream.indirect_vreg.gather [hbm4b:s12+s3], $0x80, v6, vm0, $0xb8;
	[tilespmem:$0x1A300] =	vst v63  }
0x173: {  	s22 =	simm.s32 $0xFB00  }
0x174: {  	[tilespmem:s22], [sflag:$0x1] =	stream.indirect_vreg.gather [hbm4b:s2+s3], $0x80, v5, vm0, $0xb8;
	[tilespmem:$0x1A300] =	vst v63  }
0x175: {  	s24 =	simm.s32 $0x10300  }
0x176: {  	[tilespmem:s24], [sflag:$0x1] =	stream.indirect_vreg.gather [hbm4b:s11+s3], $0x80, v5, vm0, $0xb8;
	[tilespmem:$0x1A300] =	vst v63  }
0x177: {  	s25 =	simm.s32 $0x10B00  }
0x178: {  	[tilespmem:s25], [sflag:$0x1] =	stream.indirect_vreg.gather [hbm4b:s12+s3], $0x80, v5, vm0, $0xb8;
	[tilespmem:$0x1A300] =	vst v63  }
0x179: {  	v5 =	vld [tilespmem:$0x2290];
	_ =	sdelay $0x4  }
0x17a: {  	v6 =	vshrl.u32 v5, $0x3  }
0x17b: {  	v6 =	vmul.u32 $0x30, v6  }
0x17c: {  	v5 =	vand.u32 $0x7, v5  }
0x17d: {  	v5 =	vor.u32 v5, v6  }
0x17e: {  	v6 =	vperm.xlane v5, v2;
	_ =	sdelay $0x1  }
0x17f: {  	v6 =	vadd.s32 v3, v6;
	_ =	sdelay $0x3  }
0x180: {  	s18 =	simm.s32 $0x11300;
	v5 =	vperm.xlane v5, v4  }
0x181: {  	[tilespmem:s18], [sflag:$0x1] =	stream.indirect_vreg.gather [hbm4b:s2+s3], $0x80, v6, vm0, $0xb8;
	[tilespmem:$0x1A300] =	vst v63  }
0x182: {  	s22 =	simm.s32 $0x11B00;
	v5 =	vadd.s32 v3, v5  }
0x183: {  	[tilespmem:s22], [sflag:$0x1] =	stream.indirect_vreg.gather [hbm4b:s11+s3], $0x80, v6, vm0, $0xb8;
	[tilespmem:$0x1A300] =	vst v63  }
0x184: {  	s24 =	simm.s32 $0x12300  }
0x185: {  	[tilespmem:s24], [sflag:$0x1] =	stream.indirect_vreg.gather [hbm4b:s12+s3], $0x80, v6, vm0, $0xb8;
	[tilespmem:$0x1A300] =	vst v63  }
0x186: {  	s25 =	simm.s32 $0x12B00  }
0x187: {  	[tilespmem:s25], [sflag:$0x1] =	stream.indirect_vreg.gather [hbm4b:s2+s3], $0x80, v5, vm0, $0xb8;
	[tilespmem:$0x1A300] =	vst v63  }
0x188: {  	s18 =	simm.s32 $0x13300  }
0x189: {  	[tilespmem:s18], [sflag:$0x1] =	stream.indirect_vreg.gather [hbm4b:s11+s3], $0x80, v5, vm0, $0xb8;
	[tilespmem:$0x1A300] =	vst v63  }
0x18a: {  	s22 =	simm.s32 $0x13B00  }
0x18b: {  	[tilespmem:s22], [sflag:$0x1] =	stream.indirect_vreg.gather [hbm4b:s12+s3], $0x80, v5, vm0, $0xb8;
	[tilespmem:$0x1A300] =	vst v63  }
0x18c: {  	v5 =	vld [tilespmem:$0x22A0];
	_ =	sdelay $0x4  }
0x18d: {  	v6 =	vshrl.u32 v5, $0x3  }
0x18e: {  	v6 =	vmul.u32 $0x30, v6  }
0x18f: {  	v5 =	vand.u32 $0x7, v5  }
0x190: {  	v5 =	vor.u32 v5, v6  }
0x191: {  	v6 =	vperm.xlane v5, v2;
	_ =	sdelay $0x1  }
0x192: {  	v6 =	vadd.s32 v3, v6;
	_ =	sdelay $0x3  }
0x193: {  	s24 =	simm.s32 $0x14300;
	v5 =	vperm.xlane v5, v4  }
0x194: {  	[tilespmem:s24], [sflag:$0x1] =	stream.indirect_vreg.gather [hbm4b:s2+s3], $0x80, v6, vm0, $0xb8;
	[tilespmem:$0x1A300] =	vst v63  }
0x195: {  	s25 =	simm.s32 $0x14B00;
	v5 =	vadd.s32 v3, v5  }
0x196: {  	[tilespmem:s25], [sflag:$0x1] =	stream.indirect_vreg.gather [hbm4b:s11+s3], $0x80, v6, vm0, $0xb8;
	[tilespmem:$0x1A300] =	vst v63  }
0x197: {  	s18 =	simm.s32 $0x15300  }
0x198: {  	[tilespmem:s18], [sflag:$0x1] =	stream.indirect_vreg.gather [hbm4b:s12+s3], $0x80, v6, vm0, $0xb8;
	[tilespmem:$0x1A300] =	vst v63  }
0x199: {  	s22 =	simm.s32 $0x15B00  }
0x19a: {  	[tilespmem:s22], [sflag:$0x1] =	stream.indirect_vreg.gather [hbm4b:s2+s3], $0x80, v5, vm0, $0xb8;
	[tilespmem:$0x1A300] =	vst v63  }
0x19b: {  	s24 =	simm.s32 $0x16300  }
0x19c: {  	[tilespmem:s24], [sflag:$0x1] =	stream.indirect_vreg.gather [hbm4b:s11+s3], $0x80, v5, vm0, $0xb8;
	[tilespmem:$0x1A300] =	vst v63  }
0x19d: {  	s25 =	simm.s32 $0x16B00  }
0x19e: {  	[tilespmem:s25], [sflag:$0x1] =	stream.indirect_vreg.gather [hbm4b:s12+s3], $0x80, v5, vm0, $0xb8;
	[tilespmem:$0x1A300] =	vst v63  }
0x19f: {  	v5 =	vld [tilespmem:$0x22B0];
	_ =	sdelay $0x4  }
0x1a0: {  	v6 =	vshrl.u32 v5, $0x3  }
0x1a1: {  	v6 =	vmul.u32 $0x30, v6  }
0x1a2: {  	v5 =	vand.u32 $0x7, v5  }
0x1a3: {  	v5 =	vor.u32 v5, v6  }
0x1a4: {  	v6 =	vperm.xlane v5, v2;
	_ =	sdelay $0x1  }
0x1a5: {  	v6 =	vadd.s32 v3, v6;
	_ =	sdelay $0x3  }
0x1a6: {  	s18 =	simm.s32 $0x17300;
	v5 =	vperm.xlane v5, v4  }
0x1a7: {  	[tilespmem:s18], [sflag:$0x1] =	stream.indirect_vreg.gather [hbm4b:s2+s3], $0x80, v6, vm0, $0xb8;
	[tilespmem:$0x1A300] =	vst v63  }
0x1a8: {  	s22 =	simm.s32 $0x17B00;
	v5 =	vadd.s32 v3, v5  }
0x1a9: {  	[tilespmem:s22], [sflag:$0x1] =	stream.indirect_vreg.gather [hbm4b:s11+s3], $0x80, v6, vm0, $0xb8;
	[tilespmem:$0x1A300] =	vst v63  }
0x1aa: {  	s24 =	simm.s32 $0x18300  }
0x1ab: {  	[tilespmem:s24], [sflag:$0x1] =	stream.indirect_vreg.gather [hbm4b:s12+s3], $0x80, v6, vm0, $0xb8;
	[tilespmem:$0x1A300] =	vst v63  }
0x1ac: {  	s25 =	simm.s32 $0x18B00  }
0x1ad: {  	[tilespmem:s25], [sflag:$0x1] =	stream.indirect_vreg.gather [hbm4b:s2+s3], $0x80, v5, vm0, $0xb8;
	[tilespmem:$0x1A300] =	vst v63  }
0x1ae: {  	s18 =	simm.s32 $0x19300  }
0x1af: {  	[tilespmem:s18], [sflag:$0x1] =	stream.indirect_vreg.gather [hbm4b:s11+s3], $0x80, v5, vm0, $0xb8;
	[tilespmem:$0x1A300] =	vst v63  }
0x1b0: {  	s22 =	simm.s32 $0x19B00  }
0x1b1: {  	[tilespmem:s22], [sflag:$0x1] =	stream.indirect_vreg.gather [hbm4b:s12+s3], $0x80, v5, vm0, $0xb8;
	[tilespmem:$0x1A300] =	vst v63  }
0x1b2: {  	_ =	swait.ge [sflag:s30], $0xC000  }
0x1b3: {  	[sflag:s30] =	ssyncset.done $0x0  }
0x1b4: {  	s24 =	rddreg [dreg:$0xe];
	[sflag:s30] =	ssyncadd.s32 $0xFFFF4000  }
0x1b5: {  	[hbm4b:s24+s3] =	stream.linear.scatter [tilespmem:s0], [sflag:$0x2], $0xC000, $0x38;
	[tilespmem:$0x1A300] =	vst v63  }
0x1b6: {  	_ =	swait.ge [sflag:s21], $0xC000  }
0x1b7: {  	s19 =	sadd.s32 $0x1, s19;
	s25 =	rddreg [dreg:$0xf]  }
0x1b8: {  	p1 =	sne.s32 s19, s25  }
.Ltmp1:
0x1b9: {  	_ = 	snop;
	(pc) =	sbr.rel @p1 .LBB2_1-.Ltmp1, $3  }
0x1ba: {  	_ =	sdelay $0x1  }
0x1bb: {  	[sflag:s21] =	ssyncset.done $0x0  }
0x1bc: {  	[sflag:s21] =	ssyncadd.s32 $0xFFFF4000  }
0x1bd: {  	_ =	sfence.sel $0x180000  }
0x1be: {  	[bflag:$0x0] =	sbarrier.arrive $0xFFFF  }
0x1bf: {  	_ =	strace $0x90000047  }
0x1c0: {  	s0 =	stileid.u32;
	[bflag:$0x2] =	sbarrier.arrive $0xFFFF  }
0x1c1: {  	p0 =	sne.s32 s0, $0x0;
	s0 =	rddreg [dreg:$0x3]  }
0x1c2: {  	s0 =	sadd.s32 @!p0 $0x100000, s0  }
0x1c3: {  	[sflag:s0] =	ssyncadd.tile.s32 @!p0 $0x1;
	_ =	shalt  }
.Lfunc_end2:
_tile_overlayer_lowered:
.L_overlay_start_2:
0x1c4: {  	(tag) =	ssettag $0x2  }
0x1c5: {  	s0 =	rddreg [dreg:$0x0];
	s2 =	stileid.u32  }
0x1c6: {  	s1 =	rddreg [dreg:$0x1];
	p0 =	sne.s32 s2, $0x0  }
0x1c7: {  	s3 =	rddreg [dreg:$0x2];
	[bflag:$0x3] =	sbarrier.arrive $0xFFFF;
	s2 =	simm.s32 @!p0 $0x1C02  }
0x1c8: {  	[timem:s3], [sflag:s2] =	dma.local @!p0 [hbm:s0], s1  }
0x1c9: {  	s0 =	simm.s32 @!p0 $0x2  }
0x1ca: {  	_ =	swait.ge @!p0 [sflag:s0], s1  }
0x1cb: {  	s1 =	ssub.s32 @!p0 $0x0, s1;
	[sflag:s0] =	ssyncset.done @!p0 $0x0  }
0x1cc: {  	[sflag:s0] =	ssyncadd.s32 @!p0 s1  }
0x1cd: {  	[bflag:$0x3] =	sbarrier.arrive $0xFFFF  }
0x1ce: {  	_ =	shalt  }

</sc_bundles>
